<compile_context>
chip_gen: v7x
topology: tpu7x:2x2x1
jax: 0.10.2.dev20260603
libtpu: 0.0.44.dev20260713+nightly
codegen_flags: <defaults>
</compile_context>

<pallas_src>
import functools

import jax
import jax.numpy as jnp
from jax import lax
from jax.experimental import pallas as pl
from jax.experimental.pallas import tpu as pltpu
import jax.experimental.pallas.tpu_sc as plsc

B = 4
N = 100000
C = 64
NX = 432
NY = 496
CELLS = NY * NX

LANES = 16
NWORK = 32
RANGE = CELLS // 8
PAD = N
TBL = N + LANES
ROWS = 8
CH = ROWS * NY
NCH = NX // ROWS
VPR = NY // LANES
DEPTH = 3
PCH = 4000
NPCH = N // PCH
SENTINEL = 1 << 30



G = N // LANES


def _cells_body(xs_ref, ys_ref, cells_ref):
    x = xs_ref[0]
    y = ys_ref[0]
    xmin = jnp.min(x)
    ymin = jnp.min(y)

    def fdiv(d, hi):
        mod = lax.rem(d, jnp.float32(0.16))
        q = lax.round((d - mod) / jnp.float32(0.16))
        return jnp.clip(q, 0.0, hi).astype(jnp.int32)

    xi = fdiv(x - xmin, 431.0)
    yi = fdiv(y - ymin, 495.0)
    cell = xi * NY + yi

    dup = jnp.zeros(cell.shape, jnp.bool_)
    for s in range(1, LANES):
        shifted = jnp.concatenate(
            [cell[s:, :], jnp.full((s, G), -1, jnp.int32)], axis=0
        )
        rows = lax.broadcasted_iota(jnp.int32, cell.shape, 0) < (LANES - s)
        dup = dup | ((cell == shifted) & rows)
    cells_ref[0] = jnp.where(dup, SENTINEL, cell)


def _compute_cells(xs, ys):
    return pl.pallas_call(
        _cells_body,
        grid=(B,),
        in_specs=[
            pl.BlockSpec((1, LANES, G), lambda b: (b, 0, 0)),
            pl.BlockSpec((1, LANES, G), lambda b: (b, 0, 0)),
        ],
        out_specs=pl.BlockSpec((1, LANES, G), lambda b: (b, 0, 0)),
        out_shape=jax.ShapeDtypeStruct((B, LANES, G), jnp.int32),
    )(xs, ys)


@functools.cache
def _sc_kernels():
    mesh = plsc.VectorSubcoreMesh(core_axis_name="c", subcore_axis_name="s")
    params = pltpu.CompilerParams(needs_layout_passes=False)
    winner_map = pl.kernel(
        _winner_map_body,
        out_type=jax.ShapeDtypeStruct((B * CELLS,), jnp.int32),
        mesh=mesh,
        compiler_params=params,
        scratch_types=[
            pltpu.VMEM((RANGE,), jnp.int32),
            pltpu.VMEM((PCH,), jnp.int32),
        ],
    )
    scatter_planes = pl.kernel(
        _scatter_planes_body,
        out_type=jax.ShapeDtypeStruct((B, C, NX, NY), jnp.float32),
        mesh=mesh,
        compiler_params=params,
        scratch_types=[
            pltpu.VMEM((TBL,), jnp.float32),
            pltpu.VMEM((DEPTH * CH,), jnp.int32),
            pltpu.VMEM((DEPTH, ROWS, NY), jnp.float32),
        ]
        + [pltpu.SemaphoreType.DMA] * (2 * DEPTH + 1),
    )
    return winner_map, scatter_planes


def _winner_map_body(cells_hbm, winner_hbm, win_v, cbuf):
    cid = lax.axis_index("c")
    sid = lax.axis_index("s")
    w = sid * 2 + cid
    b = w // 8
    base = (w % 8) * RANGE

    def init_body(i, carry):
        win_v[pl.ds(i * LANES, LANES)] = jnp.full((LANES,), PAD, jnp.int32)
        return carry

    lax.fori_loop(0, RANGE // LANES, init_body, 0)

    def chunk_body(k, carry):
        pltpu.sync_copy(cells_hbm.at[pl.ds(b * N + k * PCH, PCH)], cbuf)

        def vec_body(v, carry2):
            cells16 = cbuf[pl.ds(v * LANES, LANES)]
            local = cells16 - base
            mask = (local >= 0) & (local < RANGE)
            ivec = lax.iota(jnp.int32, LANES) + (k * PCH + v * LANES)
            plsc.store_scatter(win_v, [local], ivec, mask=mask)
            return carry2

        lax.fori_loop(0, PCH // LANES, vec_body, 0)
        return carry

    lax.fori_loop(0, NPCH, chunk_body, 0)
    pltpu.sync_copy(win_v, winner_hbm.at[pl.ds(b * CELLS + base, RANGE)])


def _scatter_planes_body(
    pf_hbm, winner_hbm, out_hbm, tbl_v, wbuf, obuf, *sems
):
    cid = lax.axis_index("c")
    sid = lax.axis_index("s")
    w = sid * 2 + cid
    wsems = sems[:DEPTH]
    osems = sems[DEPTH:2 * DEPTH]
    tsem = sems[2 * DEPTH]

    def start_w(b, k, slot):
        pltpu.async_copy(
            winner_hbm.at[pl.ds(b * CELLS + k * CH, CH)],
            wbuf.at[pl.ds(slot * CH, CH)],
            wsems[slot],
        )

    def wait_w(slot):
        pltpu.make_async_copy(
            winner_hbm.at[pl.ds(0, CH)], wbuf.at[pl.ds(slot * CH, CH)],
            wsems[slot],
        ).wait()

    def start_o(b, c, k, slot):
        pltpu.async_copy(
            obuf.at[slot], out_hbm.at[b, c, pl.ds(k * ROWS, ROWS), :],
            osems[slot],
        )

    def wait_o(slot):
        pltpu.make_async_copy(
            obuf.at[slot], out_hbm.at[0, 0, pl.ds(0, ROWS), :], osems[slot]
        ).wait()

    def gather_chunk(slot):
        KU = 9

        def row_body(r, carry):
            rbase = slot * CH + r * NY
            prev = None

            def flush(prev_c0, vals, interleave_with=None):
                loads = []
                n = max(len(vals), len(interleave_with or ()))
                for q in range(n):
                    if interleave_with is not None and q < len(interleave_with):
                        loads.append(
                            wbuf[pl.ds(rbase + interleave_with[q], LANES)]
                        )
                    if q < len(vals):
                        obuf[slot, r, pl.ds(prev_c0 + q * LANES, LANES)] = (
                            vals[q]
                        )
                return loads

            for t0 in range(0, VPR, KU):
                nk = min(KU, VPR - t0)
                offs = [(t0 + q) * LANES for q in range(nk)]
                if prev is None:
                    idxs = [wbuf[pl.ds(rbase + o, LANES)] for o in offs]
                else:
                    idxs = flush(prev[0], prev[1], interleave_with=offs)
                prev = (
                    t0 * LANES,
                    [plsc.load_gather(tbl_v, [ix]) for ix in idxs],
                )
            flush(prev[0], prev[1])
            return carry

        lax.fori_loop(0, ROWS, row_body, 0)

    NTAIL = NCH % DEPTH
    NM = NCH // DEPTH

    NPLANES = C * B // NWORK

    def wait_t():
        pltpu.make_async_copy(
            pf_hbm.at[pl.ds(0, N)], tbl_v.at[pl.ds(0, N)], tsem
        ).wait()

    def plane_body(j, carry):
        p = w * 8 + j
        b = p // C
        c = p % C

        @pl.when(j == 0)
        def _():
            pltpu.sync_copy(pf_hbm.at[pl.ds(p * N, N)], tbl_v.at[pl.ds(0, N)])

        @pl.when(j > 0)
        def _():
            wait_t()

        for slot in range(DEPTH):
            start_w(b, slot, slot)

        def ring_body(m, carry2):
            for i in range(DEPTH):
                k = m * DEPTH + i
                wait_w(i)

                @pl.when(m > 0)
                def _():
                    wait_o(i)

                gather_chunk(i)

                @pl.when(k + DEPTH < NCH)
                def _():
                    start_w(b, k + DEPTH, i)

                start_o(b, c, k, i)
            return carry2

        lax.fori_loop(0, NM, ring_body, 0)
        for i in range(NTAIL):
            k = NM * DEPTH + i
            wait_w(i)
            wait_o(i)
            gather_chunk(i)
            start_o(b, c, k, i)

        @pl.when(j + 1 < NPLANES)
        def _():
            pltpu.async_copy(
                pf_hbm.at[pl.ds((p + 1) * N, N)], tbl_v.at[pl.ds(0, N)], tsem
            )

        for i in range(DEPTH):
            wait_o(i)
        return carry

    tbl_v[pl.ds(N, LANES)] = jnp.zeros((LANES,), jnp.float32)
    lax.fori_loop(0, NPLANES, plane_body, 0)


def kernel(point_feature, voxel_coords, points):
    del voxel_coords
    xs = points[:, 1].reshape(B, G, LANES).transpose(0, 2, 1)
    ys = points[:, 2].reshape(B, G, LANES).transpose(0, 2, 1)
    winner_map, scatter_planes = _sc_kernels()
    cells = _compute_cells(xs, ys).transpose(0, 2, 1).reshape(B * N)
    winner = winner_map(cells)
    out_t = scatter_planes(point_feature.reshape(B * C * N), winner)
    return out_t.transpose(0, 1, 3, 2)

# --- scband reference (transcript-rebuilt; emitter-appended) ---
"""Pipeline reference for scband-point-pillar-scatter-34806414967241 (READ-ONLY COPY).

The authoritative reference and input builder live on the scoring server;
editing this copy changes nothing except your own understanding.
"""

import jax, jax.numpy as jnp
import numpy as np

B = 4
N = 100000  # points per batch element
C = 64      # NUM_BEV_FEATURES
NX = 432
NY = 496


def setup_inputs(seed: int = 0) -> dict:
    key = jax.random.key(seed)
    k1, k2, k3, k4, k5 = jax.random.split(key, 5)
    point_feature = jax.random.normal(k1, (B, C, N), dtype=jnp.float32)
    bidx = jnp.repeat(jnp.arange(B), N)
    # lidar points: col0 = batch index, col1 = x in [0, 69.12), col2 = y in [0, 79.36), col3 = intensity
    x = jax.random.uniform(k2, (B * N,), dtype=jnp.float32) * 69.12
    y = jax.random.uniform(k3, (B * N,), dtype=jnp.float32) * 79.36
    inten = jax.random.uniform(k4, (B * N,), dtype=jnp.float32)
    points = jnp.stack([bidx.astype(jnp.float32), x, y, inten], axis=1)
    voxel_coords = jnp.concatenate(
        [bidx[:, None], jax.random.randint(k5, (B * N, 3), 0, 432)], axis=1
    ).astype(jnp.int64)
    return {"point_feature": point_feature, "voxel_coords": voxel_coords, "points": points}


def reference(point_feature, voxel_coords, points):
    # Faithful translation of PointPillarScatter.forward (plotting side-effects omitted).
    batch_size_traced = voxel_coords[:, 0].max() + 1
    batch_size = point_feature.shape[0]
    num_bev_features = point_feature.shape[1]
    nz = 1
    n_per_batch = points.shape[0] // batch_size
    batch_spatial_features = []
    for batch_idx in range(batch_size):
        this_point_feature = point_feature[batch_idx]
        this_lidar = points[batch_idx * n_per_batch:(batch_idx + 1) * n_per_batch]
        x = this_lidar[:, 1]
        y = this_lidar[:, 2]
        x_idx = jnp.floor_divide(x - x.min(), 0.16)
        y_idx = jnp.floor_divide(y - y.min(), 0.16)
        x_idx = jnp.clip(x_idx, 0, 431).astype(jnp.int64)
        y_idx = jnp.clip(y_idx, 0, 495).astype(jnp.int64)
        spatial_feature = jnp.zeros((nz * num_bev_features, NY, NX), dtype=this_point_feature.dtype)
        spatial_feature = spatial_feature.at[:, y_idx, x_idx].set(this_point_feature)
        batch_spatial_features.append(spatial_feature)
    out = jnp.stack(batch_spatial_features, 0)
    return out + (batch_size_traced * 0).astype(out.dtype)

if __name__ == "__main__":
    import jax
    _d = setup_inputs()
    print(jax.jit(kernel)(*tuple(_d.values())))

</pallas_src>

<mosaic_0001>
#map = affine_map<(d0, d1) -> (0)>
#map1 = affine_map<(d0, d1) -> (0, 0, 0, 0)>
module attributes {stable_mosaic.version = 14 : i64} {
  func.func @_scatter_planes_body(%arg0: i32, %arg1: i32, %arg2: memref<25600000xf32, #tpu.memory_space<hbm>>, %arg3: memref<857088xi32, #tpu.memory_space<hbm>>, %arg4: memref<4x64x432x496xf32, #tpu.memory_space<hbm>>, %arg5: memref<100016xf32, #tpu.memory_space<vmem>>, %arg6: memref<11904xi32, #tpu.memory_space<vmem>>, %arg7: memref<3x8x496xf32, #tpu.memory_space<vmem>>, %arg8: memref<!tpu.dma_semaphore, #tpu.memory_space<semaphore_mem>>, %arg9: memref<!tpu.dma_semaphore, #tpu.memory_space<semaphore_mem>>, %arg10: memref<!tpu.dma_semaphore, #tpu.memory_space<semaphore_mem>>, %arg11: memref<!tpu.dma_semaphore, #tpu.memory_space<semaphore_mem>>, %arg12: memref<!tpu.dma_semaphore, #tpu.memory_space<semaphore_mem>>, %arg13: memref<!tpu.dma_semaphore, #tpu.memory_space<semaphore_mem>>, %arg14: memref<!tpu.dma_semaphore, #tpu.memory_space<semaphore_mem>>) attributes {dimension_semantics = [#tpu.dimension_semantics<core_parallel>, #tpu.dimension_semantics<subcore_parallel>], iteration_bounds = array<i64: 2, 16>, scalar_prefetch = 0 : i64, scratch_operands = 10 : i64, tpu.core_type = #tpu.core_type<sc_vector_subcore>, window_params = [{transform_indices = #map}, {transform_indices = #map}, {transform_indices = #map1}]} {
    %mul3A = arith.constant 2 : i32
    %mul3A_0 = arith.muli %arg1, %mul3A : i32
    %add3A = arith.addi %mul3A_0, %arg0 : i32
    %broadcast_in_dim3A = arith.constant 0.000000e+00 : f32
    %broadcast_in_dim3A_1 = vector.broadcast %broadcast_in_dim3A : f32 to vector<16xf32>
    %swap3A = arith.constant 100000 : index
    %swap3A_2 = tpu.vector_load %arg5[%swap3A] {strides = array<i32>} : memref<100016xf32, #tpu.memory_space<vmem>>, vector<16xf32>,
    tpu.vector_store %arg5[%swap3A], %broadcast_in_dim3A_1 {strides = array<i32>} : memref<100016xf32, #tpu.memory_space<vmem>>, vector<16xf32>,
    %scan3A = arith.constant 0 : i32
    %scan3A_3 = arith.constant 0 : i32
    %scan3A_4 = arith.constant 8 : i32
    %scan3A_5 = arith.addi %scan3A_3, %scan3A_4 : i32
    %scan3A_6 = arith.constant 1 : i32
    scf.for %scan3A_8 = %scan3A_3 to %scan3A_5 step %scan3A_6  : i32 {
      %mul3A_9 = arith.constant 8 : i32
      %mul3A_10 = arith.muli %add3A, %mul3A_9 : i32
      %add3A_11 = arith.addi %mul3A_10, %scan3A_8 : i32
      %jit3A = arith.constant 64 : i32
      %div3A = arith.divsi %add3A_11, %jit3A : i32
      %sign3A = arith.constant 0 : i32
      %sign3A_12 = arith.cmpi sgt, %add3A_11, %sign3A : i32
      %sign3A_13 = arith.extui %sign3A_12 : i1 to i32
      %sign3A_14 = arith.constant 0 : i32
      %sign3A_15 = arith.cmpi slt, %add3A_11, %sign3A_14 : i32
      %sign3A_16 = arith.extui %sign3A_15 : i1 to i32
      %sign3A_17 = arith.subi %sign3A_13, %sign3A_16 : i32
      %sign3A_18 = arith.constant 0 : i32
      %sign3A_19 = arith.cmpi sgt, %jit3A, %sign3A_18 : i32
      %sign3A_20 = arith.extui %sign3A_19 : i1 to i32
      %sign3A_21 = arith.constant 0 : i32
      %sign3A_22 = arith.cmpi slt, %jit3A, %sign3A_21 : i32
      %sign3A_23 = arith.extui %sign3A_22 : i1 to i32
      %sign3A_24 = arith.subi %sign3A_20, %sign3A_23 : i32
      %ne3A = arith.cmpi ne, %sign3A_17, %sign3A_24 : i32
      %rem3A = arith.remsi %add3A_11, %jit3A : i32
      %ne3A_25 = arith.constant 0 : i32
      %ne3A_26 = arith.cmpi ne, %rem3A, %ne3A_25 : i32
      %and3A = arith.andi %ne3A, %ne3A_26 : i1
      %sub3A = arith.constant 1 : i32
      %sub3A_27 = arith.subi %div3A, %sub3A : i32
      %select_n3A = arith.select %and3A, %sub3A_27, %div3A : i32
      %jit3A_28 = arith.constant 64 : i32
      %eq3A = arith.constant 0 : i32
      %eq3A_29 = arith.cmpi eq, %jit3A_28, %eq3A : i32
      %jit3A_30 = arith.constant 1 : i32
      %select_n3A_31 = arith.select %eq3A_29, %jit3A_30, %jit3A_28 : i32
      %rem3A_32 = arith.remsi %add3A_11, %select_n3A_31 : i32
      %ne3A_33 = arith.constant 0 : i32
      %ne3A_34 = arith.cmpi ne, %rem3A_32, %ne3A_33 : i32
      %lt3A = arith.constant 0 : i32
      %lt3A_35 = arith.cmpi slt, %rem3A_32, %lt3A : i32
      %lt3A_36 = arith.constant 0 : i32
      %lt3A_37 = arith.cmpi slt, %select_n3A_31, %lt3A_36 : i32
      %ne3A_38 = arith.xori %lt3A_35, %lt3A_37 : i1
      %and3A_39 = arith.andi %ne3A_38, %ne3A_34 : i1
      %add3A_40 = arith.addi %rem3A_32, %select_n3A_31 : i32
      %select_n3A_41 = arith.select %and3A_39, %add3A_40, %rem3A_32 : i32
      %eq3A_42 = arith.constant 0 : i32
      %eq3A_43 = arith.cmpi eq, %scan3A_8, %eq3A_42 : i32
      %convert_element_type3A = arith.extui %eq3A_43 : i1 to i32
      %cond3A = arith.constant 0 : i32
      %cond3A_44 = arith.cmpi ne, %convert_element_type3A, %cond3A : i32
      scf.if %cond3A_44 {
        %mul3A_147 = arith.constant 100000 : i32
        %mul3A_148 = arith.muli %add3A_11, %mul3A_147 : i32
        "tpu.region"() ({
          %run_scoped3A = tpu.sem_alloc : memref<!tpu.dma_semaphore, #tpu.memory_space<semaphore_mem>>
          %dma_start3A_149 = arith.constant 0 : i32
          %dma_start3A_150 = tpu.memref_slice %arg5[%dma_start3A_149] : memref<100016xf32, #tpu.memory_space<vmem>> -> memref<100000xf32, #tpu.memory_space<vmem>>
          %dma_start3A_151 = tpu.memref_slice %arg2[%mul3A_148] : memref<25600000xf32, #tpu.memory_space<hbm>> -> memref<100000xf32, #tpu.memory_space<hbm>>
          %dma_start3A_152 = arith.constant 0 : i32
          %dma_start3A_153 = tpu.memref_slice %arg5[%dma_start3A_152] : memref<100016xf32, #tpu.memory_space<vmem>> -> memref<100000xf32, #tpu.memory_space<vmem>>
          %dma_start3A_154 = tpu.memref_slice %arg2[%mul3A_148] : memref<25600000xf32, #tpu.memory_space<hbm>> -> memref<100000xf32, #tpu.memory_space<hbm>>
          tpu.enqueue_dma source(%dma_start3A_154 : memref<100000xf32, #tpu.memory_space<hbm>>) target(%dma_start3A_153 : memref<100000xf32, #tpu.memory_space<vmem>>) target_semaphore(%run_scoped3A : memref<!tpu.dma_semaphore, #tpu.memory_space<semaphore_mem>>)
          %dma_wait3A_155 = arith.constant 0 : i32
          %dma_wait3A_156 = tpu.memref_slice %arg5[%dma_wait3A_155] : memref<100016xf32, #tpu.memory_space<vmem>> -> memref<100000xf32, #tpu.memory_space<vmem>>
          %dma_wait3A_157 = tpu.memref_slice %arg2[%mul3A_148] : memref<25600000xf32, #tpu.memory_space<hbm>> -> memref<100000xf32, #tpu.memory_space<hbm>>
          %dma_wait3A_158 = arith.constant 0 : i32
          %dma_wait3A_159 = tpu.memref_slice %arg5[%dma_wait3A_158] : memref<100016xf32, #tpu.memory_space<vmem>> -> memref<100000xf32, #tpu.memory_space<vmem>>
          %dma_wait3A_160 = tpu.memref_slice %arg2[%mul3A_148] : memref<25600000xf32, #tpu.memory_space<hbm>> -> memref<100000xf32, #tpu.memory_space<hbm>>
          tpu.wait_dma2 semaphore(%run_scoped3A : memref<!tpu.dma_semaphore, #tpu.memory_space<semaphore_mem>>) src(%dma_wait3A_160 : memref<100000xf32, #tpu.memory_space<hbm>>) dst(%dma_wait3A_159 : memref<100000xf32, #tpu.memory_space<vmem>>)
          tpu.yield
        }) : () -> ()
      } else {
      }
      %gt3A = arith.constant 0 : i32
      %gt3A_45 = arith.cmpi sgt, %scan3A_8, %gt3A : i32
      %convert_element_type3A_46 = arith.extui %gt3A_45 : i1 to i32
      %cond3A_47 = arith.constant 0 : i32
      %cond3A_48 = arith.cmpi ne, %convert_element_type3A_46, %cond3A_47 : i32
      scf.if %cond3A_48 {
        %dma_wait3A_147 = arith.constant 0 : i32
        %dma_wait3A_148 = tpu.memref_slice %arg5[%dma_wait3A_147] : memref<100016xf32, #tpu.memory_space<vmem>> -> memref<100000xf32, #tpu.memory_space<vmem>>
        %dma_wait3A_149 = arith.constant 0 : i32
        %dma_wait3A_150 = tpu.memref_slice %arg2[%dma_wait3A_149] : memref<25600000xf32, #tpu.memory_space<hbm>> -> memref<100000xf32, #tpu.memory_space<hbm>>
        %dma_wait3A_151 = arith.constant 0 : i32
        %dma_wait3A_152 = tpu.memref_slice %arg5[%dma_wait3A_151] : memref<100016xf32, #tpu.memory_space<vmem>> -> memref<100000xf32, #tpu.memory_space<vmem>>
        %dma_wait3A_153 = arith.constant 0 : i32
        %dma_wait3A_154 = tpu.memref_slice %arg2[%dma_wait3A_153] : memref<25600000xf32, #tpu.memory_space<hbm>> -> memref<100000xf32, #tpu.memory_space<hbm>>
        tpu.wait_dma2 semaphore(%arg14 : memref<!tpu.dma_semaphore, #tpu.memory_space<semaphore_mem>>) src(%dma_wait3A_154 : memref<100000xf32, #tpu.memory_space<hbm>>) dst(%dma_wait3A_152 : memref<100000xf32, #tpu.memory_space<vmem>>)
      } else {
      }
      %mul3A_49 = arith.constant 214272 : i32
      %mul3A_50 = arith.muli %select_n3A, %mul3A_49 : i32
      %add3A_51 = arith.constant 0 : i32
      %add3A_52 = arith.addi %mul3A_50, %add3A_51 : i32
      %dma_start3A = arith.constant 0 : i32
      %dma_start3A_53 = tpu.memref_slice %arg6[%dma_start3A] : memref<11904xi32, #tpu.memory_space<vmem>> -> memref<3968xi32, #tpu.memory_space<vmem>>
      %dma_start3A_54 = tpu.memref_slice %arg3[%add3A_52] : memref<857088xi32, #tpu.memory_space<hbm>> -> memref<3968xi32, #tpu.memory_space<hbm>>
      %dma_start3A_55 = arith.constant 0 : i32
      %dma_start3A_56 = tpu.memref_slice %arg6[%dma_start3A_55] : memref<11904xi32, #tpu.memory_space<vmem>> -> memref<3968xi32, #tpu.memory_space<vmem>>
      %dma_start3A_57 = tpu.memref_slice %arg3[%add3A_52] : memref<857088xi32, #tpu.memory_space<hbm>> -> memref<3968xi32, #tpu.memory_space<hbm>>
      tpu.enqueue_dma source(%dma_start3A_57 : memref<3968xi32, #tpu.memory_space<hbm>>) target(%dma_start3A_56 : memref<3968xi32, #tpu.memory_space<vmem>>) target_semaphore(%arg8 : memref<!tpu.dma_semaphore, #tpu.memory_space<semaphore_mem>>)
      %mul3A_58 = arith.constant 214272 : i32
      %mul3A_59 = arith.muli %select_n3A, %mul3A_58 : i32
      %add3A_60 = arith.constant 3968 : i32
      %add3A_61 = arith.addi %mul3A_59, %add3A_60 : i32
      %dma_start3A_62 = arith.constant 3968 : i32
      %dma_start3A_63 = tpu.memref_slice %arg6[%dma_start3A_62] : memref<11904xi32, #tpu.memory_space<vmem>> -> memref<3968xi32, #tpu.memory_space<vmem>>
      %dma_start3A_64 = tpu.memref_slice %arg3[%add3A_61] : memref<857088xi32, #tpu.memory_space<hbm>> -> memref<3968xi32, #tpu.memory_space<hbm>>
      %dma_start3A_65 = arith.constant 3968 : i32
      %dma_start3A_66 = tpu.memref_slice %arg6[%dma_start3A_65] : memref<11904xi32, #tpu.memory_space<vmem>> -> memref<3968xi32, #tpu.memory_space<vmem>>
      %dma_start3A_67 = tpu.memref_slice %arg3[%add3A_61] : memref<857088xi32, #tpu.memory_space<hbm>> -> memref<3968xi32, #tpu.memory_space<hbm>>
      tpu.enqueue_dma source(%dma_start3A_67 : memref<3968xi32, #tpu.memory_space<hbm>>) target(%dma_start3A_66 : memref<3968xi32, #tpu.memory_space<vmem>>) target_semaphore(%arg9 : memref<!tpu.dma_semaphore, #tpu.memory_space<semaphore_mem>>)
      %mul3A_68 = arith.constant 214272 : i32
      %mul3A_69 = arith.muli %select_n3A, %mul3A_68 : i32
      %add3A_70 = arith.constant 7936 : i32
      %add3A_71 = arith.addi %mul3A_69, %add3A_70 : i32
      %dma_start3A_72 = arith.constant 7936 : i32
      %dma_start3A_73 = tpu.memref_slice %arg6[%dma_start3A_72] : memref<11904xi32, #tpu.memory_space<vmem>> -> memref<3968xi32, #tpu.memory_space<vmem>>
      %dma_start3A_74 = tpu.memref_slice %arg3[%add3A_71] : memref<857088xi32, #tpu.memory_space<hbm>> -> memref<3968xi32, #tpu.memory_space<hbm>>
      %dma_start3A_75 = arith.constant 7936 : i32
      %dma_start3A_76 = tpu.memref_slice %arg6[%dma_start3A_75] : memref<11904xi32, #tpu.memory_space<vmem>> -> memref<3968xi32, #tpu.memory_space<vmem>>
      %dma_start3A_77 = tpu.memref_slice %arg3[%add3A_71] : memref<857088xi32, #tpu.memory_space<hbm>> -> memref<3968xi32, #tpu.memory_space<hbm>>
      tpu.enqueue_dma source(%dma_start3A_77 : memref<3968xi32, #tpu.memory_space<hbm>>) target(%dma_start3A_76 : memref<3968xi32, #tpu.memory_space<vmem>>) target_semaphore(%arg10 : memref<!tpu.dma_semaphore, #tpu.memory_space<semaphore_mem>>)
      %scan3A_78 = arith.constant 0 : i32
      %scan3A_79 = arith.constant 0 : i32
      %scan3A_80 = arith.constant 18 : i32
      %scan3A_81 = arith.addi %scan3A_79, %scan3A_80 : i32
      %scan3A_82 = arith.constant 1 : i32
      scf.for %scan3A_147 = %scan3A_79 to %scan3A_81 step %scan3A_82  : i32 {
        %mul3A_148 = arith.constant 3 : i32
        %mul3A_149 = arith.muli %scan3A_147, %mul3A_148 : i32
        %add3A_150 = arith.constant 0 : i32
        %add3A_151 = arith.addi %mul3A_149, %add3A_150 : i32
        %dma_wait3A_152 = arith.constant 0 : i32
        %dma_wait3A_153 = tpu.memref_slice %arg6[%dma_wait3A_152] : memref<11904xi32, #tpu.memory_space<vmem>> -> memref<3968xi32, #tpu.memory_space<vmem>>
        %dma_wait3A_154 = arith.constant 0 : i32
        %dma_wait3A_155 = tpu.memref_slice %arg3[%dma_wait3A_154] : memref<857088xi32, #tpu.memory_space<hbm>> -> memref<3968xi32, #tpu.memory_space<hbm>>
        %dma_wait3A_156 = arith.constant 0 : i32
        %dma_wait3A_157 = tpu.memref_slice %arg6[%dma_wait3A_156] : memref<11904xi32, #tpu.memory_space<vmem>> -> memref<3968xi32, #tpu.memory_space<vmem>>
        %dma_wait3A_158 = arith.constant 0 : i32
        %dma_wait3A_159 = tpu.memref_slice %arg3[%dma_wait3A_158] : memref<857088xi32, #tpu.memory_space<hbm>> -> memref<3968xi32, #tpu.memory_space<hbm>>
        tpu.wait_dma2 semaphore(%arg8 : memref<!tpu.dma_semaphore, #tpu.memory_space<semaphore_mem>>) src(%dma_wait3A_159 : memref<3968xi32, #tpu.memory_space<hbm>>) dst(%dma_wait3A_157 : memref<3968xi32, #tpu.memory_space<vmem>>)
        %gt3A_160 = arith.constant 0 : i32
        %gt3A_161 = arith.cmpi sgt, %scan3A_147, %gt3A_160 : i32
        %convert_element_type3A_162 = arith.extui %gt3A_161 : i1 to i32
        %cond3A_163 = arith.constant 0 : i32
        %cond3A_164 = arith.cmpi ne, %convert_element_type3A_162, %cond3A_163 : i32
        scf.if %cond3A_164 {
          %dma_wait3A_289 = arith.constant 0 : i32
          %dma_wait3A_290 = arith.constant 0 : i32
          %dma_wait3A_291 = arith.constant 0 : i32
          %dma_wait3A_292 = arith.constant 0 : i32
          %dma_wait3A_293 = arith.constant 0 : i32
          %dma_wait3A_294 = tpu.memref_slice %arg7[%dma_wait3A_289, %dma_wait3A_292, %dma_wait3A_293] : memref<3x8x496xf32, #tpu.memory_space<vmem>> -> memref<1x8x496xf32, #tpu.memory_space<vmem>>
          %dma_wait3A_295 = tpu.memref_squeeze %dma_wait3A_294 : memref<1x8x496xf32, #tpu.memory_space<vmem>> -> memref<8x496xf32, #tpu.memory_space<vmem>>
          %dma_wait3A_296 = arith.constant 0 : i32
          %dma_wait3A_297 = arith.constant 0 : i32
          %dma_wait3A_298 = tpu.memref_slice %arg4[%dma_wait3A_290, %dma_wait3A_291, %dma_wait3A_296, %dma_wait3A_297] : memref<4x64x432x496xf32, #tpu.memory_space<hbm>> -> memref<1x1x8x496xf32, #tpu.memory_space<hbm>>
          %dma_wait3A_299 = tpu.memref_squeeze %dma_wait3A_298 : memref<1x1x8x496xf32, #tpu.memory_space<hbm>> -> memref<8x496xf32, #tpu.memory_space<hbm>>
          %dma_wait3A_300 = arith.constant 0 : i32
          %dma_wait3A_301 = arith.constant 0 : i32
          %dma_wait3A_302 = tpu.memref_slice %arg4[%dma_wait3A_290, %dma_wait3A_291, %dma_wait3A_300, %dma_wait3A_301] : memref<4x64x432x496xf32, #tpu.memory_space<hbm>> -> memref<1x1x8x496xf32, #tpu.memory_space<hbm>>
          %dma_wait3A_303 = tpu.memref_squeeze %dma_wait3A_302 : memref<1x1x8x496xf32, #tpu.memory_space<hbm>> -> memref<8x496xf32, #tpu.memory_space<hbm>>
          %dma_wait3A_304 = arith.constant 0 : i32
          %dma_wait3A_305 = arith.constant 0 : i32
          %dma_wait3A_306 = tpu.memref_slice %arg7[%dma_wait3A_289, %dma_wait3A_304, %dma_wait3A_305] : memref<3x8x496xf32, #tpu.memory_space<vmem>> -> memref<1x8x496xf32, #tpu.memory_space<vmem>>
          %dma_wait3A_307 = tpu.memref_squeeze %dma_wait3A_306 : memref<1x8x496xf32, #tpu.memory_space<vmem>> -> memref<8x496xf32, #tpu.memory_space<vmem>>
          tpu.wait_dma2 semaphore(%arg11 : memref<!tpu.dma_semaphore, #tpu.memory_space<semaphore_mem>>) src(%dma_wait3A_307 : memref<8x496xf32, #tpu.memory_space<vmem>>) dst(%dma_wait3A_303 : memref<8x496xf32, #tpu.memory_space<hbm>>)
        } else {
        }
        %scan3A_165 = arith.constant 0 : i32
        %scan3A_166 = arith.constant 0 : i32
        %scan3A_167 = arith.constant 8 : i32
        %scan3A_168 = arith.addi %scan3A_166, %scan3A_167 : i32
        %scan3A_169 = arith.constant 1 : i32
        scf.for %scan3A_289 = %scan3A_166 to %scan3A_168 step %scan3A_169  : i32 {
          %mul3A_290 = arith.constant 496 : i32
          %mul3A_291 = arith.muli %scan3A_289, %mul3A_290 : i32
          %add3A_292 = arith.constant 0 : i32
          %add3A_293 = arith.addi %add3A_292, %mul3A_291 : i32
          %add3A_294 = arith.constant 0 : i32
          %add3A_295 = arith.addi %add3A_293, %add3A_294 : i32
          %get3A = arith.index_cast %add3A_295 : i32 to index
          %get3A_296 = tpu.vector_load %arg6[%get3A] {strides = array<i32>} : memref<11904xi32, #tpu.memory_space<vmem>>, vector<16xi32>,
          %add3A_297 = arith.constant 16 : i32
          %add3A_298 = arith.addi %add3A_293, %add3A_297 : i32
          %get3A_299 = arith.index_cast %add3A_298 : i32 to index
          %get3A_300 = tpu.vector_load %arg6[%get3A_299] {strides = array<i32>} : memref<11904xi32, #tpu.memory_space<vmem>>, vector<16xi32>,
          %add3A_301 = arith.constant 32 : i32
          %add3A_302 = arith.addi %add3A_293, %add3A_301 : i32
          %get3A_303 = arith.index_cast %add3A_302 : i32 to index
          %get3A_304 = tpu.vector_load %arg6[%get3A_303] {strides = array<i32>} : memref<11904xi32, #tpu.memory_space<vmem>>, vector<16xi32>,
          %add3A_305 = arith.constant 48 : i32
          %add3A_306 = arith.addi %add3A_293, %add3A_305 : i32
          %get3A_307 = arith.index_cast %add3A_306 : i32 to index
          %get3A_308 = tpu.vector_load %arg6[%get3A_307] {strides = array<i32>} : memref<11904xi32, #tpu.memory_space<vmem>>, vector<16xi32>,
          %add3A_309 = arith.constant 64 : i32
          %add3A_310 = arith.addi %add3A_293, %add3A_309 : i32
          %get3A_311 = arith.index_cast %add3A_310 : i32 to index
          %get3A_312 = tpu.vector_load %arg6[%get3A_311] {strides = array<i32>} : memref<11904xi32, #tpu.memory_space<vmem>>, vector<16xi32>,
          %add3A_313 = arith.constant 80 : i32
          %add3A_314 = arith.addi %add3A_293, %add3A_313 : i32
          %get3A_315 = arith.index_cast %add3A_314 : i32 to index
          %get3A_316 = tpu.vector_load %arg6[%get3A_315] {strides = array<i32>} : memref<11904xi32, #tpu.memory_space<vmem>>, vector<16xi32>,
          %add3A_317 = arith.constant 96 : i32
          %add3A_318 = arith.addi %add3A_293, %add3A_317 : i32
          %get3A_319 = arith.index_cast %add3A_318 : i32 to index
          %get3A_320 = tpu.vector_load %arg6[%get3A_319] {strides = array<i32>} : memref<11904xi32, #tpu.memory_space<vmem>>, vector<16xi32>,
          %add3A_321 = arith.constant 112 : i32
          %add3A_322 = arith.addi %add3A_293, %add3A_321 : i32
          %get3A_323 = arith.index_cast %add3A_322 : i32 to index
          %get3A_324 = tpu.vector_load %arg6[%get3A_323] {strides = array<i32>} : memref<11904xi32, #tpu.memory_space<vmem>>, vector<16xi32>,
          %add3A_325 = arith.constant 128 : i32
          %add3A_326 = arith.addi %add3A_293, %add3A_325 : i32
          %get3A_327 = arith.index_cast %add3A_326 : i32 to index
          %get3A_328 = tpu.vector_load %arg6[%get3A_327] {strides = array<i32>} : memref<11904xi32, #tpu.memory_space<vmem>>, vector<16xi32>,
          %gather3A = tpu.vector_load_idx %arg5[%get3A_296] : memref<100016xf32, #tpu.memory_space<vmem>>[vector<16xi32>], vector<16xf32>,
          %gather3A_329 = tpu.vector_load_idx %arg5[%get3A_300] : memref<100016xf32, #tpu.memory_space<vmem>>[vector<16xi32>], vector<16xf32>,
          %gather3A_330 = tpu.vector_load_idx %arg5[%get3A_304] : memref<100016xf32, #tpu.memory_space<vmem>>[vector<16xi32>], vector<16xf32>,
          %gather3A_331 = tpu.vector_load_idx %arg5[%get3A_308] : memref<100016xf32, #tpu.memory_space<vmem>>[vector<16xi32>], vector<16xf32>,
          %gather3A_332 = tpu.vector_load_idx %arg5[%get3A_312] : memref<100016xf32, #tpu.memory_space<vmem>>[vector<16xi32>], vector<16xf32>,
          %gather3A_333 = tpu.vector_load_idx %arg5[%get3A_316] : memref<100016xf32, #tpu.memory_space<vmem>>[vector<16xi32>], vector<16xf32>,
          %gather3A_334 = tpu.vector_load_idx %arg5[%get3A_320] : memref<100016xf32, #tpu.memory_space<vmem>>[vector<16xi32>], vector<16xf32>,
          %gather3A_335 = tpu.vector_load_idx %arg5[%get3A_324] : memref<100016xf32, #tpu.memory_space<vmem>>[vector<16xi32>], vector<16xf32>,
          %gather3A_336 = tpu.vector_load_idx %arg5[%get3A_328] : memref<100016xf32, #tpu.memory_space<vmem>>[vector<16xi32>], vector<16xf32>,
          %add3A_337 = arith.constant 144 : i32
          %add3A_338 = arith.addi %add3A_293, %add3A_337 : i32
          %get3A_339 = arith.index_cast %add3A_338 : i32 to index
          %get3A_340 = tpu.vector_load %arg6[%get3A_339] {strides = array<i32>} : memref<11904xi32, #tpu.memory_space<vmem>>, vector<16xi32>,
          %swap3A_341 = arith.constant 0 : i32
          %swap3A_342 = arith.index_cast %swap3A_341 : i32 to index
          %swap3A_343 = arith.index_cast %scan3A_289 : i32 to index
          %swap3A_344 = arith.constant 0 : index
          %swap3A_345 = tpu.vector_load %arg7[%swap3A_342, %swap3A_343, %swap3A_344] {strides = array<i32>} : memref<3x8x496xf32, #tpu.memory_space<vmem>>, vector<16xf32>,
          tpu.vector_store %arg7[%swap3A_342, %swap3A_343, %swap3A_344], %gather3A {strides = array<i32>} : memref<3x8x496xf32, #tpu.memory_space<vmem>>, vector<16xf32>,
          %add3A_346 = arith.constant 160 : i32
          %add3A_347 = arith.addi %add3A_293, %add3A_346 : i32
          %get3A_348 = arith.index_cast %add3A_347 : i32 to index
          %get3A_349 = tpu.vector_load %arg6[%get3A_348] {strides = array<i32>} : memref<11904xi32, #tpu.memory_space<vmem>>, vector<16xi32>,
          %swap3A_350 = arith.constant 0 : i32
          %swap3A_351 = arith.index_cast %swap3A_350 : i32 to index
          %swap3A_352 = arith.index_cast %scan3A_289 : i32 to index
          %swap3A_353 = arith.constant 16 : index
          %swap3A_354 = tpu.vector_load %arg7[%swap3A_351, %swap3A_352, %swap3A_353] {strides = array<i32>} : memref<3x8x496xf32, #tpu.memory_space<vmem>>, vector<16xf32>,
          tpu.vector_store %arg7[%swap3A_351, %swap3A_352, %swap3A_353], %gather3A_329 {strides = array<i32>} : memref<3x8x496xf32, #tpu.memory_space<vmem>>, vector<16xf32>,
          %add3A_355 = arith.constant 176 : i32
          %add3A_356 = arith.addi %add3A_293, %add3A_355 : i32
          %get3A_357 = arith.index_cast %add3A_356 : i32 to index
          %get3A_358 = tpu.vector_load %arg6[%get3A_357] {strides = array<i32>} : memref<11904xi32, #tpu.memory_space<vmem>>, vector<16xi32>,
          %swap3A_359 = arith.constant 0 : i32
          %swap3A_360 = arith.index_cast %swap3A_359 : i32 to index
          %swap3A_361 = arith.index_cast %scan3A_289 : i32 to index
          %swap3A_362 = arith.constant 32 : index
          %swap3A_363 = tpu.vector_load %arg7[%swap3A_360, %swap3A_361, %swap3A_362] {strides = array<i32>} : memref<3x8x496xf32, #tpu.memory_space<vmem>>, vector<16xf32>,
          tpu.vector_store %arg7[%swap3A_360, %swap3A_361, %swap3A_362], %gather3A_330 {strides = array<i32>} : memref<3x8x496xf32, #tpu.memory_space<vmem>>, vector<16xf32>,
          %add3A_364 = arith.constant 192 : i32
          %add3A_365 = arith.addi %add3A_293, %add3A_364 : i32
          %get3A_366 = arith.index_cast %add3A_365 : i32 to index
          %get3A_367 = tpu.vector_load %arg6[%get3A_366] {strides = array<i32>} : memref<11904xi32, #tpu.memory_space<vmem>>, vector<16xi32>,
          %swap3A_368 = arith.constant 0 : i32
          %swap3A_369 = arith.index_cast %swap3A_368 : i32 to index
          %swap3A_370 = arith.index_cast %scan3A_289 : i32 to index
          %swap3A_371 = arith.constant 48 : index
          %swap3A_372 = tpu.vector_load %arg7[%swap3A_369, %swap3A_370, %swap3A_371] {strides = array<i32>} : memref<3x8x496xf32, #tpu.memory_space<vmem>>, vector<16xf32>,
          tpu.vector_store %arg7[%swap3A_369, %swap3A_370, %swap3A_371], %gather3A_331 {strides = array<i32>} : memref<3x8x496xf32, #tpu.memory_space<vmem>>, vector<16xf32>,
          %add3A_373 = arith.constant 208 : i32
          %add3A_374 = arith.addi %add3A_293, %add3A_373 : i32
          %get3A_375 = arith.index_cast %add3A_374 : i32 to index
          %get3A_376 = tpu.vector_load %arg6[%get3A_375] {strides = array<i32>} : memref<11904xi32, #tpu.memory_space<vmem>>, vector<16xi32>,
          %swap3A_377 = arith.constant 0 : i32
          %swap3A_378 = arith.index_cast %swap3A_377 : i32 to index
          %swap3A_379 = arith.index_cast %scan3A_289 : i32 to index
          %swap3A_380 = arith.constant 64 : index
          %swap3A_381 = tpu.vector_load %arg7[%swap3A_378, %swap3A_379, %swap3A_380] {strides = array<i32>} : memref<3x8x496xf32, #tpu.memory_space<vmem>>, vector<16xf32>,
          tpu.vector_store %arg7[%swap3A_378, %swap3A_379, %swap3A_380], %gather3A_332 {strides = array<i32>} : memref<3x8x496xf32, #tpu.memory_space<vmem>>, vector<16xf32>,
          %add3A_382 = arith.constant 224 : i32
          %add3A_383 = arith.addi %add3A_293, %add3A_382 : i32
          %get3A_384 = arith.index_cast %add3A_383 : i32 to index
          %get3A_385 = tpu.vector_load %arg6[%get3A_384] {strides = array<i32>} : memref<11904xi32, #tpu.memory_space<vmem>>, vector<16xi32>,
          %swap3A_386 = arith.constant 0 : i32
          %swap3A_387 = arith.index_cast %swap3A_386 : i32 to index
          %swap3A_388 = arith.index_cast %scan3A_289 : i32 to index
          %swap3A_389 = arith.constant 80 : index
          %swap3A_390 = tpu.vector_load %arg7[%swap3A_387, %swap3A_388, %swap3A_389] {strides = array<i32>} : memref<3x8x496xf32, #tpu.memory_space<vmem>>, vector<16xf32>,
          tpu.vector_store %arg7[%swap3A_387, %swap3A_388, %swap3A_389], %gather3A_333 {strides = array<i32>} : memref<3x8x496xf32, #tpu.memory_space<vmem>>, vector<16xf32>,
          %add3A_391 = arith.constant 240 : i32
          %add3A_392 = arith.addi %add3A_293, %add3A_391 : i32
          %get3A_393 = arith.index_cast %add3A_392 : i32 to index
          %get3A_394 = tpu.vector_load %arg6[%get3A_393] {strides = array<i32>} : memref<11904xi32, #tpu.memory_space<vmem>>, vector<16xi32>,
          %swap3A_395 = arith.constant 0 : i32
          %swap3A_396 = arith.index_cast %swap3A_395 : i32 to index
          %swap3A_397 = arith.index_cast %scan3A_289 : i32 to index
          %swap3A_398 = arith.constant 96 : index
          %swap3A_399 = tpu.vector_load %arg7[%swap3A_396, %swap3A_397, %swap3A_398] {strides = array<i32>} : memref<3x8x496xf32, #tpu.memory_space<vmem>>, vector<16xf32>,
          tpu.vector_store %arg7[%swap3A_396, %swap3A_397, %swap3A_398], %gather3A_334 {strides = array<i32>} : memref<3x8x496xf32, #tpu.memory_space<vmem>>, vector<16xf32>,
          %add3A_400 = arith.constant 256 : i32
          %add3A_401 = arith.addi %add3A_293, %add3A_400 : i32
          %get3A_402 = arith.index_cast %add3A_401 : i32 to index
          %get3A_403 = tpu.vector_load %arg6[%get3A_402] {strides = array<i32>} : memref<11904xi32, #tpu.memory_space<vmem>>, vector<16xi32>,
          %swap3A_404 = arith.constant 0 : i32
          %swap3A_405 = arith.index_cast %swap3A_404 : i32 to index
          %swap3A_406 = arith.index_cast %scan3A_289 : i32 to index
          %swap3A_407 = arith.constant 112 : index
          %swap3A_408 = tpu.vector_load %arg7[%swap3A_405, %swap3A_406, %swap3A_407] {strides = array<i32>} : memref<3x8x496xf32, #tpu.memory_space<vmem>>, vector<16xf32>,
          tpu.vector_store %arg7[%swap3A_405, %swap3A_406, %swap3A_407], %gather3A_335 {strides = array<i32>} : memref<3x8x496xf32, #tpu.memory_space<vmem>>, vector<16xf32>,
          %add3A_409 = arith.constant 272 : i32
          %add3A_410 = arith.addi %add3A_293, %add3A_409 : i32
          %get3A_411 = arith.index_cast %add3A_410 : i32 to index
          %get3A_412 = tpu.vector_load %arg6[%get3A_411] {strides = array<i32>} : memref<11904xi32, #tpu.memory_space<vmem>>, vector<16xi32>,
          %swap3A_413 = arith.constant 0 : i32
          %swap3A_414 = arith.index_cast %swap3A_413 : i32 to index
          %swap3A_415 = arith.index_cast %scan3A_289 : i32 to index
          %swap3A_416 = arith.constant 128 : index
          %swap3A_417 = tpu.vector_load %arg7[%swap3A_414, %swap3A_415, %swap3A_416] {strides = array<i32>} : memref<3x8x496xf32, #tpu.memory_space<vmem>>, vector<16xf32>,
          tpu.vector_store %arg7[%swap3A_414, %swap3A_415, %swap3A_416], %gather3A_336 {strides = array<i32>} : memref<3x8x496xf32, #tpu.memory_space<vmem>>, vector<16xf32>,
          %gather3A_418 = tpu.vector_load_idx %arg5[%get3A_340] : memref<100016xf32, #tpu.memory_space<vmem>>[vector<16xi32>], vector<16xf32>,
          %gather3A_419 = tpu.vector_load_idx %arg5[%get3A_349] : memref<100016xf32, #tpu.memory_space<vmem>>[vector<16xi32>], vector<16xf32>,
          %gather3A_420 = tpu.vector_load_idx %arg5[%get3A_358] : memref<100016xf32, #tpu.memory_space<vmem>>[vector<16xi32>], vector<16xf32>,
          %gather3A_421 = tpu.vector_load_idx %arg5[%get3A_367] : memref<100016xf32, #tpu.memory_space<vmem>>[vector<16xi32>], vector<16xf32>,
          %gather3A_422 = tpu.vector_load_idx %arg5[%get3A_376] : memref<100016xf32, #tpu.memory_space<vmem>>[vector<16xi32>], vector<16xf32>,
          %gather3A_423 = tpu.vector_load_idx %arg5[%get3A_385] : memref<100016xf32, #tpu.memory_space<vmem>>[vector<16xi32>], vector<16xf32>,
          %gather3A_424 = tpu.vector_load_idx %arg5[%get3A_394] : memref<100016xf32, #tpu.memory_space<vmem>>[vector<16xi32>], vector<16xf32>,
          %gather3A_425 = tpu.vector_load_idx %arg5[%get3A_403] : memref<100016xf32, #tpu.memory_space<vmem>>[vector<16xi32>], vector<16xf32>,
          %gather3A_426 = tpu.vector_load_idx %arg5[%get3A_412] : memref<100016xf32, #tpu.memory_space<vmem>>[vector<16xi32>], vector<16xf32>,
          %add3A_427 = arith.constant 288 : i32
          %add3A_428 = arith.addi %add3A_293, %add3A_427 : i32
          %get3A_429 = arith.index_cast %add3A_428 : i32 to index
          %get3A_430 = tpu.vector_load %arg6[%get3A_429] {strides = array<i32>} : memref<11904xi32, #tpu.memory_space<vmem>>, vector<16xi32>,
          %swap3A_431 = arith.constant 0 : i32
          %swap3A_432 = arith.index_cast %swap3A_431 : i32 to index
          %swap3A_433 = arith.index_cast %scan3A_289 : i32 to index
          %swap3A_434 = arith.constant 144 : index
          %swap3A_435 = tpu.vector_load %arg7[%swap3A_432, %swap3A_433, %swap3A_434] {strides = array<i32>} : memref<3x8x496xf32, #tpu.memory_space<vmem>>, vector<16xf32>,
          tpu.vector_store %arg7[%swap3A_432, %swap3A_433, %swap3A_434], %gather3A_418 {strides = array<i32>} : memref<3x8x496xf32, #tpu.memory_space<vmem>>, vector<16xf32>,
          %add3A_436 = arith.constant 304 : i32
          %add3A_437 = arith.addi %add3A_293, %add3A_436 : i32
          %get3A_438 = arith.index_cast %add3A_437 : i32 to index
          %get3A_439 = tpu.vector_load %arg6[%get3A_438] {strides = array<i32>} : memref<11904xi32, #tpu.memory_space<vmem>>, vector<16xi32>,
          %swap3A_440 = arith.constant 0 : i32
          %swap3A_441 = arith.index_cast %swap3A_440 : i32 to index
          %swap3A_442 = arith.index_cast %scan3A_289 : i32 to index
          %swap3A_443 = arith.constant 160 : index
          %swap3A_444 = tpu.vector_load %arg7[%swap3A_441, %swap3A_442, %swap3A_443] {strides = array<i32>} : memref<3x8x496xf32, #tpu.memory_space<vmem>>, vector<16xf32>,
          tpu.vector_store %arg7[%swap3A_441, %swap3A_442, %swap3A_443], %gather3A_419 {strides = array<i32>} : memref<3x8x496xf32, #tpu.memory_space<vmem>>, vector<16xf32>,
          %add3A_445 = arith.constant 320 : i32
          %add3A_446 = arith.addi %add3A_293, %add3A_445 : i32
          %get3A_447 = arith.index_cast %add3A_446 : i32 to index
          %get3A_448 = tpu.vector_load %arg6[%get3A_447] {strides = array<i32>} : memref<11904xi32, #tpu.memory_space<vmem>>, vector<16xi32>,
          %swap3A_449 = arith.constant 0 : i32
          %swap3A_450 = arith.index_cast %swap3A_449 : i32 to index
          %swap3A_451 = arith.index_cast %scan3A_289 : i32 to index
          %swap3A_452 = arith.constant 176 : index
          %swap3A_453 = tpu.vector_load %arg7[%swap3A_450, %swap3A_451, %swap3A_452] {strides = array<i32>} : memref<3x8x496xf32, #tpu.memory_space<vmem>>, vector<16xf32>,
          tpu.vector_store %arg7[%swap3A_450, %swap3A_451, %swap3A_452], %gather3A_420 {strides = array<i32>} : memref<3x8x496xf32, #tpu.memory_space<vmem>>, vector<16xf32>,
          %add3A_454 = arith.constant 336 : i32
          %add3A_455 = arith.addi %add3A_293, %add3A_454 : i32
          %get3A_456 = arith.index_cast %add3A_455 : i32 to index
          %get3A_457 = tpu.vector_load %arg6[%get3A_456] {strides = array<i32>} : memref<11904xi32, #tpu.memory_space<vmem>>, vector<16xi32>,
          %swap3A_458 = arith.constant 0 : i32
          %swap3A_459 = arith.index_cast %swap3A_458 : i32 to index
          %swap3A_460 = arith.index_cast %scan3A_289 : i32 to index
          %swap3A_461 = arith.constant 192 : index
          %swap3A_462 = tpu.vector_load %arg7[%swap3A_459, %swap3A_460, %swap3A_461] {strides = array<i32>} : memref<3x8x496xf32, #tpu.memory_space<vmem>>, vector<16xf32>,
          tpu.vector_store %arg7[%swap3A_459, %swap3A_460, %swap3A_461], %gather3A_421 {strides = array<i32>} : memref<3x8x496xf32, #tpu.memory_space<vmem>>, vector<16xf32>,
          %add3A_463 = arith.constant 352 : i32
          %add3A_464 = arith.addi %add3A_293, %add3A_463 : i32
          %get3A_465 = arith.index_cast %add3A_464 : i32 to index
          %get3A_466 = tpu.vector_load %arg6[%get3A_465] {strides = array<i32>} : memref<11904xi32, #tpu.memory_space<vmem>>, vector<16xi32>,
          %swap3A_467 = arith.constant 0 : i32
          %swap3A_468 = arith.index_cast %swap3A_467 : i32 to index
          %swap3A_469 = arith.index_cast %scan3A_289 : i32 to index
          %swap3A_470 = arith.constant 208 : index
          %swap3A_471 = tpu.vector_load %arg7[%swap3A_468, %swap3A_469, %swap3A_470] {strides = array<i32>} : memref<3x8x496xf32, #tpu.memory_space<vmem>>, vector<16xf32>,
          tpu.vector_store %arg7[%swap3A_468, %swap3A_469, %swap3A_470], %gather3A_422 {strides = array<i32>} : memref<3x8x496xf32, #tpu.memory_space<vmem>>, vector<16xf32>,
          %add3A_472 = arith.constant 368 : i32
          %add3A_473 = arith.addi %add3A_293, %add3A_472 : i32
          %get3A_474 = arith.index_cast %add3A_473 : i32 to index
          %get3A_475 = tpu.vector_load %arg6[%get3A_474] {strides = array<i32>} : memref<11904xi32, #tpu.memory_space<vmem>>, vector<16xi32>,
          %swap3A_476 = arith.constant 0 : i32
          %swap3A_477 = arith.index_cast %swap3A_476 : i32 to index
          %swap3A_478 = arith.index_cast %scan3A_289 : i32 to index
          %swap3A_479 = arith.constant 224 : index
          %swap3A_480 = tpu.vector_load %arg7[%swap3A_477, %swap3A_478, %swap3A_479] {strides = array<i32>} : memref<3x8x496xf32, #tpu.memory_space<vmem>>, vector<16xf32>,
          tpu.vector_store %arg7[%swap3A_477, %swap3A_478, %swap3A_479], %gather3A_423 {strides = array<i32>} : memref<3x8x496xf32, #tpu.memory_space<vmem>>, vector<16xf32>,
          %add3A_481 = arith.constant 384 : i32
          %add3A_482 = arith.addi %add3A_293, %add3A_481 : i32
          %get3A_483 = arith.index_cast %add3A_482 : i32 to index
          %get3A_484 = tpu.vector_load %arg6[%get3A_483] {strides = array<i32>} : memref<11904xi32, #tpu.memory_space<vmem>>, vector<16xi32>,
          %swap3A_485 = arith.constant 0 : i32
          %swap3A_486 = arith.index_cast %swap3A_485 : i32 to index
          %swap3A_487 = arith.index_cast %scan3A_289 : i32 to index
          %swap3A_488 = arith.constant 240 : index
          %swap3A_489 = tpu.vector_load %arg7[%swap3A_486, %swap3A_487, %swap3A_488] {strides = array<i32>} : memref<3x8x496xf32, #tpu.memory_space<vmem>>, vector<16xf32>,
          tpu.vector_store %arg7[%swap3A_486, %swap3A_487, %swap3A_488], %gather3A_424 {strides = array<i32>} : memref<3x8x496xf32, #tpu.memory_space<vmem>>, vector<16xf32>,
          %add3A_490 = arith.constant 400 : i32
          %add3A_491 = arith.addi %add3A_293, %add3A_490 : i32
          %get3A_492 = arith.index_cast %add3A_491 : i32 to index
          %get3A_493 = tpu.vector_load %arg6[%get3A_492] {strides = array<i32>} : memref<11904xi32, #tpu.memory_space<vmem>>, vector<16xi32>,
          %swap3A_494 = arith.constant 0 : i32
          %swap3A_495 = arith.index_cast %swap3A_494 : i32 to index
          %swap3A_496 = arith.index_cast %scan3A_289 : i32 to index
          %swap3A_497 = arith.constant 256 : index
          %swap3A_498 = tpu.vector_load %arg7[%swap3A_495, %swap3A_496, %swap3A_497] {strides = array<i32>} : memref<3x8x496xf32, #tpu.memory_space<vmem>>, vector<16xf32>,
          tpu.vector_store %arg7[%swap3A_495, %swap3A_496, %swap3A_497], %gather3A_425 {strides = array<i32>} : memref<3x8x496xf32, #tpu.memory_space<vmem>>, vector<16xf32>,
          %add3A_499 = arith.constant 416 : i32
          %add3A_500 = arith.addi %add3A_293, %add3A_499 : i32
          %get3A_501 = arith.index_cast %add3A_500 : i32 to index
          %get3A_502 = tpu.vector_load %arg6[%get3A_501] {strides = array<i32>} : memref<11904xi32, #tpu.memory_space<vmem>>, vector<16xi32>,
          %swap3A_503 = arith.constant 0 : i32
          %swap3A_504 = arith.index_cast %swap3A_503 : i32 to index
          %swap3A_505 = arith.index_cast %scan3A_289 : i32 to index
          %swap3A_506 = arith.constant 272 : index
          %swap3A_507 = tpu.vector_load %arg7[%swap3A_504, %swap3A_505, %swap3A_506] {strides = array<i32>} : memref<3x8x496xf32, #tpu.memory_space<vmem>>, vector<16xf32>,
          tpu.vector_store %arg7[%swap3A_504, %swap3A_505, %swap3A_506], %gather3A_426 {strides = array<i32>} : memref<3x8x496xf32, #tpu.memory_space<vmem>>, vector<16xf32>,
          %gather3A_508 = tpu.vector_load_idx %arg5[%get3A_430] : memref<100016xf32, #tpu.memory_space<vmem>>[vector<16xi32>], vector<16xf32>,
          %gather3A_509 = tpu.vector_load_idx %arg5[%get3A_439] : memref<100016xf32, #tpu.memory_space<vmem>>[vector<16xi32>], vector<16xf32>,
          %gather3A_510 = tpu.vector_load_idx %arg5[%get3A_448] : memref<100016xf32, #tpu.memory_space<vmem>>[vector<16xi32>], vector<16xf32>,
          %gather3A_511 = tpu.vector_load_idx %arg5[%get3A_457] : memref<100016xf32, #tpu.memory_space<vmem>>[vector<16xi32>], vector<16xf32>,
          %gather3A_512 = tpu.vector_load_idx %arg5[%get3A_466] : memref<100016xf32, #tpu.memory_space<vmem>>[vector<16xi32>], vector<16xf32>,
          %gather3A_513 = tpu.vector_load_idx %arg5[%get3A_475] : memref<100016xf32, #tpu.memory_space<vmem>>[vector<16xi32>], vector<16xf32>,
          %gather3A_514 = tpu.vector_load_idx %arg5[%get3A_484] : memref<100016xf32, #tpu.memory_space<vmem>>[vector<16xi32>], vector<16xf32>,
          %gather3A_515 = tpu.vector_load_idx %arg5[%get3A_493] : memref<100016xf32, #tpu.memory_space<vmem>>[vector<16xi32>], vector<16xf32>,
          %gather3A_516 = tpu.vector_load_idx %arg5[%get3A_502] : memref<100016xf32, #tpu.memory_space<vmem>>[vector<16xi32>], vector<16xf32>,
          %add3A_517 = arith.constant 432 : i32
          %add3A_518 = arith.addi %add3A_293, %add3A_517 : i32
          %get3A_519 = arith.index_cast %add3A_518 : i32 to index
          %get3A_520 = tpu.vector_load %arg6[%get3A_519] {strides = array<i32>} : memref<11904xi32, #tpu.memory_space<vmem>>, vector<16xi32>,
          %swap3A_521 = arith.constant 0 : i32
          %swap3A_522 = arith.index_cast %swap3A_521 : i32 to index
          %swap3A_523 = arith.index_cast %scan3A_289 : i32 to index
          %swap3A_524 = arith.constant 288 : index
          %swap3A_525 = tpu.vector_load %arg7[%swap3A_522, %swap3A_523, %swap3A_524] {strides = array<i32>} : memref<3x8x496xf32, #tpu.memory_space<vmem>>, vector<16xf32>,
          tpu.vector_store %arg7[%swap3A_522, %swap3A_523, %swap3A_524], %gather3A_508 {strides = array<i32>} : memref<3x8x496xf32, #tpu.memory_space<vmem>>, vector<16xf32>,
          %add3A_526 = arith.constant 448 : i32
          %add3A_527 = arith.addi %add3A_293, %add3A_526 : i32
          %get3A_528 = arith.index_cast %add3A_527 : i32 to index
          %get3A_529 = tpu.vector_load %arg6[%get3A_528] {strides = array<i32>} : memref<11904xi32, #tpu.memory_space<vmem>>, vector<16xi32>,
          %swap3A_530 = arith.constant 0 : i32
          %swap3A_531 = arith.index_cast %swap3A_530 : i32 to index
          %swap3A_532 = arith.index_cast %scan3A_289 : i32 to index
          %swap3A_533 = arith.constant 304 : index
          %swap3A_534 = tpu.vector_load %arg7[%swap3A_531, %swap3A_532, %swap3A_533] {strides = array<i32>} : memref<3x8x496xf32, #tpu.memory_space<vmem>>, vector<16xf32>,
          tpu.vector_store %arg7[%swap3A_531, %swap3A_532, %swap3A_533], %gather3A_509 {strides = array<i32>} : memref<3x8x496xf32, #tpu.memory_space<vmem>>, vector<16xf32>,
          %add3A_535 = arith.constant 464 : i32
          %add3A_536 = arith.addi %add3A_293, %add3A_535 : i32
          %get3A_537 = arith.index_cast %add3A_536 : i32 to index
          %get3A_538 = tpu.vector_load %arg6[%get3A_537] {strides = array<i32>} : memref<11904xi32, #tpu.memory_space<vmem>>, vector<16xi32>,
          %swap3A_539 = arith.constant 0 : i32
          %swap3A_540 = arith.index_cast %swap3A_539 : i32 to index
          %swap3A_541 = arith.index_cast %scan3A_289 : i32 to index
          %swap3A_542 = arith.constant 320 : index
          %swap3A_543 = tpu.vector_load %arg7[%swap3A_540, %swap3A_541, %swap3A_542] {strides = array<i32>} : memref<3x8x496xf32, #tpu.memory_space<vmem>>, vector<16xf32>,
          tpu.vector_store %arg7[%swap3A_540, %swap3A_541, %swap3A_542], %gather3A_510 {strides = array<i32>} : memref<3x8x496xf32, #tpu.memory_space<vmem>>, vector<16xf32>,
          %add3A_544 = arith.constant 480 : i32
          %add3A_545 = arith.addi %add3A_293, %add3A_544 : i32
          %get3A_546 = arith.index_cast %add3A_545 : i32 to index
          %get3A_547 = tpu.vector_load %arg6[%get3A_546] {strides = array<i32>} : memref<11904xi32, #tpu.memory_space<vmem>>, vector<16xi32>,
          %swap3A_548 = arith.constant 0 : i32
          %swap3A_549 = arith.index_cast %swap3A_548 : i32 to index
          %swap3A_550 = arith.index_cast %scan3A_289 : i32 to index
          %swap3A_551 = arith.constant 336 : index
          %swap3A_552 = tpu.vector_load %arg7[%swap3A_549, %swap3A_550, %swap3A_551] {strides = array<i32>} : memref<3x8x496xf32, #tpu.memory_space<vmem>>, vector<16xf32>,
          tpu.vector_store %arg7[%swap3A_549, %swap3A_550, %swap3A_551], %gather3A_511 {strides = array<i32>} : memref<3x8x496xf32, #tpu.memory_space<vmem>>, vector<16xf32>,
          %swap3A_553 = arith.constant 0 : i32
          %swap3A_554 = arith.index_cast %swap3A_553 : i32 to index
          %swap3A_555 = arith.index_cast %scan3A_289 : i32 to index
          %swap3A_556 = arith.constant 352 : index
          %swap3A_557 = tpu.vector_load %arg7[%swap3A_554, %swap3A_555, %swap3A_556] {strides = array<i32>} : memref<3x8x496xf32, #tpu.memory_space<vmem>>, vector<16xf32>,
          tpu.vector_store %arg7[%swap3A_554, %swap3A_555, %swap3A_556], %gather3A_512 {strides = array<i32>} : memref<3x8x496xf32, #tpu.memory_space<vmem>>, vector<16xf32>,
          %swap3A_558 = arith.constant 0 : i32
          %swap3A_559 = arith.index_cast %swap3A_558 : i32 to index
          %swap3A_560 = arith.index_cast %scan3A_289 : i32 to index
          %swap3A_561 = arith.constant 368 : index
          %swap3A_562 = tpu.vector_load %arg7[%swap3A_559, %swap3A_560, %swap3A_561] {strides = array<i32>} : memref<3x8x496xf32, #tpu.memory_space<vmem>>, vector<16xf32>,
          tpu.vector_store %arg7[%swap3A_559, %swap3A_560, %swap3A_561], %gather3A_513 {strides = array<i32>} : memref<3x8x496xf32, #tpu.memory_space<vmem>>, vector<16xf32>,
          %swap3A_563 = arith.constant 0 : i32
          %swap3A_564 = arith.index_cast %swap3A_563 : i32 to index
          %swap3A_565 = arith.index_cast %scan3A_289 : i32 to index
          %swap3A_566 = arith.constant 384 : index
          %swap3A_567 = tpu.vector_load %arg7[%swap3A_564, %swap3A_565, %swap3A_566] {strides = array<i32>} : memref<3x8x496xf32, #tpu.memory_space<vmem>>, vector<16xf32>,
          tpu.vector_store %arg7[%swap3A_564, %swap3A_565, %swap3A_566], %gather3A_514 {strides = array<i32>} : memref<3x8x496xf32, #tpu.memory_space<vmem>>, vector<16xf32>,
          %swap3A_568 = arith.constant 0 : i32
          %swap3A_569 = arith.index_cast %swap3A_568 : i32 to index
          %swap3A_570 = arith.index_cast %scan3A_289 : i32 to index
          %swap3A_571 = arith.constant 400 : index
          %swap3A_572 = tpu.vector_load %arg7[%swap3A_569, %swap3A_570, %swap3A_571] {strides = array<i32>} : memref<3x8x496xf32, #tpu.memory_space<vmem>>, vector<16xf32>,
          tpu.vector_store %arg7[%swap3A_569, %swap3A_570, %swap3A_571], %gather3A_515 {strides = array<i32>} : memref<3x8x496xf32, #tpu.memory_space<vmem>>, vector<16xf32>,
          %swap3A_573 = arith.constant 0 : i32
          %swap3A_574 = arith.index_cast %swap3A_573 : i32 to index
          %swap3A_575 = arith.index_cast %scan3A_289 : i32 to index
          %swap3A_576 = arith.constant 416 : index
          %swap3A_577 = tpu.vector_load %arg7[%swap3A_574, %swap3A_575, %swap3A_576] {strides = array<i32>} : memref<3x8x496xf32, #tpu.memory_space<vmem>>, vector<16xf32>,
          tpu.vector_store %arg7[%swap3A_574, %swap3A_575, %swap3A_576], %gather3A_516 {strides = array<i32>} : memref<3x8x496xf32, #tpu.memory_space<vmem>>, vector<16xf32>,
          %gather3A_578 = tpu.vector_load_idx %arg5[%get3A_520] : memref<100016xf32, #tpu.memory_space<vmem>>[vector<16xi32>], vector<16xf32>,
          %gather3A_579 = tpu.vector_load_idx %arg5[%get3A_529] : memref<100016xf32, #tpu.memory_space<vmem>>[vector<16xi32>], vector<16xf32>,
          %gather3A_580 = tpu.vector_load_idx %arg5[%get3A_538] : memref<100016xf32, #tpu.memory_space<vmem>>[vector<16xi32>], vector<16xf32>,
          %gather3A_581 = tpu.vector_load_idx %arg5[%get3A_547] : memref<100016xf32, #tpu.memory_space<vmem>>[vector<16xi32>], vector<16xf32>,
          %swap3A_582 = arith.constant 0 : i32
          %swap3A_583 = arith.index_cast %swap3A_582 : i32 to index
          %swap3A_584 = arith.index_cast %scan3A_289 : i32 to index
          %swap3A_585 = arith.constant 432 : index
          %swap3A_586 = tpu.vector_load %arg7[%swap3A_583, %swap3A_584, %swap3A_585] {strides = array<i32>} : memref<3x8x496xf32, #tpu.memory_space<vmem>>, vector<16xf32>,
          tpu.vector_store %arg7[%swap3A_583, %swap3A_584, %swap3A_585], %gather3A_578 {strides = array<i32>} : memref<3x8x496xf32, #tpu.memory_space<vmem>>, vector<16xf32>,
          %swap3A_587 = arith.constant 0 : i32
          %swap3A_588 = arith.index_cast %swap3A_587 : i32 to index
          %swap3A_589 = arith.index_cast %scan3A_289 : i32 to index
          %swap3A_590 = arith.constant 448 : index
          %swap3A_591 = tpu.vector_load %arg7[%swap3A_588, %swap3A_589, %swap3A_590] {strides = array<i32>} : memref<3x8x496xf32, #tpu.memory_space<vmem>>, vector<16xf32>,
          tpu.vector_store %arg7[%swap3A_588, %swap3A_589, %swap3A_590], %gather3A_579 {strides = array<i32>} : memref<3x8x496xf32, #tpu.memory_space<vmem>>, vector<16xf32>,
          %swap3A_592 = arith.constant 0 : i32
          %swap3A_593 = arith.index_cast %swap3A_592 : i32 to index
          %swap3A_594 = arith.index_cast %scan3A_289 : i32 to index
          %swap3A_595 = arith.constant 464 : index
          %swap3A_596 = tpu.vector_load %arg7[%swap3A_593, %swap3A_594, %swap3A_595] {strides = array<i32>} : memref<3x8x496xf32, #tpu.memory_space<vmem>>, vector<16xf32>,
          tpu.vector_store %arg7[%swap3A_593, %swap3A_594, %swap3A_595], %gather3A_580 {strides = array<i32>} : memref<3x8x496xf32, #tpu.memory_space<vmem>>, vector<16xf32>,
          %swap3A_597 = arith.constant 0 : i32
          %swap3A_598 = arith.index_cast %swap3A_597 : i32 to index
          %swap3A_599 = arith.index_cast %scan3A_289 : i32 to index
          %swap3A_600 = arith.constant 480 : index
          %swap3A_601 = tpu.vector_load %arg7[%swap3A_598, %swap3A_599, %swap3A_600] {strides = array<i32>} : memref<3x8x496xf32, #tpu.memory_space<vmem>>, vector<16xf32>,
          tpu.vector_store %arg7[%swap3A_598, %swap3A_599, %swap3A_600], %gather3A_581 {strides = array<i32>} : memref<3x8x496xf32, #tpu.memory_space<vmem>>, vector<16xf32>,
        }
        %scan3A_170 = arith.constant 8 : i32
        %add3A_171 = arith.constant 3 : i32
        %add3A_172 = arith.addi %add3A_151, %add3A_171 : i32
        %lt3A_173 = arith.constant 54 : i32
        %lt3A_174 = arith.cmpi slt, %add3A_172, %lt3A_173 : i32
        %convert_element_type3A_175 = arith.extui %lt3A_174 : i1 to i32
        %cond3A_176 = arith.constant 0 : i32
        %cond3A_177 = arith.cmpi ne, %convert_element_type3A_175, %cond3A_176 : i32
        scf.if %cond3A_177 {
          %add3A_289 = arith.constant 3 : i32
          %add3A_290 = arith.addi %add3A_151, %add3A_289 : i32
          %mul3A_291 = arith.constant 214272 : i32
          %mul3A_292 = arith.muli %select_n3A, %mul3A_291 : i32
          %mul3A_293 = arith.constant 3968 : i32
          %mul3A_294 = arith.muli %add3A_290, %mul3A_293 : i32
          %add3A_295 = arith.addi %mul3A_292, %mul3A_294 : i32
          %dma_start3A_296 = arith.constant 0 : i32
          %dma_start3A_297 = tpu.memref_slice %arg6[%dma_start3A_296] : memref<11904xi32, #tpu.memory_space<vmem>> -> memref<3968xi32, #tpu.memory_space<vmem>>
          %dma_start3A_298 = tpu.memref_slice %arg3[%add3A_295] : memref<857088xi32, #tpu.memory_space<hbm>> -> memref<3968xi32, #tpu.memory_space<hbm>>
          %dma_start3A_299 = arith.constant 0 : i32
          %dma_start3A_300 = tpu.memref_slice %arg6[%dma_start3A_299] : memref<11904xi32, #tpu.memory_space<vmem>> -> memref<3968xi32, #tpu.memory_space<vmem>>
          %dma_start3A_301 = tpu.memref_slice %arg3[%add3A_295] : memref<857088xi32, #tpu.memory_space<hbm>> -> memref<3968xi32, #tpu.memory_space<hbm>>
          tpu.enqueue_dma source(%dma_start3A_301 : memref<3968xi32, #tpu.memory_space<hbm>>) target(%dma_start3A_300 : memref<3968xi32, #tpu.memory_space<vmem>>) target_semaphore(%arg8 : memref<!tpu.dma_semaphore, #tpu.memory_space<semaphore_mem>>)
        } else {
        }
        %mul3A_178 = arith.constant 8 : i32
        %mul3A_179 = arith.muli %add3A_151, %mul3A_178 : i32
        %dma_start3A_180 = arith.constant 0 : i32
        %dma_start3A_181 = arith.constant 0 : i32
        %dma_start3A_182 = arith.constant 0 : i32
        %dma_start3A_183 = tpu.memref_slice %arg7[%dma_start3A_180, %dma_start3A_181, %dma_start3A_182] : memref<3x8x496xf32, #tpu.memory_space<vmem>> -> memref<1x8x496xf32, #tpu.memory_space<vmem>>
        %dma_start3A_184 = tpu.memref_squeeze %dma_start3A_183 : memref<1x8x496xf32, #tpu.memory_space<vmem>> -> memref<8x496xf32, #tpu.memory_space<vmem>>
        %dma_start3A_185 = arith.constant 0 : i32
        %dma_start3A_186 = tpu.memref_slice %arg4[%select_n3A, %select_n3A_41, %mul3A_179, %dma_start3A_185] : memref<4x64x432x496xf32, #tpu.memory_space<hbm>> -> memref<1x1x8x496xf32, #tpu.memory_space<hbm>>
        %dma_start3A_187 = tpu.memref_squeeze %dma_start3A_186 : memref<1x1x8x496xf32, #tpu.memory_space<hbm>> -> memref<8x496xf32, #tpu.memory_space<hbm>>
        %dma_start3A_188 = arith.constant 0 : i32
        %dma_start3A_189 = tpu.memref_slice %arg4[%select_n3A, %select_n3A_41, %mul3A_179, %dma_start3A_188] : memref<4x64x432x496xf32, #tpu.memory_space<hbm>> -> memref<1x1x8x496xf32, #tpu.memory_space<hbm>>
        %dma_start3A_190 = tpu.memref_squeeze %dma_start3A_189 : memref<1x1x8x496xf32, #tpu.memory_space<hbm>> -> memref<8x496xf32, #tpu.memory_space<hbm>>
        %dma_start3A_191 = arith.constant 0 : i32
        %dma_start3A_192 = arith.constant 0 : i32
        %dma_start3A_193 = tpu.memref_slice %arg7[%dma_start3A_180, %dma_start3A_191, %dma_start3A_192] : memref<3x8x496xf32, #tpu.memory_space<vmem>> -> memref<1x8x496xf32, #tpu.memory_space<vmem>>
        %dma_start3A_194 = tpu.memref_squeeze %dma_start3A_193 : memref<1x8x496xf32, #tpu.memory_space<vmem>> -> memref<8x496xf32, #tpu.memory_space<vmem>>
        tpu.enqueue_dma source(%dma_start3A_194 : memref<8x496xf32, #tpu.memory_space<vmem>>) target(%dma_start3A_190 : memref<8x496xf32, #tpu.memory_space<hbm>>) target_semaphore(%arg11 : memref<!tpu.dma_semaphore, #tpu.memory_space<semaphore_mem>>)
        %mul3A_195 = arith.constant 3 : i32
        %mul3A_196 = arith.muli %scan3A_147, %mul3A_195 : i32
        %add3A_197 = arith.constant 1 : i32
        %add3A_198 = arith.addi %mul3A_196, %add3A_197 : i32
        %dma_wait3A_199 = arith.constant 3968 : i32
        %dma_wait3A_200 = tpu.memref_slice %arg6[%dma_wait3A_199] : memref<11904xi32, #tpu.memory_space<vmem>> -> memref<3968xi32, #tpu.memory_space<vmem>>
        %dma_wait3A_201 = arith.constant 0 : i32
        %dma_wait3A_202 = tpu.memref_slice %arg3[%dma_wait3A_201] : memref<857088xi32, #tpu.memory_space<hbm>> -> memref<3968xi32, #tpu.memory_space<hbm>>
        %dma_wait3A_203 = arith.constant 3968 : i32
        %dma_wait3A_204 = tpu.memref_slice %arg6[%dma_wait3A_203] : memref<11904xi32, #tpu.memory_space<vmem>> -> memref<3968xi32, #tpu.memory_space<vmem>>
        %dma_wait3A_205 = arith.constant 0 : i32
        %dma_wait3A_206 = tpu.memref_slice %arg3[%dma_wait3A_205] : memref<857088xi32, #tpu.memory_space<hbm>> -> memref<3968xi32, #tpu.memory_space<hbm>>
        tpu.wait_dma2 semaphore(%arg9 : memref<!tpu.dma_semaphore, #tpu.memory_space<semaphore_mem>>) src(%dma_wait3A_206 : memref<3968xi32, #tpu.memory_space<hbm>>) dst(%dma_wait3A_204 : memref<3968xi32, #tpu.memory_space<vmem>>)
        %gt3A_207 = arith.constant 0 : i32
        %gt3A_208 = arith.cmpi sgt, %scan3A_147, %gt3A_207 : i32
        %convert_element_type3A_209 = arith.extui %gt3A_208 : i1 to i32
        %cond3A_210 = arith.constant 0 : i32
        %cond3A_211 = arith.cmpi ne, %convert_element_type3A_209, %cond3A_210 : i32
        scf.if %cond3A_211 {
          %dma_wait3A_289 = arith.constant 1 : i32
          %dma_wait3A_290 = arith.constant 0 : i32
          %dma_wait3A_291 = arith.constant 0 : i32
          %dma_wait3A_292 = arith.constant 0 : i32
          %dma_wait3A_293 = arith.constant 0 : i32
          %dma_wait3A_294 = tpu.memref_slice %arg7[%dma_wait3A_289, %dma_wait3A_292, %dma_wait3A_293] : memref<3x8x496xf32, #tpu.memory_space<vmem>> -> memref<1x8x496xf32, #tpu.memory_space<vmem>>
          %dma_wait3A_295 = tpu.memref_squeeze %dma_wait3A_294 : memref<1x8x496xf32, #tpu.memory_space<vmem>> -> memref<8x496xf32, #tpu.memory_space<vmem>>
          %dma_wait3A_296 = arith.constant 0 : i32
          %dma_wait3A_297 = arith.constant 0 : i32
          %dma_wait3A_298 = tpu.memref_slice %arg4[%dma_wait3A_290, %dma_wait3A_291, %dma_wait3A_296, %dma_wait3A_297] : memref<4x64x432x496xf32, #tpu.memory_space<hbm>> -> memref<1x1x8x496xf32, #tpu.memory_space<hbm>>
          %dma_wait3A_299 = tpu.memref_squeeze %dma_wait3A_298 : memref<1x1x8x496xf32, #tpu.memory_space<hbm>> -> memref<8x496xf32, #tpu.memory_space<hbm>>
          %dma_wait3A_300 = arith.constant 0 : i32
          %dma_wait3A_301 = arith.constant 0 : i32
          %dma_wait3A_302 = tpu.memref_slice %arg4[%dma_wait3A_290, %dma_wait3A_291, %dma_wait3A_300, %dma_wait3A_301] : memref<4x64x432x496xf32, #tpu.memory_space<hbm>> -> memref<1x1x8x496xf32, #tpu.memory_space<hbm>>
          %dma_wait3A_303 = tpu.memref_squeeze %dma_wait3A_302 : memref<1x1x8x496xf32, #tpu.memory_space<hbm>> -> memref<8x496xf32, #tpu.memory_space<hbm>>
          %dma_wait3A_304 = arith.constant 0 : i32
          %dma_wait3A_305 = arith.constant 0 : i32
          %dma_wait3A_306 = tpu.memref_slice %arg7[%dma_wait3A_289, %dma_wait3A_304, %dma_wait3A_305] : memref<3x8x496xf32, #tpu.memory_space<vmem>> -> memref<1x8x496xf32, #tpu.memory_space<vmem>>
          %dma_wait3A_307 = tpu.memref_squeeze %dma_wait3A_306 : memref<1x8x496xf32, #tpu.memory_space<vmem>> -> memref<8x496xf32, #tpu.memory_space<vmem>>
          tpu.wait_dma2 semaphore(%arg12 : memref<!tpu.dma_semaphore, #tpu.memory_space<semaphore_mem>>) src(%dma_wait3A_307 : memref<8x496xf32, #tpu.memory_space<vmem>>) dst(%dma_wait3A_303 : memref<8x496xf32, #tpu.memory_space<hbm>>)
        } else {
        }
        %scan3A_212 = arith.constant 0 : i32
        %scan3A_213 = arith.constant 0 : i32
        %scan3A_214 = arith.constant 8 : i32
        %scan3A_215 = arith.addi %scan3A_213, %scan3A_214 : i32
        %scan3A_216 = arith.constant 1 : i32
        scf.for %scan3A_289 = %scan3A_213 to %scan3A_215 step %scan3A_216  : i32 {
          %mul3A_290 = arith.constant 496 : i32
          %mul3A_291 = arith.muli %scan3A_289, %mul3A_290 : i32
          %add3A_292 = arith.constant 3968 : i32
          %add3A_293 = arith.addi %add3A_292, %mul3A_291 : i32
          %add3A_294 = arith.constant 0 : i32
          %add3A_295 = arith.addi %add3A_293, %add3A_294 : i32
          %get3A = arith.index_cast %add3A_295 : i32 to index
          %get3A_296 = tpu.vector_load %arg6[%get3A] {strides = array<i32>} : memref<11904xi32, #tpu.memory_space<vmem>>, vector<16xi32>,
          %add3A_297 = arith.constant 16 : i32
          %add3A_298 = arith.addi %add3A_293, %add3A_297 : i32
          %get3A_299 = arith.index_cast %add3A_298 : i32 to index
          %get3A_300 = tpu.vector_load %arg6[%get3A_299] {strides = array<i32>} : memref<11904xi32, #tpu.memory_space<vmem>>, vector<16xi32>,
          %add3A_301 = arith.constant 32 : i32
          %add3A_302 = arith.addi %add3A_293, %add3A_301 : i32
          %get3A_303 = arith.index_cast %add3A_302 : i32 to index
          %get3A_304 = tpu.vector_load %arg6[%get3A_303] {strides = array<i32>} : memref<11904xi32, #tpu.memory_space<vmem>>, vector<16xi32>,
          %add3A_305 = arith.constant 48 : i32
          %add3A_306 = arith.addi %add3A_293, %add3A_305 : i32
          %get3A_307 = arith.index_cast %add3A_306 : i32 to index
          %get3A_308 = tpu.vector_load %arg6[%get3A_307] {strides = array<i32>} : memref<11904xi32, #tpu.memory_space<vmem>>, vector<16xi32>,
          %add3A_309 = arith.constant 64 : i32
          %add3A_310 = arith.addi %add3A_293, %add3A_309 : i32
          %get3A_311 = arith.index_cast %add3A_310 : i32 to index
          %get3A_312 = tpu.vector_load %arg6[%get3A_311] {strides = array<i32>} : memref<11904xi32, #tpu.memory_space<vmem>>, vector<16xi32>,
          %add3A_313 = arith.constant 80 : i32
          %add3A_314 = arith.addi %add3A_293, %add3A_313 : i32
          %get3A_315 = arith.index_cast %add3A_314 : i32 to index
          %get3A_316 = tpu.vector_load %arg6[%get3A_315] {strides = array<i32>} : memref<11904xi32, #tpu.memory_space<vmem>>, vector<16xi32>,
          %add3A_317 = arith.constant 96 : i32
          %add3A_318 = arith.addi %add3A_293, %add3A_317 : i32
          %get3A_319 = arith.index_cast %add3A_318 : i32 to index
          %get3A_320 = tpu.vector_load %arg6[%get3A_319] {strides = array<i32>} : memref<11904xi32, #tpu.memory_space<vmem>>, vector<16xi32>,
          %add3A_321 = arith.constant 112 : i32
          %add3A_322 = arith.addi %add3A_293, %add3A_321 : i32
          %get3A_323 = arith.index_cast %add3A_322 : i32 to index
          %get3A_324 = tpu.vector_load %arg6[%get3A_323] {strides = array<i32>} : memref<11904xi32, #tpu.memory_space<vmem>>, vector<16xi32>,
          %add3A_325 = arith.constant 128 : i32
          %add3A_326 = arith.addi %add3A_293, %add3A_325 : i32
          %get3A_327 = arith.index_cast %add3A_326 : i32 to index
          %get3A_328 = tpu.vector_load %arg6[%get3A_327] {strides = array<i32>} : memref<11904xi32, #tpu.memory_space<vmem>>, vector<16xi32>,
          %gather3A = tpu.vector_load_idx %arg5[%get3A_296] : memref<100016xf32, #tpu.memory_space<vmem>>[vector<16xi32>], vector<16xf32>,
          %gather3A_329 = tpu.vector_load_idx %arg5[%get3A_300] : memref<100016xf32, #tpu.memory_space<vmem>>[vector<16xi32>], vector<16xf32>,
          %gather3A_330 = tpu.vector_load_idx %arg5[%get3A_304] : memref<100016xf32, #tpu.memory_space<vmem>>[vector<16xi32>], vector<16xf32>,
          %gather3A_331 = tpu.vector_load_idx %arg5[%get3A_308] : memref<100016xf32, #tpu.memory_space<vmem>>[vector<16xi32>], vector<16xf32>,
          %gather3A_332 = tpu.vector_load_idx %arg5[%get3A_312] : memref<100016xf32, #tpu.memory_space<vmem>>[vector<16xi32>], vector<16xf32>,
          %gather3A_333 = tpu.vector_load_idx %arg5[%get3A_316] : memref<100016xf32, #tpu.memory_space<vmem>>[vector<16xi32>], vector<16xf32>,
          %gather3A_334 = tpu.vector_load_idx %arg5[%get3A_320] : memref<100016xf32, #tpu.memory_space<vmem>>[vector<16xi32>], vector<16xf32>,
          %gather3A_335 = tpu.vector_load_idx %arg5[%get3A_324] : memref<100016xf32, #tpu.memory_space<vmem>>[vector<16xi32>], vector<16xf32>,
          %gather3A_336 = tpu.vector_load_idx %arg5[%get3A_328] : memref<100016xf32, #tpu.memory_space<vmem>>[vector<16xi32>], vector<16xf32>,
          %add3A_337 = arith.constant 144 : i32
          %add3A_338 = arith.addi %add3A_293, %add3A_337 : i32
          %get3A_339 = arith.index_cast %add3A_338 : i32 to index
          %get3A_340 = tpu.vector_load %arg6[%get3A_339] {strides = array<i32>} : memref<11904xi32, #tpu.memory_space<vmem>>, vector<16xi32>,
          %swap3A_341 = arith.constant 1 : i32
          %swap3A_342 = arith.index_cast %swap3A_341 : i32 to index
          %swap3A_343 = arith.index_cast %scan3A_289 : i32 to index
          %swap3A_344 = arith.constant 0 : index
          %swap3A_345 = tpu.vector_load %arg7[%swap3A_342, %swap3A_343, %swap3A_344] {strides = array<i32>} : memref<3x8x496xf32, #tpu.memory_space<vmem>>, vector<16xf32>,
          tpu.vector_store %arg7[%swap3A_342, %swap3A_343, %swap3A_344], %gather3A {strides = array<i32>} : memref<3x8x496xf32, #tpu.memory_space<vmem>>, vector<16xf32>,
          %add3A_346 = arith.constant 160 : i32
          %add3A_347 = arith.addi %add3A_293, %add3A_346 : i32
          %get3A_348 = arith.index_cast %add3A_347 : i32 to index
          %get3A_349 = tpu.vector_load %arg6[%get3A_348] {strides = array<i32>} : memref<11904xi32, #tpu.memory_space<vmem>>, vector<16xi32>,
          %swap3A_350 = arith.constant 1 : i32
          %swap3A_351 = arith.index_cast %swap3A_350 : i32 to index
          %swap3A_352 = arith.index_cast %scan3A_289 : i32 to index
          %swap3A_353 = arith.constant 16 : index
          %swap3A_354 = tpu.vector_load %arg7[%swap3A_351, %swap3A_352, %swap3A_353] {strides = array<i32>} : memref<3x8x496xf32, #tpu.memory_space<vmem>>, vector<16xf32>,
          tpu.vector_store %arg7[%swap3A_351, %swap3A_352, %swap3A_353], %gather3A_329 {strides = array<i32>} : memref<3x8x496xf32, #tpu.memory_space<vmem>>, vector<16xf32>,
          %add3A_355 = arith.constant 176 : i32
          %add3A_356 = arith.addi %add3A_293, %add3A_355 : i32
          %get3A_357 = arith.index_cast %add3A_356 : i32 to index
          %get3A_358 = tpu.vector_load %arg6[%get3A_357] {strides = array<i32>} : memref<11904xi32, #tpu.memory_space<vmem>>, vector<16xi32>,
          %swap3A_359 = arith.constant 1 : i32
          %swap3A_360 = arith.index_cast %swap3A_359 : i32 to index
          %swap3A_361 = arith.index_cast %scan3A_289 : i32 to index
          %swap3A_362 = arith.constant 32 : index
          %swap3A_363 = tpu.vector_load %arg7[%swap3A_360, %swap3A_361, %swap3A_362] {strides = array<i32>} : memref<3x8x496xf32, #tpu.memory_space<vmem>>, vector<16xf32>,
          tpu.vector_store %arg7[%swap3A_360, %swap3A_361, %swap3A_362], %gather3A_330 {strides = array<i32>} : memref<3x8x496xf32, #tpu.memory_space<vmem>>, vector<16xf32>,
          %add3A_364 = arith.constant 192 : i32
          %add3A_365 = arith.addi %add3A_293, %add3A_364 : i32
          %get3A_366 = arith.index_cast %add3A_365 : i32 to index
          %get3A_367 = tpu.vector_load %arg6[%get3A_366] {strides = array<i32>} : memref<11904xi32, #tpu.memory_space<vmem>>, vector<16xi32>,
          %swap3A_368 = arith.constant 1 : i32
          %swap3A_369 = arith.index_cast %swap3A_368 : i32 to index
          %swap3A_370 = arith.index_cast %scan3A_289 : i32 to index
          %swap3A_371 = arith.constant 48 : index
          %swap3A_372 = tpu.vector_load %arg7[%swap3A_369, %swap3A_370, %swap3A_371] {strides = array<i32>} : memref<3x8x496xf32, #tpu.memory_space<vmem>>, vector<16xf32>,
          tpu.vector_store %arg7[%swap3A_369, %swap3A_370, %swap3A_371], %gather3A_331 {strides = array<i32>} : memref<3x8x496xf32, #tpu.memory_space<vmem>>, vector<16xf32>,
          %add3A_373 = arith.constant 208 : i32
          %add3A_374 = arith.addi %add3A_293, %add3A_373 : i32
          %get3A_375 = arith.index_cast %add3A_374 : i32 to index
          %get3A_376 = tpu.vector_load %arg6[%get3A_375] {strides = array<i32>} : memref<11904xi32, #tpu.memory_space<vmem>>, vector<16xi32>,
          %swap3A_377 = arith.constant 1 : i32
          %swap3A_378 = arith.index_cast %swap3A_377 : i32 to index
          %swap3A_379 = arith.index_cast %scan3A_289 : i32 to index
          %swap3A_380 = arith.constant 64 : index
          %swap3A_381 = tpu.vector_load %arg7[%swap3A_378, %swap3A_379, %swap3A_380] {strides = array<i32>} : memref<3x8x496xf32, #tpu.memory_space<vmem>>, vector<16xf32>,
          tpu.vector_store %arg7[%swap3A_378, %swap3A_379, %swap3A_380], %gather3A_332 {strides = array<i32>} : memref<3x8x496xf32, #tpu.memory_space<vmem>>, vector<16xf32>,
          %add3A_382 = arith.constant 224 : i32
          %add3A_383 = arith.addi %add3A_293, %add3A_382 : i32
          %get3A_384 = arith.index_cast %add3A_383 : i32 to index
          %get3A_385 = tpu.vector_load %arg6[%get3A_384] {strides = array<i32>} : memref<11904xi32, #tpu.memory_space<vmem>>, vector<16xi32>,
          %swap3A_386 = arith.constant 1 : i32
          %swap3A_387 = arith.index_cast %swap3A_386 : i32 to index
          %swap3A_388 = arith.index_cast %scan3A_289 : i32 to index
          %swap3A_389 = arith.constant 80 : index
          %swap3A_390 = tpu.vector_load %arg7[%swap3A_387, %swap3A_388, %swap3A_389] {strides = array<i32>} : memref<3x8x496xf32, #tpu.memory_space<vmem>>, vector<16xf32>,
          tpu.vector_store %arg7[%swap3A_387, %swap3A_388, %swap3A_389], %gather3A_333 {strides = array<i32>} : memref<3x8x496xf32, #tpu.memory_space<vmem>>, vector<16xf32>,
          %add3A_391 = arith.constant 240 : i32
          %add3A_392 = arith.addi %add3A_293, %add3A_391 : i32
          %get3A_393 = arith.index_cast %add3A_392 : i32 to index
          %get3A_394 = tpu.vector_load %arg6[%get3A_393] {strides = array<i32>} : memref<11904xi32, #tpu.memory_space<vmem>>, vector<16xi32>,
          %swap3A_395 = arith.constant 1 : i32
          %swap3A_396 = arith.index_cast %swap3A_395 : i32 to index
          %swap3A_397 = arith.index_cast %scan3A_289 : i32 to index
          %swap3A_398 = arith.constant 96 : index
          %swap3A_399 = tpu.vector_load %arg7[%swap3A_396, %swap3A_397, %swap3A_398] {strides = array<i32>} : memref<3x8x496xf32, #tpu.memory_space<vmem>>, vector<16xf32>,
          tpu.vector_store %arg7[%swap3A_396, %swap3A_397, %swap3A_398], %gather3A_334 {strides = array<i32>} : memref<3x8x496xf32, #tpu.memory_space<vmem>>, vector<16xf32>,
          %add3A_400 = arith.constant 256 : i32
          %add3A_401 = arith.addi %add3A_293, %add3A_400 : i32
          %get3A_402 = arith.index_cast %add3A_401 : i32 to index
          %get3A_403 = tpu.vector_load %arg6[%get3A_402] {strides = array<i32>} : memref<11904xi32, #tpu.memory_space<vmem>>, vector<16xi32>,
          %swap3A_404 = arith.constant 1 : i32
          %swap3A_405 = arith.index_cast %swap3A_404 : i32 to index
          %swap3A_406 = arith.index_cast %scan3A_289 : i32 to index
          %swap3A_407 = arith.constant 112 : index
          %swap3A_408 = tpu.vector_load %arg7[%swap3A_405, %swap3A_406, %swap3A_407] {strides = array<i32>} : memref<3x8x496xf32, #tpu.memory_space<vmem>>, vector<16xf32>,
          tpu.vector_store %arg7[%swap3A_405, %swap3A_406, %swap3A_407], %gather3A_335 {strides = array<i32>} : memref<3x8x496xf32, #tpu.memory_space<vmem>>, vector<16xf32>,
          %add3A_409 = arith.constant 272 : i32
          %add3A_410 = arith.addi %add3A_293, %add3A_409 : i32
          %get3A_411 = arith.index_cast %add3A_410 : i32 to index
          %get3A_412 = tpu.vector_load %arg6[%get3A_411] {strides = array<i32>} : memref<11904xi32, #tpu.memory_space<vmem>>, vector<16xi32>,
          %swap3A_413 = arith.constant 1 : i32
          %swap3A_414 = arith.index_cast %swap3A_413 : i32 to index
          %swap3A_415 = arith.index_cast %scan3A_289 : i32 to index
          %swap3A_416 = arith.constant 128 : index
          %swap3A_417 = tpu.vector_load %arg7[%swap3A_414, %swap3A_415, %swap3A_416] {strides = array<i32>} : memref<3x8x496xf32, #tpu.memory_space<vmem>>, vector<16xf32>,
          tpu.vector_store %arg7[%swap3A_414, %swap3A_415, %swap3A_416], %gather3A_336 {strides = array<i32>} : memref<3x8x496xf32, #tpu.memory_space<vmem>>, vector<16xf32>,
          %gather3A_418 = tpu.vector_load_idx %arg5[%get3A_340] : memref<100016xf32, #tpu.memory_space<vmem>>[vector<16xi32>], vector<16xf32>,
          %gather3A_419 = tpu.vector_load_idx %arg5[%get3A_349] : memref<100016xf32, #tpu.memory_space<vmem>>[vector<16xi32>], vector<16xf32>,
          %gather3A_420 = tpu.vector_load_idx %arg5[%get3A_358] : memref<100016xf32, #tpu.memory_space<vmem>>[vector<16xi32>], vector<16xf32>,
          %gather3A_421 = tpu.vector_load_idx %arg5[%get3A_367] : memref<100016xf32, #tpu.memory_space<vmem>>[vector<16xi32>], vector<16xf32>,
          %gather3A_422 = tpu.vector_load_idx %arg5[%get3A_376] : memref<100016xf32, #tpu.memory_space<vmem>>[vector<16xi32>], vector<16xf32>,
          %gather3A_423 = tpu.vector_load_idx %arg5[%get3A_385] : memref<100016xf32, #tpu.memory_space<vmem>>[vector<16xi32>], vector<16xf32>,
          %gather3A_424 = tpu.vector_load_idx %arg5[%get3A_394] : memref<100016xf32, #tpu.memory_space<vmem>>[vector<16xi32>], vector<16xf32>,
          %gather3A_425 = tpu.vector_load_idx %arg5[%get3A_403] : memref<100016xf32, #tpu.memory_space<vmem>>[vector<16xi32>], vector<16xf32>,
          %gather3A_426 = tpu.vector_load_idx %arg5[%get3A_412] : memref<100016xf32, #tpu.memory_space<vmem>>[vector<16xi32>], vector<16xf32>,
          %add3A_427 = arith.constant 288 : i32
          %add3A_428 = arith.addi %add3A_293, %add3A_427 : i32
          %get3A_429 = arith.index_cast %add3A_428 : i32 to index
          %get3A_430 = tpu.vector_load %arg6[%get3A_429] {strides = array<i32>} : memref<11904xi32, #tpu.memory_space<vmem>>, vector<16xi32>,
          %swap3A_431 = arith.constant 1 : i32
          %swap3A_432 = arith.index_cast %swap3A_431 : i32 to index
          %swap3A_433 = arith.index_cast %scan3A_289 : i32 to index
          %swap3A_434 = arith.constant 144 : index
          %swap3A_435 = tpu.vector_load %arg7[%swap3A_432, %swap3A_433, %swap3A_434] {strides = array<i32>} : memref<3x8x496xf32, #tpu.memory_space<vmem>>, vector<16xf32>,
          tpu.vector_store %arg7[%swap3A_432, %swap3A_433, %swap3A_434], %gather3A_418 {strides = array<i32>} : memref<3x8x496xf32, #tpu.memory_space<vmem>>, vector<16xf32>,
          %add3A_436 = arith.constant 304 : i32
          %add3A_437 = arith.addi %add3A_293, %add3A_436 : i32
          %get3A_438 = arith.index_cast %add3A_437 : i32 to index
          %get3A_439 = tpu.vector_load %arg6[%get3A_438] {strides = array<i32>} : memref<11904xi32, #tpu.memory_space<vmem>>, vector<16xi32>,
          %swap3A_440 = arith.constant 1 : i32
          %swap3A_441 = arith.index_cast %swap3A_440 : i32 to index
          %swap3A_442 = arith.index_cast %scan3A_289 : i32 to index
          %swap3A_443 = arith.constant 160 : index
          %swap3A_444 = tpu.vector_load %arg7[%swap3A_441, %swap3A_442, %swap3A_443] {strides = array<i32>} : memref<3x8x496xf32, #tpu.memory_space<vmem>>, vector<16xf32>,
          tpu.vector_store %arg7[%swap3A_441, %swap3A_442, %swap3A_443], %gather3A_419 {strides = array<i32>} : memref<3x8x496xf32, #tpu.memory_space<vmem>>, vector<16xf32>,
          %add3A_445 = arith.constant 320 : i32
          %add3A_446 = arith.addi %add3A_293, %add3A_445 : i32
          %get3A_447 = arith.index_cast %add3A_446 : i32 to index
          %get3A_448 = tpu.vector_load %arg6[%get3A_447] {strides = array<i32>} : memref<11904xi32, #tpu.memory_space<vmem>>, vector<16xi32>,
          %swap3A_449 = arith.constant 1 : i32
          %swap3A_450 = arith.index_cast %swap3A_449 : i32 to index
          %swap3A_451 = arith.index_cast %scan3A_289 : i32 to index
          %swap3A_452 = arith.constant 176 : index
          %swap3A_453 = tpu.vector_load %arg7[%swap3A_450, %swap3A_451, %swap3A_452] {strides = array<i32>} : memref<3x8x496xf32, #tpu.memory_space<vmem>>, vector<16xf32>,
          tpu.vector_store %arg7[%swap3A_450, %swap3A_451, %swap3A_452], %gather3A_420 {strides = array<i32>} : memref<3x8x496xf32, #tpu.memory_space<vmem>>, vector<16xf32>,
          %add3A_454 = arith.constant 336 : i32
          %add3A_455 = arith.addi %add3A_293, %add3A_454 : i32
          %get3A_456 = arith.index_cast %add3A_455 : i32 to index
          %get3A_457 = tpu.vector_load %arg6[%get3A_456] {strides = array<i32>} : memref<11904xi32, #tpu.memory_space<vmem>>, vector<16xi32>,
          %swap3A_458 = arith.constant 1 : i32
          %swap3A_459 = arith.index_cast %swap3A_458 : i32 to index
          %swap3A_460 = arith.index_cast %scan3A_289 : i32 to index
          %swap3A_461 = arith.constant 192 : index
          %swap3A_462 = tpu.vector_load %arg7[%swap3A_459, %swap3A_460, %swap3A_461] {strides = array<i32>} : memref<3x8x496xf32, #tpu.memory_space<vmem>>, vector<16xf32>,
          tpu.vector_store %arg7[%swap3A_459, %swap3A_460, %swap3A_461], %gather3A_421 {strides = array<i32>} : memref<3x8x496xf32, #tpu.memory_space<vmem>>, vector<16xf32>,
          %add3A_463 = arith.constant 352 : i32
          %add3A_464 = arith.addi %add3A_293, %add3A_463 : i32
          %get3A_465 = arith.index_cast %add3A_464 : i32 to index
          %get3A_466 = tpu.vector_load %arg6[%get3A_465] {strides = array<i32>} : memref<11904xi32, #tpu.memory_space<vmem>>, vector<16xi32>,
          %swap3A_467 = arith.constant 1 : i32
          %swap3A_468 = arith.index_cast %swap3A_467 : i32 to index
          %swap3A_469 = arith.index_cast %scan3A_289 : i32 to index
          %swap3A_470 = arith.constant 208 : index
          %swap3A_471 = tpu.vector_load %arg7[%swap3A_468, %swap3A_469, %swap3A_470] {strides = array<i32>} : memref<3x8x496xf32, #tpu.memory_space<vmem>>, vector<16xf32>,
          tpu.vector_store %arg7[%swap3A_468, %swap3A_469, %swap3A_470], %gather3A_422 {strides = array<i32>} : memref<3x8x496xf32, #tpu.memory_space<vmem>>, vector<16xf32>,
          %add3A_472 = arith.constant 368 : i32
          %add3A_473 = arith.addi %add3A_293, %add3A_472 : i32
          %get3A_474 = arith.index_cast %add3A_473 : i32 to index
          %get3A_475 = tpu.vector_load %arg6[%get3A_474] {strides = array<i32>} : memref<11904xi32, #tpu.memory_space<vmem>>, vector<16xi32>,
          %swap3A_476 = arith.constant 1 : i32
          %swap3A_477 = arith.index_cast %swap3A_476 : i32 to index
          %swap3A_478 = arith.index_cast %scan3A_289 : i32 to index
          %swap3A_479 = arith.constant 224 : index
          %swap3A_480 = tpu.vector_load %arg7[%swap3A_477, %swap3A_478, %swap3A_479] {strides = array<i32>} : memref<3x8x496xf32, #tpu.memory_space<vmem>>, vector<16xf32>,
          tpu.vector_store %arg7[%swap3A_477, %swap3A_478, %swap3A_479], %gather3A_423 {strides = array<i32>} : memref<3x8x496xf32, #tpu.memory_space<vmem>>, vector<16xf32>,
          %add3A_481 = arith.constant 384 : i32
          %add3A_482 = arith.addi %add3A_293, %add3A_481 : i32
          %get3A_483 = arith.index_cast %add3A_482 : i32 to index
          %get3A_484 = tpu.vector_load %arg6[%get3A_483] {strides = array<i32>} : memref<11904xi32, #tpu.memory_space<vmem>>, vector<16xi32>,
          %swap3A_485 = arith.constant 1 : i32
          %swap3A_486 = arith.index_cast %swap3A_485 : i32 to index
          %swap3A_487 = arith.index_cast %scan3A_289 : i32 to index
          %swap3A_488 = arith.constant 240 : index
          %swap3A_489 = tpu.vector_load %arg7[%swap3A_486, %swap3A_487, %swap3A_488] {strides = array<i32>} : memref<3x8x496xf32, #tpu.memory_space<vmem>>, vector<16xf32>,
          tpu.vector_store %arg7[%swap3A_486, %swap3A_487, %swap3A_488], %gather3A_424 {strides = array<i32>} : memref<3x8x496xf32, #tpu.memory_space<vmem>>, vector<16xf32>,
          %add3A_490 = arith.constant 400 : i32
          %add3A_491 = arith.addi %add3A_293, %add3A_490 : i32
          %get3A_492 = arith.index_cast %add3A_491 : i32 to index
          %get3A_493 = tpu.vector_load %arg6[%get3A_492] {strides = array<i32>} : memref<11904xi32, #tpu.memory_space<vmem>>, vector<16xi32>,
          %swap3A_494 = arith.constant 1 : i32
          %swap3A_495 = arith.index_cast %swap3A_494 : i32 to index
          %swap3A_496 = arith.index_cast %scan3A_289 : i32 to index
          %swap3A_497 = arith.constant 256 : index
          %swap3A_498 = tpu.vector_load %arg7[%swap3A_495, %swap3A_496, %swap3A_497] {strides = array<i32>} : memref<3x8x496xf32, #tpu.memory_space<vmem>>, vector<16xf32>,
          tpu.vector_store %arg7[%swap3A_495, %swap3A_496, %swap3A_497], %gather3A_425 {strides = array<i32>} : memref<3x8x496xf32, #tpu.memory_space<vmem>>, vector<16xf32>,
          %add3A_499 = arith.constant 416 : i32
          %add3A_500 = arith.addi %add3A_293, %add3A_499 : i32
          %get3A_501 = arith.index_cast %add3A_500 : i32 to index
          %get3A_502 = tpu.vector_load %arg6[%get3A_501] {strides = array<i32>} : memref<11904xi32, #tpu.memory_space<vmem>>, vector<16xi32>,
          %swap3A_503 = arith.constant 1 : i32
          %swap3A_504 = arith.index_cast %swap3A_503 : i32 to index
          %swap3A_505 = arith.index_cast %scan3A_289 : i32 to index
          %swap3A_506 = arith.constant 272 : index
          %swap3A_507 = tpu.vector_load %arg7[%swap3A_504, %swap3A_505, %swap3A_506] {strides = array<i32>} : memref<3x8x496xf32, #tpu.memory_space<vmem>>, vector<16xf32>,
          tpu.vector_store %arg7[%swap3A_504, %swap3A_505, %swap3A_506], %gather3A_426 {strides = array<i32>} : memref<3x8x496xf32, #tpu.memory_space<vmem>>, vector<16xf32>,
          %gather3A_508 = tpu.vector_load_idx %arg5[%get3A_430] : memref<100016xf32, #tpu.memory_space<vmem>>[vector<16xi32>], vector<16xf32>,
          %gather3A_509 = tpu.vector_load_idx %arg5[%get3A_439] : memref<100016xf32, #tpu.memory_space<vmem>>[vector<16xi32>], vector<16xf32>,
          %gather3A_510 = tpu.vector_load_idx %arg5[%get3A_448] : memref<100016xf32, #tpu.memory_space<vmem>>[vector<16xi32>], vector<16xf32>,
          %gather3A_511 = tpu.vector_load_idx %arg5[%get3A_457] : memref<100016xf32, #tpu.memory_space<vmem>>[vector<16xi32>], vector<16xf32>,
          %gather3A_512 = tpu.vector_load_idx %arg5[%get3A_466] : memref<100016xf32, #tpu.memory_space<vmem>>[vector<16xi32>], vector<16xf32>,
          %gather3A_513 = tpu.vector_load_idx %arg5[%get3A_475] : memref<100016xf32, #tpu.memory_space<vmem>>[vector<16xi32>], vector<16xf32>,
          %gather3A_514 = tpu.vector_load_idx %arg5[%get3A_484] : memref<100016xf32, #tpu.memory_space<vmem>>[vector<16xi32>], vector<16xf32>,
          %gather3A_515 = tpu.vector_load_idx %arg5[%get3A_493] : memref<100016xf32, #tpu.memory_space<vmem>>[vector<16xi32>], vector<16xf32>,
          %gather3A_516 = tpu.vector_load_idx %arg5[%get3A_502] : memref<100016xf32, #tpu.memory_space<vmem>>[vector<16xi32>], vector<16xf32>,
          %add3A_517 = arith.constant 432 : i32
          %add3A_518 = arith.addi %add3A_293, %add3A_517 : i32
          %get3A_519 = arith.index_cast %add3A_518 : i32 to index
          %get3A_520 = tpu.vector_load %arg6[%get3A_519] {strides = array<i32>} : memref<11904xi32, #tpu.memory_space<vmem>>, vector<16xi32>,
          %swap3A_521 = arith.constant 1 : i32
          %swap3A_522 = arith.index_cast %swap3A_521 : i32 to index
          %swap3A_523 = arith.index_cast %scan3A_289 : i32 to index
          %swap3A_524 = arith.constant 288 : index
          %swap3A_525 = tpu.vector_load %arg7[%swap3A_522, %swap3A_523, %swap3A_524] {strides = array<i32>} : memref<3x8x496xf32, #tpu.memory_space<vmem>>, vector<16xf32>,
          tpu.vector_store %arg7[%swap3A_522, %swap3A_523, %swap3A_524], %gather3A_508 {strides = array<i32>} : memref<3x8x496xf32, #tpu.memory_space<vmem>>, vector<16xf32>,
          %add3A_526 = arith.constant 448 : i32
          %add3A_527 = arith.addi %add3A_293, %add3A_526 : i32
          %get3A_528 = arith.index_cast %add3A_527 : i32 to index
          %get3A_529 = tpu.vector_load %arg6[%get3A_528] {strides = array<i32>} : memref<11904xi32, #tpu.memory_space<vmem>>, vector<16xi32>,
          %swap3A_530 = arith.constant 1 : i32
          %swap3A_531 = arith.index_cast %swap3A_530 : i32 to index
          %swap3A_532 = arith.index_cast %scan3A_289 : i32 to index
          %swap3A_533 = arith.constant 304 : index
          %swap3A_534 = tpu.vector_load %arg7[%swap3A_531, %swap3A_532, %swap3A_533] {strides = array<i32>} : memref<3x8x496xf32, #tpu.memory_space<vmem>>, vector<16xf32>,
          tpu.vector_store %arg7[%swap3A_531, %swap3A_532, %swap3A_533], %gather3A_509 {strides = array<i32>} : memref<3x8x496xf32, #tpu.memory_space<vmem>>, vector<16xf32>,
          %add3A_535 = arith.constant 464 : i32
          %add3A_536 = arith.addi %add3A_293, %add3A_535 : i32
          %get3A_537 = arith.index_cast %add3A_536 : i32 to index
          %get3A_538 = tpu.vector_load %arg6[%get3A_537] {strides = array<i32>} : memref<11904xi32, #tpu.memory_space<vmem>>, vector<16xi32>,
          %swap3A_539 = arith.constant 1 : i32
          %swap3A_540 = arith.index_cast %swap3A_539 : i32 to index
          %swap3A_541 = arith.index_cast %scan3A_289 : i32 to index
          %swap3A_542 = arith.constant 320 : index
          %swap3A_543 = tpu.vector_load %arg7[%swap3A_540, %swap3A_541, %swap3A_542] {strides = array<i32>} : memref<3x8x496xf32, #tpu.memory_space<vmem>>, vector<16xf32>,
          tpu.vector_store %arg7[%swap3A_540, %swap3A_541, %swap3A_542], %gather3A_510 {strides = array<i32>} : memref<3x8x496xf32, #tpu.memory_space<vmem>>, vector<16xf32>,
          %add3A_544 = arith.constant 480 : i32
          %add3A_545 = arith.addi %add3A_293, %add3A_544 : i32
          %get3A_546 = arith.index_cast %add3A_545 : i32 to index
          %get3A_547 = tpu.vector_load %arg6[%get3A_546] {strides = array<i32>} : memref<11904xi32, #tpu.memory_space<vmem>>, vector<16xi32>,
          %swap3A_548 = arith.constant 1 : i32
          %swap3A_549 = arith.index_cast %swap3A_548 : i32 to index
          %swap3A_550 = arith.index_cast %scan3A_289 : i32 to index
          %swap3A_551 = arith.constant 336 : index
          %swap3A_552 = tpu.vector_load %arg7[%swap3A_549, %swap3A_550, %swap3A_551] {strides = array<i32>} : memref<3x8x496xf32, #tpu.memory_space<vmem>>, vector<16xf32>,
          tpu.vector_store %arg7[%swap3A_549, %swap3A_550, %swap3A_551], %gather3A_511 {strides = array<i32>} : memref<3x8x496xf32, #tpu.memory_space<vmem>>, vector<16xf32>,
          %swap3A_553 = arith.constant 1 : i32
          %swap3A_554 = arith.index_cast %swap3A_553 : i32 to index
          %swap3A_555 = arith.index_cast %scan3A_289 : i32 to index
          %swap3A_556 = arith.constant 352 : index
          %swap3A_557 = tpu.vector_load %arg7[%swap3A_554, %swap3A_555, %swap3A_556] {strides = array<i32>} : memref<3x8x496xf32, #tpu.memory_space<vmem>>, vector<16xf32>,
          tpu.vector_store %arg7[%swap3A_554, %swap3A_555, %swap3A_556], %gather3A_512 {strides = array<i32>} : memref<3x8x496xf32, #tpu.memory_space<vmem>>, vector<16xf32>,
          %swap3A_558 = arith.constant 1 : i32
          %swap3A_559 = arith.index_cast %swap3A_558 : i32 to index
          %swap3A_560 = arith.index_cast %scan3A_289 : i32 to index
          %swap3A_561 = arith.constant 368 : index
          %swap3A_562 = tpu.vector_load %arg7[%swap3A_559, %swap3A_560, %swap3A_561] {strides = array<i32>} : memref<3x8x496xf32, #tpu.memory_space<vmem>>, vector<16xf32>,
          tpu.vector_store %arg7[%swap3A_559, %swap3A_560, %swap3A_561], %gather3A_513 {strides = array<i32>} : memref<3x8x496xf32, #tpu.memory_space<vmem>>, vector<16xf32>,
          %swap3A_563 = arith.constant 1 : i32
          %swap3A_564 = arith.index_cast %swap3A_563 : i32 to index
          %swap3A_565 = arith.index_cast %scan3A_289 : i32 to index
          %swap3A_566 = arith.constant 384 : index
          %swap3A_567 = tpu.vector_load %arg7[%swap3A_564, %swap3A_565, %swap3A_566] {strides = array<i32>} : memref<3x8x496xf32, #tpu.memory_space<vmem>>, vector<16xf32>,
          tpu.vector_store %arg7[%swap3A_564, %swap3A_565, %swap3A_566], %gather3A_514 {strides = array<i32>} : memref<3x8x496xf32, #tpu.memory_space<vmem>>, vector<16xf32>,
          %swap3A_568 = arith.constant 1 : i32
          %swap3A_569 = arith.index_cast %swap3A_568 : i32 to index
          %swap3A_570 = arith.index_cast %scan3A_289 : i32 to index
          %swap3A_571 = arith.constant 400 : index
          %swap3A_572 = tpu.vector_load %arg7[%swap3A_569, %swap3A_570, %swap3A_571] {strides = array<i32>} : memref<3x8x496xf32, #tpu.memory_space<vmem>>, vector<16xf32>,
          tpu.vector_store %arg7[%swap3A_569, %swap3A_570, %swap3A_571], %gather3A_515 {strides = array<i32>} : memref<3x8x496xf32, #tpu.memory_space<vmem>>, vector<16xf32>,
          %swap3A_573 = arith.constant 1 : i32
          %swap3A_574 = arith.index_cast %swap3A_573 : i32 to index
          %swap3A_575 = arith.index_cast %scan3A_289 : i32 to index
          %swap3A_576 = arith.constant 416 : index
          %swap3A_577 = tpu.vector_load %arg7[%swap3A_574, %swap3A_575, %swap3A_576] {strides = array<i32>} : memref<3x8x496xf32, #tpu.memory_space<vmem>>, vector<16xf32>,
          tpu.vector_store %arg7[%swap3A_574, %swap3A_575, %swap3A_576], %gather3A_516 {strides = array<i32>} : memref<3x8x496xf32, #tpu.memory_space<vmem>>, vector<16xf32>,
          %gather3A_578 = tpu.vector_load_idx %arg5[%get3A_520] : memref<100016xf32, #tpu.memory_space<vmem>>[vector<16xi32>], vector<16xf32>,
          %gather3A_579 = tpu.vector_load_idx %arg5[%get3A_529] : memref<100016xf32, #tpu.memory_space<vmem>>[vector<16xi32>], vector<16xf32>,
          %gather3A_580 = tpu.vector_load_idx %arg5[%get3A_538] : memref<100016xf32, #tpu.memory_space<vmem>>[vector<16xi32>], vector<16xf32>,
          %gather3A_581 = tpu.vector_load_idx %arg5[%get3A_547] : memref<100016xf32, #tpu.memory_space<vmem>>[vector<16xi32>], vector<16xf32>,
          %swap3A_582 = arith.constant 1 : i32
          %swap3A_583 = arith.index_cast %swap3A_582 : i32 to index
          %swap3A_584 = arith.index_cast %scan3A_289 : i32 to index
          %swap3A_585 = arith.constant 432 : index
          %swap3A_586 = tpu.vector_load %arg7[%swap3A_583, %swap3A_584, %swap3A_585] {strides = array<i32>} : memref<3x8x496xf32, #tpu.memory_space<vmem>>, vector<16xf32>,
          tpu.vector_store %arg7[%swap3A_583, %swap3A_584, %swap3A_585], %gather3A_578 {strides = array<i32>} : memref<3x8x496xf32, #tpu.memory_space<vmem>>, vector<16xf32>,
          %swap3A_587 = arith.constant 1 : i32
          %swap3A_588 = arith.index_cast %swap3A_587 : i32 to index
          %swap3A_589 = arith.index_cast %scan3A_289 : i32 to index
          %swap3A_590 = arith.constant 448 : index
          %swap3A_591 = tpu.vector_load %arg7[%swap3A_588, %swap3A_589, %swap3A_590] {strides = array<i32>} : memref<3x8x496xf32, #tpu.memory_space<vmem>>, vector<16xf32>,
          tpu.vector_store %arg7[%swap3A_588, %swap3A_589, %swap3A_590], %gather3A_579 {strides = array<i32>} : memref<3x8x496xf32, #tpu.memory_space<vmem>>, vector<16xf32>,
          %swap3A_592 = arith.constant 1 : i32
          %swap3A_593 = arith.index_cast %swap3A_592 : i32 to index
          %swap3A_594 = arith.index_cast %scan3A_289 : i32 to index
          %swap3A_595 = arith.constant 464 : index
          %swap3A_596 = tpu.vector_load %arg7[%swap3A_593, %swap3A_594, %swap3A_595] {strides = array<i32>} : memref<3x8x496xf32, #tpu.memory_space<vmem>>, vector<16xf32>,
          tpu.vector_store %arg7[%swap3A_593, %swap3A_594, %swap3A_595], %gather3A_580 {strides = array<i32>} : memref<3x8x496xf32, #tpu.memory_space<vmem>>, vector<16xf32>,
          %swap3A_597 = arith.constant 1 : i32
          %swap3A_598 = arith.index_cast %swap3A_597 : i32 to index
          %swap3A_599 = arith.index_cast %scan3A_289 : i32 to index
          %swap3A_600 = arith.constant 480 : index
          %swap3A_601 = tpu.vector_load %arg7[%swap3A_598, %swap3A_599, %swap3A_600] {strides = array<i32>} : memref<3x8x496xf32, #tpu.memory_space<vmem>>, vector<16xf32>,
          tpu.vector_store %arg7[%swap3A_598, %swap3A_599, %swap3A_600], %gather3A_581 {strides = array<i32>} : memref<3x8x496xf32, #tpu.memory_space<vmem>>, vector<16xf32>,
        }
        %scan3A_217 = arith.constant 8 : i32
        %add3A_218 = arith.constant 3 : i32
        %add3A_219 = arith.addi %add3A_198, %add3A_218 : i32
        %lt3A_220 = arith.constant 54 : i32
        %lt3A_221 = arith.cmpi slt, %add3A_219, %lt3A_220 : i32
        %convert_element_type3A_222 = arith.extui %lt3A_221 : i1 to i32
        %cond3A_223 = arith.constant 0 : i32
        %cond3A_224 = arith.cmpi ne, %convert_element_type3A_222, %cond3A_223 : i32
        scf.if %cond3A_224 {
          %add3A_289 = arith.constant 3 : i32
          %add3A_290 = arith.addi %add3A_198, %add3A_289 : i32
          %mul3A_291 = arith.constant 214272 : i32
          %mul3A_292 = arith.muli %select_n3A, %mul3A_291 : i32
          %mul3A_293 = arith.constant 3968 : i32
          %mul3A_294 = arith.muli %add3A_290, %mul3A_293 : i32
          %add3A_295 = arith.addi %mul3A_292, %mul3A_294 : i32
          %dma_start3A_296 = arith.constant 3968 : i32
          %dma_start3A_297 = tpu.memref_slice %arg6[%dma_start3A_296] : memref<11904xi32, #tpu.memory_space<vmem>> -> memref<3968xi32, #tpu.memory_space<vmem>>
          %dma_start3A_298 = tpu.memref_slice %arg3[%add3A_295] : memref<857088xi32, #tpu.memory_space<hbm>> -> memref<3968xi32, #tpu.memory_space<hbm>>
          %dma_start3A_299 = arith.constant 3968 : i32
          %dma_start3A_300 = tpu.memref_slice %arg6[%dma_start3A_299] : memref<11904xi32, #tpu.memory_space<vmem>> -> memref<3968xi32, #tpu.memory_space<vmem>>
          %dma_start3A_301 = tpu.memref_slice %arg3[%add3A_295] : memref<857088xi32, #tpu.memory_space<hbm>> -> memref<3968xi32, #tpu.memory_space<hbm>>
          tpu.enqueue_dma source(%dma_start3A_301 : memref<3968xi32, #tpu.memory_space<hbm>>) target(%dma_start3A_300 : memref<3968xi32, #tpu.memory_space<vmem>>) target_semaphore(%arg9 : memref<!tpu.dma_semaphore, #tpu.memory_space<semaphore_mem>>)
        } else {
        }
        %mul3A_225 = arith.constant 8 : i32
        %mul3A_226 = arith.muli %add3A_198, %mul3A_225 : i32
        %dma_start3A_227 = arith.constant 1 : i32
        %dma_start3A_228 = arith.constant 0 : i32
        %dma_start3A_229 = arith.constant 0 : i32
        %dma_start3A_230 = tpu.memref_slice %arg7[%dma_start3A_227, %dma_start3A_228, %dma_start3A_229] : memref<3x8x496xf32, #tpu.memory_space<vmem>> -> memref<1x8x496xf32, #tpu.memory_space<vmem>>
        %dma_start3A_231 = tpu.memref_squeeze %dma_start3A_230 : memref<1x8x496xf32, #tpu.memory_space<vmem>> -> memref<8x496xf32, #tpu.memory_space<vmem>>
        %dma_start3A_232 = arith.constant 0 : i32
        %dma_start3A_233 = tpu.memref_slice %arg4[%select_n3A, %select_n3A_41, %mul3A_226, %dma_start3A_232] : memref<4x64x432x496xf32, #tpu.memory_space<hbm>> -> memref<1x1x8x496xf32, #tpu.memory_space<hbm>>
        %dma_start3A_234 = tpu.memref_squeeze %dma_start3A_233 : memref<1x1x8x496xf32, #tpu.memory_space<hbm>> -> memref<8x496xf32, #tpu.memory_space<hbm>>
        %dma_start3A_235 = arith.constant 0 : i32
        %dma_start3A_236 = tpu.memref_slice %arg4[%select_n3A, %select_n3A_41, %mul3A_226, %dma_start3A_235] : memref<4x64x432x496xf32, #tpu.memory_space<hbm>> -> memref<1x1x8x496xf32, #tpu.memory_space<hbm>>
        %dma_start3A_237 = tpu.memref_squeeze %dma_start3A_236 : memref<1x1x8x496xf32, #tpu.memory_space<hbm>> -> memref<8x496xf32, #tpu.memory_space<hbm>>
        %dma_start3A_238 = arith.constant 0 : i32
        %dma_start3A_239 = arith.constant 0 : i32
        %dma_start3A_240 = tpu.memref_slice %arg7[%dma_start3A_227, %dma_start3A_238, %dma_start3A_239] : memref<3x8x496xf32, #tpu.memory_space<vmem>> -> memref<1x8x496xf32, #tpu.memory_space<vmem>>
        %dma_start3A_241 = tpu.memref_squeeze %dma_start3A_240 : memref<1x8x496xf32, #tpu.memory_space<vmem>> -> memref<8x496xf32, #tpu.memory_space<vmem>>
        tpu.enqueue_dma source(%dma_start3A_241 : memref<8x496xf32, #tpu.memory_space<vmem>>) target(%dma_start3A_237 : memref<8x496xf32, #tpu.memory_space<hbm>>) target_semaphore(%arg12 : memref<!tpu.dma_semaphore, #tpu.memory_space<semaphore_mem>>)
        %mul3A_242 = arith.constant 3 : i32
        %mul3A_243 = arith.muli %scan3A_147, %mul3A_242 : i32
        %add3A_244 = arith.constant 2 : i32
        %add3A_245 = arith.addi %mul3A_243, %add3A_244 : i32
        %dma_wait3A_246 = arith.constant 7936 : i32
        %dma_wait3A_247 = tpu.memref_slice %arg6[%dma_wait3A_246] : memref<11904xi32, #tpu.memory_space<vmem>> -> memref<3968xi32, #tpu.memory_space<vmem>>
        %dma_wait3A_248 = arith.constant 0 : i32
        %dma_wait3A_249 = tpu.memref_slice %arg3[%dma_wait3A_248] : memref<857088xi32, #tpu.memory_space<hbm>> -> memref<3968xi32, #tpu.memory_space<hbm>>
        %dma_wait3A_250 = arith.constant 7936 : i32
        %dma_wait3A_251 = tpu.memref_slice %arg6[%dma_wait3A_250] : memref<11904xi32, #tpu.memory_space<vmem>> -> memref<3968xi32, #tpu.memory_space<vmem>>
        %dma_wait3A_252 = arith.constant 0 : i32
        %dma_wait3A_253 = tpu.memref_slice %arg3[%dma_wait3A_252] : memref<857088xi32, #tpu.memory_space<hbm>> -> memref<3968xi32, #tpu.memory_space<hbm>>
        tpu.wait_dma2 semaphore(%arg10 : memref<!tpu.dma_semaphore, #tpu.memory_space<semaphore_mem>>) src(%dma_wait3A_253 : memref<3968xi32, #tpu.memory_space<hbm>>) dst(%dma_wait3A_251 : memref<3968xi32, #tpu.memory_space<vmem>>)
        %gt3A_254 = arith.constant 0 : i32
        %gt3A_255 = arith.cmpi sgt, %scan3A_147, %gt3A_254 : i32
        %convert_element_type3A_256 = arith.extui %gt3A_255 : i1 to i32
        %cond3A_257 = arith.constant 0 : i32
        %cond3A_258 = arith.cmpi ne, %convert_element_type3A_256, %cond3A_257 : i32
        scf.if %cond3A_258 {
          %dma_wait3A_289 = arith.constant 2 : i32
          %dma_wait3A_290 = arith.constant 0 : i32
          %dma_wait3A_291 = arith.constant 0 : i32
          %dma_wait3A_292 = arith.constant 0 : i32
          %dma_wait3A_293 = arith.constant 0 : i32
          %dma_wait3A_294 = tpu.memref_slice %arg7[%dma_wait3A_289, %dma_wait3A_292, %dma_wait3A_293] : memref<3x8x496xf32, #tpu.memory_space<vmem>> -> memref<1x8x496xf32, #tpu.memory_space<vmem>>
          %dma_wait3A_295 = tpu.memref_squeeze %dma_wait3A_294 : memref<1x8x496xf32, #tpu.memory_space<vmem>> -> memref<8x496xf32, #tpu.memory_space<vmem>>
          %dma_wait3A_296 = arith.constant 0 : i32
          %dma_wait3A_297 = arith.constant 0 : i32
          %dma_wait3A_298 = tpu.memref_slice %arg4[%dma_wait3A_290, %dma_wait3A_291, %dma_wait3A_296, %dma_wait3A_297] : memref<4x64x432x496xf32, #tpu.memory_space<hbm>> -> memref<1x1x8x496xf32, #tpu.memory_space<hbm>>
          %dma_wait3A_299 = tpu.memref_squeeze %dma_wait3A_298 : memref<1x1x8x496xf32, #tpu.memory_space<hbm>> -> memref<8x496xf32, #tpu.memory_space<hbm>>
          %dma_wait3A_300 = arith.constant 0 : i32
          %dma_wait3A_301 = arith.constant 0 : i32
          %dma_wait3A_302 = tpu.memref_slice %arg4[%dma_wait3A_290, %dma_wait3A_291, %dma_wait3A_300, %dma_wait3A_301] : memref<4x64x432x496xf32, #tpu.memory_space<hbm>> -> memref<1x1x8x496xf32, #tpu.memory_space<hbm>>
          %dma_wait3A_303 = tpu.memref_squeeze %dma_wait3A_302 : memref<1x1x8x496xf32, #tpu.memory_space<hbm>> -> memref<8x496xf32, #tpu.memory_space<hbm>>
          %dma_wait3A_304 = arith.constant 0 : i32
          %dma_wait3A_305 = arith.constant 0 : i32
          %dma_wait3A_306 = tpu.memref_slice %arg7[%dma_wait3A_289, %dma_wait3A_304, %dma_wait3A_305] : memref<3x8x496xf32, #tpu.memory_space<vmem>> -> memref<1x8x496xf32, #tpu.memory_space<vmem>>
          %dma_wait3A_307 = tpu.memref_squeeze %dma_wait3A_306 : memref<1x8x496xf32, #tpu.memory_space<vmem>> -> memref<8x496xf32, #tpu.memory_space<vmem>>
          tpu.wait_dma2 semaphore(%arg13 : memref<!tpu.dma_semaphore, #tpu.memory_space<semaphore_mem>>) src(%dma_wait3A_307 : memref<8x496xf32, #tpu.memory_space<vmem>>) dst(%dma_wait3A_303 : memref<8x496xf32, #tpu.memory_space<hbm>>)
        } else {
        }
        %scan3A_259 = arith.constant 0 : i32
        %scan3A_260 = arith.constant 0 : i32
        %scan3A_261 = arith.constant 8 : i32
        %scan3A_262 = arith.addi %scan3A_260, %scan3A_261 : i32
        %scan3A_263 = arith.constant 1 : i32
        scf.for %scan3A_289 = %scan3A_260 to %scan3A_262 step %scan3A_263  : i32 {
          %mul3A_290 = arith.constant 496 : i32
          %mul3A_291 = arith.muli %scan3A_289, %mul3A_290 : i32
          %add3A_292 = arith.constant 7936 : i32
          %add3A_293 = arith.addi %add3A_292, %mul3A_291 : i32
          %add3A_294 = arith.constant 0 : i32
          %add3A_295 = arith.addi %add3A_293, %add3A_294 : i32
          %get3A = arith.index_cast %add3A_295 : i32 to index
          %get3A_296 = tpu.vector_load %arg6[%get3A] {strides = array<i32>} : memref<11904xi32, #tpu.memory_space<vmem>>, vector<16xi32>,
          %add3A_297 = arith.constant 16 : i32
          %add3A_298 = arith.addi %add3A_293, %add3A_297 : i32
          %get3A_299 = arith.index_cast %add3A_298 : i32 to index
          %get3A_300 = tpu.vector_load %arg6[%get3A_299] {strides = array<i32>} : memref<11904xi32, #tpu.memory_space<vmem>>, vector<16xi32>,
          %add3A_301 = arith.constant 32 : i32
          %add3A_302 = arith.addi %add3A_293, %add3A_301 : i32
          %get3A_303 = arith.index_cast %add3A_302 : i32 to index
          %get3A_304 = tpu.vector_load %arg6[%get3A_303] {strides = array<i32>} : memref<11904xi32, #tpu.memory_space<vmem>>, vector<16xi32>,
          %add3A_305 = arith.constant 48 : i32
          %add3A_306 = arith.addi %add3A_293, %add3A_305 : i32
          %get3A_307 = arith.index_cast %add3A_306 : i32 to index
          %get3A_308 = tpu.vector_load %arg6[%get3A_307] {strides = array<i32>} : memref<11904xi32, #tpu.memory_space<vmem>>, vector<16xi32>,
          %add3A_309 = arith.constant 64 : i32
          %add3A_310 = arith.addi %add3A_293, %add3A_309 : i32
          %get3A_311 = arith.index_cast %add3A_310 : i32 to index
          %get3A_312 = tpu.vector_load %arg6[%get3A_311] {strides = array<i32>} : memref<11904xi32, #tpu.memory_space<vmem>>, vector<16xi32>,
          %add3A_313 = arith.constant 80 : i32
          %add3A_314 = arith.addi %add3A_293, %add3A_313 : i32
          %get3A_315 = arith.index_cast %add3A_314 : i32 to index
          %get3A_316 = tpu.vector_load %arg6[%get3A_315] {strides = array<i32>} : memref<11904xi32, #tpu.memory_space<vmem>>, vector<16xi32>,
          %add3A_317 = arith.constant 96 : i32
          %add3A_318 = arith.addi %add3A_293, %add3A_317 : i32
          %get3A_319 = arith.index_cast %add3A_318 : i32 to index
          %get3A_320 = tpu.vector_load %arg6[%get3A_319] {strides = array<i32>} : memref<11904xi32, #tpu.memory_space<vmem>>, vector<16xi32>,
          %add3A_321 = arith.constant 112 : i32
          %add3A_322 = arith.addi %add3A_293, %add3A_321 : i32
          %get3A_323 = arith.index_cast %add3A_322 : i32 to index
          %get3A_324 = tpu.vector_load %arg6[%get3A_323] {strides = array<i32>} : memref<11904xi32, #tpu.memory_space<vmem>>, vector<16xi32>,
          %add3A_325 = arith.constant 128 : i32
          %add3A_326 = arith.addi %add3A_293, %add3A_325 : i32
          %get3A_327 = arith.index_cast %add3A_326 : i32 to index
          %get3A_328 = tpu.vector_load %arg6[%get3A_327] {strides = array<i32>} : memref<11904xi32, #tpu.memory_space<vmem>>, vector<16xi32>,
          %gather3A = tpu.vector_load_idx %arg5[%get3A_296] : memref<100016xf32, #tpu.memory_space<vmem>>[vector<16xi32>], vector<16xf32>,
          %gather3A_329 = tpu.vector_load_idx %arg5[%get3A_300] : memref<100016xf32, #tpu.memory_space<vmem>>[vector<16xi32>], vector<16xf32>,
          %gather3A_330 = tpu.vector_load_idx %arg5[%get3A_304] : memref<100016xf32, #tpu.memory_space<vmem>>[vector<16xi32>], vector<16xf32>,
          %gather3A_331 = tpu.vector_load_idx %arg5[%get3A_308] : memref<100016xf32, #tpu.memory_space<vmem>>[vector<16xi32>], vector<16xf32>,
          %gather3A_332 = tpu.vector_load_idx %arg5[%get3A_312] : memref<100016xf32, #tpu.memory_space<vmem>>[vector<16xi32>], vector<16xf32>,
          %gather3A_333 = tpu.vector_load_idx %arg5[%get3A_316] : memref<100016xf32, #tpu.memory_space<vmem>>[vector<16xi32>], vector<16xf32>,
          %gather3A_334 = tpu.vector_load_idx %arg5[%get3A_320] : memref<100016xf32, #tpu.memory_space<vmem>>[vector<16xi32>], vector<16xf32>,
          %gather3A_335 = tpu.vector_load_idx %arg5[%get3A_324] : memref<100016xf32, #tpu.memory_space<vmem>>[vector<16xi32>], vector<16xf32>,
          %gather3A_336 = tpu.vector_load_idx %arg5[%get3A_328] : memref<100016xf32, #tpu.memory_space<vmem>>[vector<16xi32>], vector<16xf32>,
          %add3A_337 = arith.constant 144 : i32
          %add3A_338 = arith.addi %add3A_293, %add3A_337 : i32
          %get3A_339 = arith.index_cast %add3A_338 : i32 to index
          %get3A_340 = tpu.vector_load %arg6[%get3A_339] {strides = array<i32>} : memref<11904xi32, #tpu.memory_space<vmem>>, vector<16xi32>,
          %swap3A_341 = arith.constant 2 : i32
          %swap3A_342 = arith.index_cast %swap3A_341 : i32 to index
          %swap3A_343 = arith.index_cast %scan3A_289 : i32 to index
          %swap3A_344 = arith.constant 0 : index
          %swap3A_345 = tpu.vector_load %arg7[%swap3A_342, %swap3A_343, %swap3A_344] {strides = array<i32>} : memref<3x8x496xf32, #tpu.memory_space<vmem>>, vector<16xf32>,
          tpu.vector_store %arg7[%swap3A_342, %swap3A_343, %swap3A_344], %gather3A {strides = array<i32>} : memref<3x8x496xf32, #tpu.memory_space<vmem>>, vector<16xf32>,
          %add3A_346 = arith.constant 160 : i32
          %add3A_347 = arith.addi %add3A_293, %add3A_346 : i32
          %get3A_348 = arith.index_cast %add3A_347 : i32 to index
          %get3A_349 = tpu.vector_load %arg6[%get3A_348] {strides = array<i32>} : memref<11904xi32, #tpu.memory_space<vmem>>, vector<16xi32>,
          %swap3A_350 = arith.constant 2 : i32
          %swap3A_351 = arith.index_cast %swap3A_350 : i32 to index
          %swap3A_352 = arith.index_cast %scan3A_289 : i32 to index
          %swap3A_353 = arith.constant 16 : index
          %swap3A_354 = tpu.vector_load %arg7[%swap3A_351, %swap3A_352, %swap3A_353] {strides = array<i32>} : memref<3x8x496xf32, #tpu.memory_space<vmem>>, vector<16xf32>,
          tpu.vector_store %arg7[%swap3A_351, %swap3A_352, %swap3A_353], %gather3A_329 {strides = array<i32>} : memref<3x8x496xf32, #tpu.memory_space<vmem>>, vector<16xf32>,
          %add3A_355 = arith.constant 176 : i32
          %add3A_356 = arith.addi %add3A_293, %add3A_355 : i32
          %get3A_357 = arith.index_cast %add3A_356 : i32 to index
          %get3A_358 = tpu.vector_load %arg6[%get3A_357] {strides = array<i32>} : memref<11904xi32, #tpu.memory_space<vmem>>, vector<16xi32>,
          %swap3A_359 = arith.constant 2 : i32
          %swap3A_360 = arith.index_cast %swap3A_359 : i32 to index
          %swap3A_361 = arith.index_cast %scan3A_289 : i32 to index
          %swap3A_362 = arith.constant 32 : index
          %swap3A_363 = tpu.vector_load %arg7[%swap3A_360, %swap3A_361, %swap3A_362] {strides = array<i32>} : memref<3x8x496xf32, #tpu.memory_space<vmem>>, vector<16xf32>,
          tpu.vector_store %arg7[%swap3A_360, %swap3A_361, %swap3A_362], %gather3A_330 {strides = array<i32>} : memref<3x8x496xf32, #tpu.memory_space<vmem>>, vector<16xf32>,
          %add3A_364 = arith.constant 192 : i32
          %add3A_365 = arith.addi %add3A_293, %add3A_364 : i32
          %get3A_366 = arith.index_cast %add3A_365 : i32 to index
          %get3A_367 = tpu.vector_load %arg6[%get3A_366] {strides = array<i32>} : memref<11904xi32, #tpu.memory_space<vmem>>, vector<16xi32>,
          %swap3A_368 = arith.constant 2 : i32
          %swap3A_369 = arith.index_cast %swap3A_368 : i32 to index
          %swap3A_370 = arith.index_cast %scan3A_289 : i32 to index
          %swap3A_371 = arith.constant 48 : index
          %swap3A_372 = tpu.vector_load %arg7[%swap3A_369, %swap3A_370, %swap3A_371] {strides = array<i32>} : memref<3x8x496xf32, #tpu.memory_space<vmem>>, vector<16xf32>,
          tpu.vector_store %arg7[%swap3A_369, %swap3A_370, %swap3A_371], %gather3A_331 {strides = array<i32>} : memref<3x8x496xf32, #tpu.memory_space<vmem>>, vector<16xf32>,
          %add3A_373 = arith.constant 208 : i32
          %add3A_374 = arith.addi %add3A_293, %add3A_373 : i32
          %get3A_375 = arith.index_cast %add3A_374 : i32 to index
          %get3A_376 = tpu.vector_load %arg6[%get3A_375] {strides = array<i32>} : memref<11904xi32, #tpu.memory_space<vmem>>, vector<16xi32>,
          %swap3A_377 = arith.constant 2 : i32
          %swap3A_378 = arith.index_cast %swap3A_377 : i32 to index
          %swap3A_379 = arith.index_cast %scan3A_289 : i32 to index
          %swap3A_380 = arith.constant 64 : index
          %swap3A_381 = tpu.vector_load %arg7[%swap3A_378, %swap3A_379, %swap3A_380] {strides = array<i32>} : memref<3x8x496xf32, #tpu.memory_space<vmem>>, vector<16xf32>,
          tpu.vector_store %arg7[%swap3A_378, %swap3A_379, %swap3A_380], %gather3A_332 {strides = array<i32>} : memref<3x8x496xf32, #tpu.memory_space<vmem>>, vector<16xf32>,
          %add3A_382 = arith.constant 224 : i32
          %add3A_383 = arith.addi %add3A_293, %add3A_382 : i32
          %get3A_384 = arith.index_cast %add3A_383 : i32 to index
          %get3A_385 = tpu.vector_load %arg6[%get3A_384] {strides = array<i32>} : memref<11904xi32, #tpu.memory_space<vmem>>, vector<16xi32>,
          %swap3A_386 = arith.constant 2 : i32
          %swap3A_387 = arith.index_cast %swap3A_386 : i32 to index
          %swap3A_388 = arith.index_cast %scan3A_289 : i32 to index
          %swap3A_389 = arith.constant 80 : index
          %swap3A_390 = tpu.vector_load %arg7[%swap3A_387, %swap3A_388, %swap3A_389] {strides = array<i32>} : memref<3x8x496xf32, #tpu.memory_space<vmem>>, vector<16xf32>,
          tpu.vector_store %arg7[%swap3A_387, %swap3A_388, %swap3A_389], %gather3A_333 {strides = array<i32>} : memref<3x8x496xf32, #tpu.memory_space<vmem>>, vector<16xf32>,
          %add3A_391 = arith.constant 240 : i32
          %add3A_392 = arith.addi %add3A_293, %add3A_391 : i32
          %get3A_393 = arith.index_cast %add3A_392 : i32 to index
          %get3A_394 = tpu.vector_load %arg6[%get3A_393] {strides = array<i32>} : memref<11904xi32, #tpu.memory_space<vmem>>, vector<16xi32>,
          %swap3A_395 = arith.constant 2 : i32
          %swap3A_396 = arith.index_cast %swap3A_395 : i32 to index
          %swap3A_397 = arith.index_cast %scan3A_289 : i32 to index
          %swap3A_398 = arith.constant 96 : index
          %swap3A_399 = tpu.vector_load %arg7[%swap3A_396, %swap3A_397, %swap3A_398] {strides = array<i32>} : memref<3x8x496xf32, #tpu.memory_space<vmem>>, vector<16xf32>,
          tpu.vector_store %arg7[%swap3A_396, %swap3A_397, %swap3A_398], %gather3A_334 {strides = array<i32>} : memref<3x8x496xf32, #tpu.memory_space<vmem>>, vector<16xf32>,
          %add3A_400 = arith.constant 256 : i32
          %add3A_401 = arith.addi %add3A_293, %add3A_400 : i32
          %get3A_402 = arith.index_cast %add3A_401 : i32 to index
          %get3A_403 = tpu.vector_load %arg6[%get3A_402] {strides = array<i32>} : memref<11904xi32, #tpu.memory_space<vmem>>, vector<16xi32>,
          %swap3A_404 = arith.constant 2 : i32
          %swap3A_405 = arith.index_cast %swap3A_404 : i32 to index
          %swap3A_406 = arith.index_cast %scan3A_289 : i32 to index
          %swap3A_407 = arith.constant 112 : index
          %swap3A_408 = tpu.vector_load %arg7[%swap3A_405, %swap3A_406, %swap3A_407] {strides = array<i32>} : memref<3x8x496xf32, #tpu.memory_space<vmem>>, vector<16xf32>,
          tpu.vector_store %arg7[%swap3A_405, %swap3A_406, %swap3A_407], %gather3A_335 {strides = array<i32>} : memref<3x8x496xf32, #tpu.memory_space<vmem>>, vector<16xf32>,
          %add3A_409 = arith.constant 272 : i32
          %add3A_410 = arith.addi %add3A_293, %add3A_409 : i32
          %get3A_411 = arith.index_cast %add3A_410 : i32 to index
          %get3A_412 = tpu.vector_load %arg6[%get3A_411] {strides = array<i32>} : memref<11904xi32, #tpu.memory_space<vmem>>, vector<16xi32>,
          %swap3A_413 = arith.constant 2 : i32
          %swap3A_414 = arith.index_cast %swap3A_413 : i32 to index
          %swap3A_415 = arith.index_cast %scan3A_289 : i32 to index
          %swap3A_416 = arith.constant 128 : index
          %swap3A_417 = tpu.vector_load %arg7[%swap3A_414, %swap3A_415, %swap3A_416] {strides = array<i32>} : memref<3x8x496xf32, #tpu.memory_space<vmem>>, vector<16xf32>,
          tpu.vector_store %arg7[%swap3A_414, %swap3A_415, %swap3A_416], %gather3A_336 {strides = array<i32>} : memref<3x8x496xf32, #tpu.memory_space<vmem>>, vector<16xf32>,
          %gather3A_418 = tpu.vector_load_idx %arg5[%get3A_340] : memref<100016xf32, #tpu.memory_space<vmem>>[vector<16xi32>], vector<16xf32>,
          %gather3A_419 = tpu.vector_load_idx %arg5[%get3A_349] : memref<100016xf32, #tpu.memory_space<vmem>>[vector<16xi32>], vector<16xf32>,
          %gather3A_420 = tpu.vector_load_idx %arg5[%get3A_358] : memref<100016xf32, #tpu.memory_space<vmem>>[vector<16xi32>], vector<16xf32>,
          %gather3A_421 = tpu.vector_load_idx %arg5[%get3A_367] : memref<100016xf32, #tpu.memory_space<vmem>>[vector<16xi32>], vector<16xf32>,
          %gather3A_422 = tpu.vector_load_idx %arg5[%get3A_376] : memref<100016xf32, #tpu.memory_space<vmem>>[vector<16xi32>], vector<16xf32>,
          %gather3A_423 = tpu.vector_load_idx %arg5[%get3A_385] : memref<100016xf32, #tpu.memory_space<vmem>>[vector<16xi32>], vector<16xf32>,
          %gather3A_424 = tpu.vector_load_idx %arg5[%get3A_394] : memref<100016xf32, #tpu.memory_space<vmem>>[vector<16xi32>], vector<16xf32>,
          %gather3A_425 = tpu.vector_load_idx %arg5[%get3A_403] : memref<100016xf32, #tpu.memory_space<vmem>>[vector<16xi32>], vector<16xf32>,
          %gather3A_426 = tpu.vector_load_idx %arg5[%get3A_412] : memref<100016xf32, #tpu.memory_space<vmem>>[vector<16xi32>], vector<16xf32>,
          %add3A_427 = arith.constant 288 : i32
          %add3A_428 = arith.addi %add3A_293, %add3A_427 : i32
          %get3A_429 = arith.index_cast %add3A_428 : i32 to index
          %get3A_430 = tpu.vector_load %arg6[%get3A_429] {strides = array<i32>} : memref<11904xi32, #tpu.memory_space<vmem>>, vector<16xi32>,
          %swap3A_431 = arith.constant 2 : i32
          %swap3A_432 = arith.index_cast %swap3A_431 : i32 to index
          %swap3A_433 = arith.index_cast %scan3A_289 : i32 to index
          %swap3A_434 = arith.constant 144 : index
          %swap3A_435 = tpu.vector_load %arg7[%swap3A_432, %swap3A_433, %swap3A_434] {strides = array<i32>} : memref<3x8x496xf32, #tpu.memory_space<vmem>>, vector<16xf32>,
          tpu.vector_store %arg7[%swap3A_432, %swap3A_433, %swap3A_434], %gather3A_418 {strides = array<i32>} : memref<3x8x496xf32, #tpu.memory_space<vmem>>, vector<16xf32>,
          %add3A_436 = arith.constant 304 : i32
          %add3A_437 = arith.addi %add3A_293, %add3A_436 : i32
          %get3A_438 = arith.index_cast %add3A_437 : i32 to index
          %get3A_439 = tpu.vector_load %arg6[%get3A_438] {strides = array<i32>} : memref<11904xi32, #tpu.memory_space<vmem>>, vector<16xi32>,
          %swap3A_440 = arith.constant 2 : i32
          %swap3A_441 = arith.index_cast %swap3A_440 : i32 to index
          %swap3A_442 = arith.index_cast %scan3A_289 : i32 to index
          %swap3A_443 = arith.constant 160 : index
          %swap3A_444 = tpu.vector_load %arg7[%swap3A_441, %swap3A_442, %swap3A_443] {strides = array<i32>} : memref<3x8x496xf32, #tpu.memory_space<vmem>>, vector<16xf32>,
          tpu.vector_store %arg7[%swap3A_441, %swap3A_442, %swap3A_443], %gather3A_419 {strides = array<i32>} : memref<3x8x496xf32, #tpu.memory_space<vmem>>, vector<16xf32>,
          %add3A_445 = arith.constant 320 : i32
          %add3A_446 = arith.addi %add3A_293, %add3A_445 : i32
          %get3A_447 = arith.index_cast %add3A_446 : i32 to index
          %get3A_448 = tpu.vector_load %arg6[%get3A_447] {strides = array<i32>} : memref<11904xi32, #tpu.memory_space<vmem>>, vector<16xi32>,
          %swap3A_449 = arith.constant 2 : i32
          %swap3A_450 = arith.index_cast %swap3A_449 : i32 to index
          %swap3A_451 = arith.index_cast %scan3A_289 : i32 to index
          %swap3A_452 = arith.constant 176 : index
          %swap3A_453 = tpu.vector_load %arg7[%swap3A_450, %swap3A_451, %swap3A_452] {strides = array<i32>} : memref<3x8x496xf32, #tpu.memory_space<vmem>>, vector<16xf32>,
          tpu.vector_store %arg7[%swap3A_450, %swap3A_451, %swap3A_452], %gather3A_420 {strides = array<i32>} : memref<3x8x496xf32, #tpu.memory_space<vmem>>, vector<16xf32>,
          %add3A_454 = arith.constant 336 : i32
          %add3A_455 = arith.addi %add3A_293, %add3A_454 : i32
          %get3A_456 = arith.index_cast %add3A_455 : i32 to index
          %get3A_457 = tpu.vector_load %arg6[%get3A_456] {strides = array<i32>} : memref<11904xi32, #tpu.memory_space<vmem>>, vector<16xi32>,
          %swap3A_458 = arith.constant 2 : i32
          %swap3A_459 = arith.index_cast %swap3A_458 : i32 to index
          %swap3A_460 = arith.index_cast %scan3A_289 : i32 to index
          %swap3A_461 = arith.constant 192 : index
          %swap3A_462 = tpu.vector_load %arg7[%swap3A_459, %swap3A_460, %swap3A_461] {strides = array<i32>} : memref<3x8x496xf32, #tpu.memory_space<vmem>>, vector<16xf32>,
          tpu.vector_store %arg7[%swap3A_459, %swap3A_460, %swap3A_461], %gather3A_421 {strides = array<i32>} : memref<3x8x496xf32, #tpu.memory_space<vmem>>, vector<16xf32>,
          %add3A_463 = arith.constant 352 : i32
          %add3A_464 = arith.addi %add3A_293, %add3A_463 : i32
          %get3A_465 = arith.index_cast %add3A_464 : i32 to index
          %get3A_466 = tpu.vector_load %arg6[%get3A_465] {strides = array<i32>} : memref<11904xi32, #tpu.memory_space<vmem>>, vector<16xi32>,
          %swap3A_467 = arith.constant 2 : i32
          %swap3A_468 = arith.index_cast %swap3A_467 : i32 to index
          %swap3A_469 = arith.index_cast %scan3A_289 : i32 to index
          %swap3A_470 = arith.constant 208 : index
          %swap3A_471 = tpu.vector_load %arg7[%swap3A_468, %swap3A_469, %swap3A_470] {strides = array<i32>} : memref<3x8x496xf32, #tpu.memory_space<vmem>>, vector<16xf32>,
          tpu.vector_store %arg7[%swap3A_468, %swap3A_469, %swap3A_470], %gather3A_422 {strides = array<i32>} : memref<3x8x496xf32, #tpu.memory_space<vmem>>, vector<16xf32>,
          %add3A_472 = arith.constant 368 : i32
          %add3A_473 = arith.addi %add3A_293, %add3A_472 : i32
          %get3A_474 = arith.index_cast %add3A_473 : i32 to index
          %get3A_475 = tpu.vector_load %arg6[%get3A_474] {strides = array<i32>} : memref<11904xi32, #tpu.memory_space<vmem>>, vector<16xi32>,
          %swap3A_476 = arith.constant 2 : i32
          %swap3A_477 = arith.index_cast %swap3A_476 : i32 to index
          %swap3A_478 = arith.index_cast %scan3A_289 : i32 to index
          %swap3A_479 = arith.constant 224 : index
          %swap3A_480 = tpu.vector_load %arg7[%swap3A_477, %swap3A_478, %swap3A_479] {strides = array<i32>} : memref<3x8x496xf32, #tpu.memory_space<vmem>>, vector<16xf32>,
          tpu.vector_store %arg7[%swap3A_477, %swap3A_478, %swap3A_479], %gather3A_423 {strides = array<i32>} : memref<3x8x496xf32, #tpu.memory_space<vmem>>, vector<16xf32>,
          %add3A_481 = arith.constant 384 : i32
          %add3A_482 = arith.addi %add3A_293, %add3A_481 : i32
          %get3A_483 = arith.index_cast %add3A_482 : i32 to index
          %get3A_484 = tpu.vector_load %arg6[%get3A_483] {strides = array<i32>} : memref<11904xi32, #tpu.memory_space<vmem>>, vector<16xi32>,
          %swap3A_485 = arith.constant 2 : i32
          %swap3A_486 = arith.index_cast %swap3A_485 : i32 to index
          %swap3A_487 = arith.index_cast %scan3A_289 : i32 to index
          %swap3A_488 = arith.constant 240 : index
          %swap3A_489 = tpu.vector_load %arg7[%swap3A_486, %swap3A_487, %swap3A_488] {strides = array<i32>} : memref<3x8x496xf32, #tpu.memory_space<vmem>>, vector<16xf32>,
          tpu.vector_store %arg7[%swap3A_486, %swap3A_487, %swap3A_488], %gather3A_424 {strides = array<i32>} : memref<3x8x496xf32, #tpu.memory_space<vmem>>, vector<16xf32>,
          %add3A_490 = arith.constant 400 : i32
          %add3A_491 = arith.addi %add3A_293, %add3A_490 : i32
          %get3A_492 = arith.index_cast %add3A_491 : i32 to index
          %get3A_493 = tpu.vector_load %arg6[%get3A_492] {strides = array<i32>} : memref<11904xi32, #tpu.memory_space<vmem>>, vector<16xi32>,
          %swap3A_494 = arith.constant 2 : i32
          %swap3A_495 = arith.index_cast %swap3A_494 : i32 to index
          %swap3A_496 = arith.index_cast %scan3A_289 : i32 to index
          %swap3A_497 = arith.constant 256 : index
          %swap3A_498 = tpu.vector_load %arg7[%swap3A_495, %swap3A_496, %swap3A_497] {strides = array<i32>} : memref<3x8x496xf32, #tpu.memory_space<vmem>>, vector<16xf32>,
          tpu.vector_store %arg7[%swap3A_495, %swap3A_496, %swap3A_497], %gather3A_425 {strides = array<i32>} : memref<3x8x496xf32, #tpu.memory_space<vmem>>, vector<16xf32>,
          %add3A_499 = arith.constant 416 : i32
          %add3A_500 = arith.addi %add3A_293, %add3A_499 : i32
          %get3A_501 = arith.index_cast %add3A_500 : i32 to index
          %get3A_502 = tpu.vector_load %arg6[%get3A_501] {strides = array<i32>} : memref<11904xi32, #tpu.memory_space<vmem>>, vector<16xi32>,
          %swap3A_503 = arith.constant 2 : i32
          %swap3A_504 = arith.index_cast %swap3A_503 : i32 to index
          %swap3A_505 = arith.index_cast %scan3A_289 : i32 to index
          %swap3A_506 = arith.constant 272 : index
          %swap3A_507 = tpu.vector_load %arg7[%swap3A_504, %swap3A_505, %swap3A_506] {strides = array<i32>} : memref<3x8x496xf32, #tpu.memory_space<vmem>>, vector<16xf32>,
          tpu.vector_store %arg7[%swap3A_504, %swap3A_505, %swap3A_506], %gather3A_426 {strides = array<i32>} : memref<3x8x496xf32, #tpu.memory_space<vmem>>, vector<16xf32>,
          %gather3A_508 = tpu.vector_load_idx %arg5[%get3A_430] : memref<100016xf32, #tpu.memory_space<vmem>>[vector<16xi32>], vector<16xf32>,
          %gather3A_509 = tpu.vector_load_idx %arg5[%get3A_439] : memref<100016xf32, #tpu.memory_space<vmem>>[vector<16xi32>], vector<16xf32>,
          %gather3A_510 = tpu.vector_load_idx %arg5[%get3A_448] : memref<100016xf32, #tpu.memory_space<vmem>>[vector<16xi32>], vector<16xf32>,
          %gather3A_511 = tpu.vector_load_idx %arg5[%get3A_457] : memref<100016xf32, #tpu.memory_space<vmem>>[vector<16xi32>], vector<16xf32>,
          %gather3A_512 = tpu.vector_load_idx %arg5[%get3A_466] : memref<100016xf32, #tpu.memory_space<vmem>>[vector<16xi32>], vector<16xf32>,
          %gather3A_513 = tpu.vector_load_idx %arg5[%get3A_475] : memref<100016xf32, #tpu.memory_space<vmem>>[vector<16xi32>], vector<16xf32>,
          %gather3A_514 = tpu.vector_load_idx %arg5[%get3A_484] : memref<100016xf32, #tpu.memory_space<vmem>>[vector<16xi32>], vector<16xf32>,
          %gather3A_515 = tpu.vector_load_idx %arg5[%get3A_493] : memref<100016xf32, #tpu.memory_space<vmem>>[vector<16xi32>], vector<16xf32>,
          %gather3A_516 = tpu.vector_load_idx %arg5[%get3A_502] : memref<100016xf32, #tpu.memory_space<vmem>>[vector<16xi32>], vector<16xf32>,
          %add3A_517 = arith.constant 432 : i32
          %add3A_518 = arith.addi %add3A_293, %add3A_517 : i32
          %get3A_519 = arith.index_cast %add3A_518 : i32 to index
          %get3A_520 = tpu.vector_load %arg6[%get3A_519] {strides = array<i32>} : memref<11904xi32, #tpu.memory_space<vmem>>, vector<16xi32>,
          %swap3A_521 = arith.constant 2 : i32
          %swap3A_522 = arith.index_cast %swap3A_521 : i32 to index
          %swap3A_523 = arith.index_cast %scan3A_289 : i32 to index
          %swap3A_524 = arith.constant 288 : index
          %swap3A_525 = tpu.vector_load %arg7[%swap3A_522, %swap3A_523, %swap3A_524] {strides = array<i32>} : memref<3x8x496xf32, #tpu.memory_space<vmem>>, vector<16xf32>,
          tpu.vector_store %arg7[%swap3A_522, %swap3A_523, %swap3A_524], %gather3A_508 {strides = array<i32>} : memref<3x8x496xf32, #tpu.memory_space<vmem>>, vector<16xf32>,
          %add3A_526 = arith.constant 448 : i32
          %add3A_527 = arith.addi %add3A_293, %add3A_526 : i32
          %get3A_528 = arith.index_cast %add3A_527 : i32 to index
          %get3A_529 = tpu.vector_load %arg6[%get3A_528] {strides = array<i32>} : memref<11904xi32, #tpu.memory_space<vmem>>, vector<16xi32>,
          %swap3A_530 = arith.constant 2 : i32
          %swap3A_531 = arith.index_cast %swap3A_530 : i32 to index
          %swap3A_532 = arith.index_cast %scan3A_289 : i32 to index
          %swap3A_533 = arith.constant 304 : index
          %swap3A_534 = tpu.vector_load %arg7[%swap3A_531, %swap3A_532, %swap3A_533] {strides = array<i32>} : memref<3x8x496xf32, #tpu.memory_space<vmem>>, vector<16xf32>,
          tpu.vector_store %arg7[%swap3A_531, %swap3A_532, %swap3A_533], %gather3A_509 {strides = array<i32>} : memref<3x8x496xf32, #tpu.memory_space<vmem>>, vector<16xf32>,
          %add3A_535 = arith.constant 464 : i32
          %add3A_536 = arith.addi %add3A_293, %add3A_535 : i32
          %get3A_537 = arith.index_cast %add3A_536 : i32 to index
          %get3A_538 = tpu.vector_load %arg6[%get3A_537] {strides = array<i32>} : memref<11904xi32, #tpu.memory_space<vmem>>, vector<16xi32>,
          %swap3A_539 = arith.constant 2 : i32
          %swap3A_540 = arith.index_cast %swap3A_539 : i32 to index
          %swap3A_541 = arith.index_cast %scan3A_289 : i32 to index
          %swap3A_542 = arith.constant 320 : index
          %swap3A_543 = tpu.vector_load %arg7[%swap3A_540, %swap3A_541, %swap3A_542] {strides = array<i32>} : memref<3x8x496xf32, #tpu.memory_space<vmem>>, vector<16xf32>,
          tpu.vector_store %arg7[%swap3A_540, %swap3A_541, %swap3A_542], %gather3A_510 {strides = array<i32>} : memref<3x8x496xf32, #tpu.memory_space<vmem>>, vector<16xf32>,
          %add3A_544 = arith.constant 480 : i32
          %add3A_545 = arith.addi %add3A_293, %add3A_544 : i32
          %get3A_546 = arith.index_cast %add3A_545 : i32 to index
          %get3A_547 = tpu.vector_load %arg6[%get3A_546] {strides = array<i32>} : memref<11904xi32, #tpu.memory_space<vmem>>, vector<16xi32>,
          %swap3A_548 = arith.constant 2 : i32
          %swap3A_549 = arith.index_cast %swap3A_548 : i32 to index
          %swap3A_550 = arith.index_cast %scan3A_289 : i32 to index
          %swap3A_551 = arith.constant 336 : index
          %swap3A_552 = tpu.vector_load %arg7[%swap3A_549, %swap3A_550, %swap3A_551] {strides = array<i32>} : memref<3x8x496xf32, #tpu.memory_space<vmem>>, vector<16xf32>,
          tpu.vector_store %arg7[%swap3A_549, %swap3A_550, %swap3A_551], %gather3A_511 {strides = array<i32>} : memref<3x8x496xf32, #tpu.memory_space<vmem>>, vector<16xf32>,
          %swap3A_553 = arith.constant 2 : i32
          %swap3A_554 = arith.index_cast %swap3A_553 : i32 to index
          %swap3A_555 = arith.index_cast %scan3A_289 : i32 to index
          %swap3A_556 = arith.constant 352 : index
          %swap3A_557 = tpu.vector_load %arg7[%swap3A_554, %swap3A_555, %swap3A_556] {strides = array<i32>} : memref<3x8x496xf32, #tpu.memory_space<vmem>>, vector<16xf32>,
          tpu.vector_store %arg7[%swap3A_554, %swap3A_555, %swap3A_556], %gather3A_512 {strides = array<i32>} : memref<3x8x496xf32, #tpu.memory_space<vmem>>, vector<16xf32>,
          %swap3A_558 = arith.constant 2 : i32
          %swap3A_559 = arith.index_cast %swap3A_558 : i32 to index
          %swap3A_560 = arith.index_cast %scan3A_289 : i32 to index
          %swap3A_561 = arith.constant 368 : index
          %swap3A_562 = tpu.vector_load %arg7[%swap3A_559, %swap3A_560, %swap3A_561] {strides = array<i32>} : memref<3x8x496xf32, #tpu.memory_space<vmem>>, vector<16xf32>,
          tpu.vector_store %arg7[%swap3A_559, %swap3A_560, %swap3A_561], %gather3A_513 {strides = array<i32>} : memref<3x8x496xf32, #tpu.memory_space<vmem>>, vector<16xf32>,
          %swap3A_563 = arith.constant 2 : i32
          %swap3A_564 = arith.index_cast %swap3A_563 : i32 to index
          %swap3A_565 = arith.index_cast %scan3A_289 : i32 to index
          %swap3A_566 = arith.constant 384 : index
          %swap3A_567 = tpu.vector_load %arg7[%swap3A_564, %swap3A_565, %swap3A_566] {strides = array<i32>} : memref<3x8x496xf32, #tpu.memory_space<vmem>>, vector<16xf32>,
          tpu.vector_store %arg7[%swap3A_564, %swap3A_565, %swap3A_566], %gather3A_514 {strides = array<i32>} : memref<3x8x496xf32, #tpu.memory_space<vmem>>, vector<16xf32>,
          %swap3A_568 = arith.constant 2 : i32
          %swap3A_569 = arith.index_cast %swap3A_568 : i32 to index
          %swap3A_570 = arith.index_cast %scan3A_289 : i32 to index
          %swap3A_571 = arith.constant 400 : index
          %swap3A_572 = tpu.vector_load %arg7[%swap3A_569, %swap3A_570, %swap3A_571] {strides = array<i32>} : memref<3x8x496xf32, #tpu.memory_space<vmem>>, vector<16xf32>,
          tpu.vector_store %arg7[%swap3A_569, %swap3A_570, %swap3A_571], %gather3A_515 {strides = array<i32>} : memref<3x8x496xf32, #tpu.memory_space<vmem>>, vector<16xf32>,
          %swap3A_573 = arith.constant 2 : i32
          %swap3A_574 = arith.index_cast %swap3A_573 : i32 to index
          %swap3A_575 = arith.index_cast %scan3A_289 : i32 to index
          %swap3A_576 = arith.constant 416 : index
          %swap3A_577 = tpu.vector_load %arg7[%swap3A_574, %swap3A_575, %swap3A_576] {strides = array<i32>} : memref<3x8x496xf32, #tpu.memory_space<vmem>>, vector<16xf32>,
          tpu.vector_store %arg7[%swap3A_574, %swap3A_575, %swap3A_576], %gather3A_516 {strides = array<i32>} : memref<3x8x496xf32, #tpu.memory_space<vmem>>, vector<16xf32>,
          %gather3A_578 = tpu.vector_load_idx %arg5[%get3A_520] : memref<100016xf32, #tpu.memory_space<vmem>>[vector<16xi32>], vector<16xf32>,
          %gather3A_579 = tpu.vector_load_idx %arg5[%get3A_529] : memref<100016xf32, #tpu.memory_space<vmem>>[vector<16xi32>], vector<16xf32>,
          %gather3A_580 = tpu.vector_load_idx %arg5[%get3A_538] : memref<100016xf32, #tpu.memory_space<vmem>>[vector<16xi32>], vector<16xf32>,
          %gather3A_581 = tpu.vector_load_idx %arg5[%get3A_547] : memref<100016xf32, #tpu.memory_space<vmem>>[vector<16xi32>], vector<16xf32>,
          %swap3A_582 = arith.constant 2 : i32
          %swap3A_583 = arith.index_cast %swap3A_582 : i32 to index
          %swap3A_584 = arith.index_cast %scan3A_289 : i32 to index
          %swap3A_585 = arith.constant 432 : index
          %swap3A_586 = tpu.vector_load %arg7[%swap3A_583, %swap3A_584, %swap3A_585] {strides = array<i32>} : memref<3x8x496xf32, #tpu.memory_space<vmem>>, vector<16xf32>,
          tpu.vector_store %arg7[%swap3A_583, %swap3A_584, %swap3A_585], %gather3A_578 {strides = array<i32>} : memref<3x8x496xf32, #tpu.memory_space<vmem>>, vector<16xf32>,
          %swap3A_587 = arith.constant 2 : i32
          %swap3A_588 = arith.index_cast %swap3A_587 : i32 to index
          %swap3A_589 = arith.index_cast %scan3A_289 : i32 to index
          %swap3A_590 = arith.constant 448 : index
          %swap3A_591 = tpu.vector_load %arg7[%swap3A_588, %swap3A_589, %swap3A_590] {strides = array<i32>} : memref<3x8x496xf32, #tpu.memory_space<vmem>>, vector<16xf32>,
          tpu.vector_store %arg7[%swap3A_588, %swap3A_589, %swap3A_590], %gather3A_579 {strides = array<i32>} : memref<3x8x496xf32, #tpu.memory_space<vmem>>, vector<16xf32>,
          %swap3A_592 = arith.constant 2 : i32
          %swap3A_593 = arith.index_cast %swap3A_592 : i32 to index
          %swap3A_594 = arith.index_cast %scan3A_289 : i32 to index
          %swap3A_595 = arith.constant 464 : index
          %swap3A_596 = tpu.vector_load %arg7[%swap3A_593, %swap3A_594, %swap3A_595] {strides = array<i32>} : memref<3x8x496xf32, #tpu.memory_space<vmem>>, vector<16xf32>,
          tpu.vector_store %arg7[%swap3A_593, %swap3A_594, %swap3A_595], %gather3A_580 {strides = array<i32>} : memref<3x8x496xf32, #tpu.memory_space<vmem>>, vector<16xf32>,
          %swap3A_597 = arith.constant 2 : i32
          %swap3A_598 = arith.index_cast %swap3A_597 : i32 to index
          %swap3A_599 = arith.index_cast %scan3A_289 : i32 to index
          %swap3A_600 = arith.constant 480 : index
          %swap3A_601 = tpu.vector_load %arg7[%swap3A_598, %swap3A_599, %swap3A_600] {strides = array<i32>} : memref<3x8x496xf32, #tpu.memory_space<vmem>>, vector<16xf32>,
          tpu.vector_store %arg7[%swap3A_598, %swap3A_599, %swap3A_600], %gather3A_581 {strides = array<i32>} : memref<3x8x496xf32, #tpu.memory_space<vmem>>, vector<16xf32>,
        }
        %scan3A_264 = arith.constant 8 : i32
        %add3A_265 = arith.constant 3 : i32
        %add3A_266 = arith.addi %add3A_245, %add3A_265 : i32
        %lt3A_267 = arith.constant 54 : i32
        %lt3A_268 = arith.cmpi slt, %add3A_266, %lt3A_267 : i32
        %convert_element_type3A_269 = arith.extui %lt3A_268 : i1 to i32
        %cond3A_270 = arith.constant 0 : i32
        %cond3A_271 = arith.cmpi ne, %convert_element_type3A_269, %cond3A_270 : i32
        scf.if %cond3A_271 {
          %add3A_289 = arith.constant 3 : i32
          %add3A_290 = arith.addi %add3A_245, %add3A_289 : i32
          %mul3A_291 = arith.constant 214272 : i32
          %mul3A_292 = arith.muli %select_n3A, %mul3A_291 : i32
          %mul3A_293 = arith.constant 3968 : i32
          %mul3A_294 = arith.muli %add3A_290, %mul3A_293 : i32
          %add3A_295 = arith.addi %mul3A_292, %mul3A_294 : i32
          %dma_start3A_296 = arith.constant 7936 : i32
          %dma_start3A_297 = tpu.memref_slice %arg6[%dma_start3A_296] : memref<11904xi32, #tpu.memory_space<vmem>> -> memref<3968xi32, #tpu.memory_space<vmem>>
          %dma_start3A_298 = tpu.memref_slice %arg3[%add3A_295] : memref<857088xi32, #tpu.memory_space<hbm>> -> memref<3968xi32, #tpu.memory_space<hbm>>
          %dma_start3A_299 = arith.constant 7936 : i32
          %dma_start3A_300 = tpu.memref_slice %arg6[%dma_start3A_299] : memref<11904xi32, #tpu.memory_space<vmem>> -> memref<3968xi32, #tpu.memory_space<vmem>>
          %dma_start3A_301 = tpu.memref_slice %arg3[%add3A_295] : memref<857088xi32, #tpu.memory_space<hbm>> -> memref<3968xi32, #tpu.memory_space<hbm>>
          tpu.enqueue_dma source(%dma_start3A_301 : memref<3968xi32, #tpu.memory_space<hbm>>) target(%dma_start3A_300 : memref<3968xi32, #tpu.memory_space<vmem>>) target_semaphore(%arg10 : memref<!tpu.dma_semaphore, #tpu.memory_space<semaphore_mem>>)
        } else {
        }
        %mul3A_272 = arith.constant 8 : i32
        %mul3A_273 = arith.muli %add3A_245, %mul3A_272 : i32
        %dma_start3A_274 = arith.constant 2 : i32
        %dma_start3A_275 = arith.constant 0 : i32
        %dma_start3A_276 = arith.constant 0 : i32
        %dma_start3A_277 = tpu.memref_slice %arg7[%dma_start3A_274, %dma_start3A_275, %dma_start3A_276] : memref<3x8x496xf32, #tpu.memory_space<vmem>> -> memref<1x8x496xf32, #tpu.memory_space<vmem>>
        %dma_start3A_278 = tpu.memref_squeeze %dma_start3A_277 : memref<1x8x496xf32, #tpu.memory_space<vmem>> -> memref<8x496xf32, #tpu.memory_space<vmem>>
        %dma_start3A_279 = arith.constant 0 : i32
        %dma_start3A_280 = tpu.memref_slice %arg4[%select_n3A, %select_n3A_41, %mul3A_273, %dma_start3A_279] : memref<4x64x432x496xf32, #tpu.memory_space<hbm>> -> memref<1x1x8x496xf32, #tpu.memory_space<hbm>>
        %dma_start3A_281 = tpu.memref_squeeze %dma_start3A_280 : memref<1x1x8x496xf32, #tpu.memory_space<hbm>> -> memref<8x496xf32, #tpu.memory_space<hbm>>
        %dma_start3A_282 = arith.constant 0 : i32
        %dma_start3A_283 = tpu.memref_slice %arg4[%select_n3A, %select_n3A_41, %mul3A_273, %dma_start3A_282] : memref<4x64x432x496xf32, #tpu.memory_space<hbm>> -> memref<1x1x8x496xf32, #tpu.memory_space<hbm>>
        %dma_start3A_284 = tpu.memref_squeeze %dma_start3A_283 : memref<1x1x8x496xf32, #tpu.memory_space<hbm>> -> memref<8x496xf32, #tpu.memory_space<hbm>>
        %dma_start3A_285 = arith.constant 0 : i32
        %dma_start3A_286 = arith.constant 0 : i32
        %dma_start3A_287 = tpu.memref_slice %arg7[%dma_start3A_274, %dma_start3A_285, %dma_start3A_286] : memref<3x8x496xf32, #tpu.memory_space<vmem>> -> memref<1x8x496xf32, #tpu.memory_space<vmem>>
        %dma_start3A_288 = tpu.memref_squeeze %dma_start3A_287 : memref<1x8x496xf32, #tpu.memory_space<vmem>> -> memref<8x496xf32, #tpu.memory_space<vmem>>
        tpu.enqueue_dma source(%dma_start3A_288 : memref<8x496xf32, #tpu.memory_space<vmem>>) target(%dma_start3A_284 : memref<8x496xf32, #tpu.memory_space<hbm>>) target_semaphore(%arg13 : memref<!tpu.dma_semaphore, #tpu.memory_space<semaphore_mem>>)
      }
      %scan3A_83 = arith.constant 18 : i32
      %add3A_84 = arith.constant 1 : i32
      %add3A_85 = arith.addi %scan3A_8, %add3A_84 : i32
      %lt3A_86 = arith.constant 8 : i32
      %lt3A_87 = arith.cmpi slt, %add3A_85, %lt3A_86 : i32
      %convert_element_type3A_88 = arith.extui %lt3A_87 : i1 to i32
      %cond3A_89 = arith.constant 0 : i32
      %cond3A_90 = arith.cmpi ne, %convert_element_type3A_88, %cond3A_89 : i32
      scf.if %cond3A_90 {
        %add3A_147 = arith.constant 1 : i32
        %add3A_148 = arith.addi %add3A_11, %add3A_147 : i32
        %mul3A_149 = arith.constant 100000 : i32
        %mul3A_150 = arith.muli %add3A_148, %mul3A_149 : i32
        %dma_start3A_151 = arith.constant 0 : i32
        %dma_start3A_152 = tpu.memref_slice %arg5[%dma_start3A_151] : memref<100016xf32, #tpu.memory_space<vmem>> -> memref<100000xf32, #tpu.memory_space<vmem>>
        %dma_start3A_153 = tpu.memref_slice %arg2[%mul3A_150] : memref<25600000xf32, #tpu.memory_space<hbm>> -> memref<100000xf32, #tpu.memory_space<hbm>>
        %dma_start3A_154 = arith.constant 0 : i32
        %dma_start3A_155 = tpu.memref_slice %arg5[%dma_start3A_154] : memref<100016xf32, #tpu.memory_space<vmem>> -> memref<100000xf32, #tpu.memory_space<vmem>>
        %dma_start3A_156 = tpu.memref_slice %arg2[%mul3A_150] : memref<25600000xf32, #tpu.memory_space<hbm>> -> memref<100000xf32, #tpu.memory_space<hbm>>
        tpu.enqueue_dma source(%dma_start3A_156 : memref<100000xf32, #tpu.memory_space<hbm>>) target(%dma_start3A_155 : memref<100000xf32, #tpu.memory_space<vmem>>) target_semaphore(%arg14 : memref<!tpu.dma_semaphore, #tpu.memory_space<semaphore_mem>>)
      } else {
      }
      %dma_wait3A = arith.constant 0 : i32
      %dma_wait3A_91 = arith.constant 0 : i32
      %dma_wait3A_92 = arith.constant 0 : i32
      %dma_wait3A_93 = arith.constant 0 : i32
      %dma_wait3A_94 = arith.constant 0 : i32
      %dma_wait3A_95 = tpu.memref_slice %arg7[%dma_wait3A, %dma_wait3A_93, %dma_wait3A_94] : memref<3x8x496xf32, #tpu.memory_space<vmem>> -> memref<1x8x496xf32, #tpu.memory_space<vmem>>
      %dma_wait3A_96 = tpu.memref_squeeze %dma_wait3A_95 : memref<1x8x496xf32, #tpu.memory_space<vmem>> -> memref<8x496xf32, #tpu.memory_space<vmem>>
      %dma_wait3A_97 = arith.constant 0 : i32
      %dma_wait3A_98 = arith.constant 0 : i32
      %dma_wait3A_99 = tpu.memref_slice %arg4[%dma_wait3A_91, %dma_wait3A_92, %dma_wait3A_97, %dma_wait3A_98] : memref<4x64x432x496xf32, #tpu.memory_space<hbm>> -> memref<1x1x8x496xf32, #tpu.memory_space<hbm>>
      %dma_wait3A_100 = tpu.memref_squeeze %dma_wait3A_99 : memref<1x1x8x496xf32, #tpu.memory_space<hbm>> -> memref<8x496xf32, #tpu.memory_space<hbm>>
      %dma_wait3A_101 = arith.constant 0 : i32
      %dma_wait3A_102 = arith.constant 0 : i32
      %dma_wait3A_103 = tpu.memref_slice %arg4[%dma_wait3A_91, %dma_wait3A_92, %dma_wait3A_101, %dma_wait3A_102] : memref<4x64x432x496xf32, #tpu.memory_space<hbm>> -> memref<1x1x8x496xf32, #tpu.memory_space<hbm>>
      %dma_wait3A_104 = tpu.memref_squeeze %dma_wait3A_103 : memref<1x1x8x496xf32, #tpu.memory_space<hbm>> -> memref<8x496xf32, #tpu.memory_space<hbm>>
      %dma_wait3A_105 = arith.constant 0 : i32
      %dma_wait3A_106 = arith.constant 0 : i32
      %dma_wait3A_107 = tpu.memref_slice %arg7[%dma_wait3A, %dma_wait3A_105, %dma_wait3A_106] : memref<3x8x496xf32, #tpu.memory_space<vmem>> -> memref<1x8x496xf32, #tpu.memory_space<vmem>>
      %dma_wait3A_108 = tpu.memref_squeeze %dma_wait3A_107 : memref<1x8x496xf32, #tpu.memory_space<vmem>> -> memref<8x496xf32, #tpu.memory_space<vmem>>
      tpu.wait_dma2 semaphore(%arg11 : memref<!tpu.dma_semaphore, #tpu.memory_space<semaphore_mem>>) src(%dma_wait3A_108 : memref<8x496xf32, #tpu.memory_space<vmem>>) dst(%dma_wait3A_104 : memref<8x496xf32, #tpu.memory_space<hbm>>)
      %dma_wait3A_109 = arith.constant 1 : i32
      %dma_wait3A_110 = arith.constant 0 : i32
      %dma_wait3A_111 = arith.constant 0 : i32
      %dma_wait3A_112 = arith.constant 0 : i32
      %dma_wait3A_113 = arith.constant 0 : i32
      %dma_wait3A_114 = tpu.memref_slice %arg7[%dma_wait3A_109, %dma_wait3A_112, %dma_wait3A_113] : memref<3x8x496xf32, #tpu.memory_space<vmem>> -> memref<1x8x496xf32, #tpu.memory_space<vmem>>
      %dma_wait3A_115 = tpu.memref_squeeze %dma_wait3A_114 : memref<1x8x496xf32, #tpu.memory_space<vmem>> -> memref<8x496xf32, #tpu.memory_space<vmem>>
      %dma_wait3A_116 = arith.constant 0 : i32
      %dma_wait3A_117 = arith.constant 0 : i32
      %dma_wait3A_118 = tpu.memref_slice %arg4[%dma_wait3A_110, %dma_wait3A_111, %dma_wait3A_116, %dma_wait3A_117] : memref<4x64x432x496xf32, #tpu.memory_space<hbm>> -> memref<1x1x8x496xf32, #tpu.memory_space<hbm>>
      %dma_wait3A_119 = tpu.memref_squeeze %dma_wait3A_118 : memref<1x1x8x496xf32, #tpu.memory_space<hbm>> -> memref<8x496xf32, #tpu.memory_space<hbm>>
      %dma_wait3A_120 = arith.constant 0 : i32
      %dma_wait3A_121 = arith.constant 0 : i32
      %dma_wait3A_122 = tpu.memref_slice %arg4[%dma_wait3A_110, %dma_wait3A_111, %dma_wait3A_120, %dma_wait3A_121] : memref<4x64x432x496xf32, #tpu.memory_space<hbm>> -> memref<1x1x8x496xf32, #tpu.memory_space<hbm>>
      %dma_wait3A_123 = tpu.memref_squeeze %dma_wait3A_122 : memref<1x1x8x496xf32, #tpu.memory_space<hbm>> -> memref<8x496xf32, #tpu.memory_space<hbm>>
      %dma_wait3A_124 = arith.constant 0 : i32
      %dma_wait3A_125 = arith.constant 0 : i32
      %dma_wait3A_126 = tpu.memref_slice %arg7[%dma_wait3A_109, %dma_wait3A_124, %dma_wait3A_125] : memref<3x8x496xf32, #tpu.memory_space<vmem>> -> memref<1x8x496xf32, #tpu.memory_space<vmem>>
      %dma_wait3A_127 = tpu.memref_squeeze %dma_wait3A_126 : memref<1x8x496xf32, #tpu.memory_space<vmem>> -> memref<8x496xf32, #tpu.memory_space<vmem>>
      tpu.wait_dma2 semaphore(%arg12 : memref<!tpu.dma_semaphore, #tpu.memory_space<semaphore_mem>>) src(%dma_wait3A_127 : memref<8x496xf32, #tpu.memory_space<vmem>>) dst(%dma_wait3A_123 : memref<8x496xf32, #tpu.memory_space<hbm>>)
      %dma_wait3A_128 = arith.constant 2 : i32
      %dma_wait3A_129 = arith.constant 0 : i32
      %dma_wait3A_130 = arith.constant 0 : i32
      %dma_wait3A_131 = arith.constant 0 : i32
      %dma_wait3A_132 = arith.constant 0 : i32
      %dma_wait3A_133 = tpu.memref_slice %arg7[%dma_wait3A_128, %dma_wait3A_131, %dma_wait3A_132] : memref<3x8x496xf32, #tpu.memory_space<vmem>> -> memref<1x8x496xf32, #tpu.memory_space<vmem>>
      %dma_wait3A_134 = tpu.memref_squeeze %dma_wait3A_133 : memref<1x8x496xf32, #tpu.memory_space<vmem>> -> memref<8x496xf32, #tpu.memory_space<vmem>>
      %dma_wait3A_135 = arith.constant 0 : i32
      %dma_wait3A_136 = arith.constant 0 : i32
      %dma_wait3A_137 = tpu.memref_slice %arg4[%dma_wait3A_129, %dma_wait3A_130, %dma_wait3A_135, %dma_wait3A_136] : memref<4x64x432x496xf32, #tpu.memory_space<hbm>> -> memref<1x1x8x496xf32, #tpu.memory_space<hbm>>
      %dma_wait3A_138 = tpu.memref_squeeze %dma_wait3A_137 : memref<1x1x8x496xf32, #tpu.memory_space<hbm>> -> memref<8x496xf32, #tpu.memory_space<hbm>>
      %dma_wait3A_139 = arith.constant 0 : i32
      %dma_wait3A_140 = arith.constant 0 : i32
      %dma_wait3A_141 = tpu.memref_slice %arg4[%dma_wait3A_129, %dma_wait3A_130, %dma_wait3A_139, %dma_wait3A_140] : memref<4x64x432x496xf32, #tpu.memory_space<hbm>> -> memref<1x1x8x496xf32, #tpu.memory_space<hbm>>
      %dma_wait3A_142 = tpu.memref_squeeze %dma_wait3A_141 : memref<1x1x8x496xf32, #tpu.memory_space<hbm>> -> memref<8x496xf32, #tpu.memory_space<hbm>>
      %dma_wait3A_143 = arith.constant 0 : i32
      %dma_wait3A_144 = arith.constant 0 : i32
      %dma_wait3A_145 = tpu.memref_slice %arg7[%dma_wait3A_128, %dma_wait3A_143, %dma_wait3A_144] : memref<3x8x496xf32, #tpu.memory_space<vmem>> -> memref<1x8x496xf32, #tpu.memory_space<vmem>>
      %dma_wait3A_146 = tpu.memref_squeeze %dma_wait3A_145 : memref<1x8x496xf32, #tpu.memory_space<vmem>> -> memref<8x496xf32, #tpu.memory_space<vmem>>
      tpu.wait_dma2 semaphore(%arg13 : memref<!tpu.dma_semaphore, #tpu.memory_space<semaphore_mem>>) src(%dma_wait3A_146 : memref<8x496xf32, #tpu.memory_space<vmem>>) dst(%dma_wait3A_142 : memref<8x496xf32, #tpu.memory_space<hbm>>)
    }
    %scan3A_7 = arith.constant 8 : i32
    return
  }
}

#map = affine_map<(d0, d1) -> (0)>
module attributes {stable_mosaic.version = 14 : i64} {
  func.func @_winner_map_body(%arg0: i32, %arg1: i32, %arg2: memref<400000xi32, #tpu.memory_space<hbm>>, %arg3: memref<857088xi32, #tpu.memory_space<hbm>>, %arg4: memref<26784xi32, #tpu.memory_space<vmem>>, %arg5: memref<4000xi32, #tpu.memory_space<vmem>>) attributes {dimension_semantics = [#tpu.dimension_semantics<core_parallel>, #tpu.dimension_semantics<subcore_parallel>], iteration_bounds = array<i64: 2, 16>, scalar_prefetch = 0 : i64, scratch_operands = 2 : i64, tpu.core_type = #tpu.core_type<sc_vector_subcore>, window_params = [{transform_indices = #map}, {transform_indices = #map}]} {
    %mul3A = arith.constant 2 : i32
    %mul3A_0 = arith.muli %arg1, %mul3A : i32
    %add3A = arith.addi %mul3A_0, %arg0 : i32
    %jit3A = arith.constant 8 : i32
    %div3A = arith.divsi %add3A, %jit3A : i32
    %sign3A = arith.constant 0 : i32
    %sign3A_1 = arith.cmpi sgt, %add3A, %sign3A : i32
    %sign3A_2 = arith.extui %sign3A_1 : i1 to i32
    %sign3A_3 = arith.constant 0 : i32
    %sign3A_4 = arith.cmpi slt, %add3A, %sign3A_3 : i32
    %sign3A_5 = arith.extui %sign3A_4 : i1 to i32
    %sign3A_6 = arith.subi %sign3A_2, %sign3A_5 : i32
    %sign3A_7 = arith.constant 0 : i32
    %sign3A_8 = arith.cmpi sgt, %jit3A, %sign3A_7 : i32
    %sign3A_9 = arith.extui %sign3A_8 : i1 to i32
    %sign3A_10 = arith.constant 0 : i32
    %sign3A_11 = arith.cmpi slt, %jit3A, %sign3A_10 : i32
    %sign3A_12 = arith.extui %sign3A_11 : i1 to i32
    %sign3A_13 = arith.subi %sign3A_9, %sign3A_12 : i32
    %ne3A = arith.cmpi ne, %sign3A_6, %sign3A_13 : i32
    %rem3A = arith.remsi %add3A, %jit3A : i32
    %ne3A_14 = arith.constant 0 : i32
    %ne3A_15 = arith.cmpi ne, %rem3A, %ne3A_14 : i32
    %and3A = arith.andi %ne3A, %ne3A_15 : i1
    %sub3A = arith.constant 1 : i32
    %sub3A_16 = arith.subi %div3A, %sub3A : i32
    %select_n3A = arith.select %and3A, %sub3A_16, %div3A : i32
    %jit3A_17 = arith.constant 8 : i32
    %eq3A = arith.constant 0 : i32
    %eq3A_18 = arith.cmpi eq, %jit3A_17, %eq3A : i32
    %jit3A_19 = arith.constant 1 : i32
    %select_n3A_20 = arith.select %eq3A_18, %jit3A_19, %jit3A_17 : i32
    %rem3A_21 = arith.remsi %add3A, %select_n3A_20 : i32
    %ne3A_22 = arith.constant 0 : i32
    %ne3A_23 = arith.cmpi ne, %rem3A_21, %ne3A_22 : i32
    %lt3A = arith.constant 0 : i32
    %lt3A_24 = arith.cmpi slt, %rem3A_21, %lt3A : i32
    %lt3A_25 = arith.constant 0 : i32
    %lt3A_26 = arith.cmpi slt, %select_n3A_20, %lt3A_25 : i32
    %ne3A_27 = arith.xori %lt3A_24, %lt3A_26 : i1
    %and3A_28 = arith.andi %ne3A_27, %ne3A_23 : i1
    %add3A_29 = arith.addi %rem3A_21, %select_n3A_20 : i32
    %select_n3A_30 = arith.select %and3A_28, %add3A_29, %rem3A_21 : i32
    %mul3A_31 = arith.constant 26784 : i32
    %mul3A_32 = arith.muli %select_n3A_30, %mul3A_31 : i32
    %scan3A = arith.constant 0 : i32
    %scan3A_33 = arith.constant 0 : i32
    %scan3A_34 = arith.constant 1674 : i32
    %scan3A_35 = arith.addi %scan3A_33, %scan3A_34 : i32
    %scan3A_36 = arith.constant 1 : i32
    scf.for %scan3A_47 = %scan3A_33 to %scan3A_35 step %scan3A_36  : i32 {
      %broadcast_in_dim3A = arith.constant 100000 : i32
      %broadcast_in_dim3A_48 = vector.broadcast %broadcast_in_dim3A : i32 to vector<16xi32>
      %mul3A_49 = arith.constant 16 : i32
      %mul3A_50 = arith.muli %scan3A_47, %mul3A_49 : i32
      %swap3A = arith.index_cast %mul3A_50 : i32 to index
      %swap3A_51 = tpu.vector_load %arg4[%swap3A] {strides = array<i32>} : memref<26784xi32, #tpu.memory_space<vmem>>, vector<16xi32>,
      tpu.vector_store %arg4[%swap3A], %broadcast_in_dim3A_48 {strides = array<i32>} : memref<26784xi32, #tpu.memory_space<vmem>>, vector<16xi32>,
    }
    %scan3A_37 = arith.constant 1674 : i32
    %scan3A_38 = arith.constant 0 : i32
    %scan3A_39 = arith.constant 0 : i32
    %scan3A_40 = arith.constant 25 : i32
    %scan3A_41 = arith.addi %scan3A_39, %scan3A_40 : i32
    %scan3A_42 = arith.constant 1 : i32
    scf.for %scan3A_47 = %scan3A_39 to %scan3A_41 step %scan3A_42  : i32 {
      %mul3A_48 = arith.constant 100000 : i32
      %mul3A_49 = arith.muli %select_n3A, %mul3A_48 : i32
      %mul3A_50 = arith.constant 4000 : i32
      %mul3A_51 = arith.muli %scan3A_47, %mul3A_50 : i32
      %add3A_52 = arith.addi %mul3A_49, %mul3A_51 : i32
      "tpu.region"() ({
        %run_scoped3A = tpu.sem_alloc : memref<!tpu.dma_semaphore, #tpu.memory_space<semaphore_mem>>
        %dma_start3A = tpu.memref_slice %arg2[%add3A_52] : memref<400000xi32, #tpu.memory_space<hbm>> -> memref<4000xi32, #tpu.memory_space<hbm>>
        %dma_start3A_59 = tpu.memref_slice %arg2[%add3A_52] : memref<400000xi32, #tpu.memory_space<hbm>> -> memref<4000xi32, #tpu.memory_space<hbm>>
        tpu.enqueue_dma source(%dma_start3A_59 : memref<4000xi32, #tpu.memory_space<hbm>>) target(%arg5 : memref<4000xi32, #tpu.memory_space<vmem>>) target_semaphore(%run_scoped3A : memref<!tpu.dma_semaphore, #tpu.memory_space<semaphore_mem>>)
        %dma_wait3A = tpu.memref_slice %arg2[%add3A_52] : memref<400000xi32, #tpu.memory_space<hbm>> -> memref<4000xi32, #tpu.memory_space<hbm>>
        %dma_wait3A_60 = tpu.memref_slice %arg2[%add3A_52] : memref<400000xi32, #tpu.memory_space<hbm>> -> memref<4000xi32, #tpu.memory_space<hbm>>
        tpu.wait_dma2 semaphore(%run_scoped3A : memref<!tpu.dma_semaphore, #tpu.memory_space<semaphore_mem>>) src(%dma_wait3A_60 : memref<4000xi32, #tpu.memory_space<hbm>>) dst(%arg5 : memref<4000xi32, #tpu.memory_space<vmem>>)
        tpu.yield
      }) : () -> ()
      %scan3A_53 = arith.constant 0 : i32
      %scan3A_54 = arith.constant 0 : i32
      %scan3A_55 = arith.constant 250 : i32
      %scan3A_56 = arith.addi %scan3A_54, %scan3A_55 : i32
      %scan3A_57 = arith.constant 1 : i32
      scf.for %scan3A_59 = %scan3A_54 to %scan3A_56 step %scan3A_57  : i32 {
        %mul3A_60 = arith.constant 16 : i32
        %mul3A_61 = arith.muli %scan3A_59, %mul3A_60 : i32
        %get3A = arith.index_cast %mul3A_61 : i32 to index
        %get3A_62 = tpu.vector_load %arg5[%get3A] {strides = array<i32>} : memref<4000xi32, #tpu.memory_space<vmem>>, vector<16xi32>,
        %sub3A_63 = vector.broadcast %mul3A_32 : i32 to vector<16xi32>
        %sub3A_64 = arith.subi %get3A_62, %sub3A_63 : vector<16xi32>
        %ge3A = arith.constant 0 : i32
        %ge3A_65 = vector.broadcast %ge3A : i32 to vector<16xi32>
        %ge3A_66 = arith.cmpi sge, %sub3A_64, %ge3A_65 : vector<16xi32>
        %lt3A_67 = arith.constant 26784 : i32
        %lt3A_68 = vector.broadcast %lt3A_67 : i32 to vector<16xi32>
        %lt3A_69 = arith.cmpi slt, %sub3A_64, %lt3A_68 : vector<16xi32>
        %and3A_70 = arith.andi %ge3A_66, %lt3A_69 : vector<16xi1>
        %iota3A = tpu.iota {dimensions = array<i32: 0>} : vector<16xi32>
        %mul3A_71 = arith.constant 4000 : i32
        %mul3A_72 = arith.muli %scan3A_47, %mul3A_71 : i32
        %mul3A_73 = arith.constant 16 : i32
        %mul3A_74 = arith.muli %scan3A_59, %mul3A_73 : i32
        %add3A_75 = arith.addi %mul3A_72, %mul3A_74 : i32
        %add3A_76 = vector.broadcast %add3A_75 : i32 to vector<16xi32>
        %add3A_77 = arith.addi %iota3A, %add3A_76 : vector<16xi32>
        tpu.vector_store_idx %arg4[%sub3A_64], %add3A_77 masked %and3A_70 : memref<26784xi32, #tpu.memory_space<vmem>>[vector<16xi32>], vector<16xi32>, vector<16xi1>
      }
      %scan3A_58 = arith.constant 250 : i32
    }
    %scan3A_43 = arith.constant 25 : i32
    %mul3A_44 = arith.constant 214272 : i32
    %mul3A_45 = arith.muli %select_n3A, %mul3A_44 : i32
    %add3A_46 = arith.addi %mul3A_45, %mul3A_32 : i32
    "tpu.region"() ({
      %run_scoped3A = tpu.sem_alloc : memref<!tpu.dma_semaphore, #tpu.memory_space<semaphore_mem>>
      %dma_start3A = tpu.memref_slice %arg3[%add3A_46] : memref<857088xi32, #tpu.memory_space<hbm>> -> memref<26784xi32, #tpu.memory_space<hbm>>
      %dma_start3A_47 = tpu.memref_slice %arg3[%add3A_46] : memref<857088xi32, #tpu.memory_space<hbm>> -> memref<26784xi32, #tpu.memory_space<hbm>>
      tpu.enqueue_dma source(%arg4 : memref<26784xi32, #tpu.memory_space<vmem>>) target(%dma_start3A_47 : memref<26784xi32, #tpu.memory_space<hbm>>) target_semaphore(%run_scoped3A : memref<!tpu.dma_semaphore, #tpu.memory_space<semaphore_mem>>)
      %dma_wait3A = tpu.memref_slice %arg3[%add3A_46] : memref<857088xi32, #tpu.memory_space<hbm>> -> memref<26784xi32, #tpu.memory_space<hbm>>
      %dma_wait3A_48 = tpu.memref_slice %arg3[%add3A_46] : memref<857088xi32, #tpu.memory_space<hbm>> -> memref<26784xi32, #tpu.memory_space<hbm>>
      tpu.wait_dma2 semaphore(%run_scoped3A : memref<!tpu.dma_semaphore, #tpu.memory_space<semaphore_mem>>) src(%arg4 : memref<26784xi32, #tpu.memory_space<vmem>>) dst(%dma_wait3A_48 : memref<26784xi32, #tpu.memory_space<hbm>>)
      tpu.yield
    }) : () -> ()
    return
  }
}

module attributes {stable_mosaic.version = 14 : i64} {
  func.func @_cells_body(%arg0: i32, %arg1: memref<1x16x6250xf32, #tpu.memory_space<vmem>>, %arg2: memref<1x16x6250xf32, #tpu.memory_space<vmem>>, %arg3: memref<1x16x6250xi32, #tpu.memory_space<vmem>>) attributes {dimension_semantics = [#tpu.dimension_semantics<arbitrary>], iteration_bounds = array<i64: 4>, scalar_prefetch = 0 : i64, scratch_operands = 0 : i64, tpu.core_type = #tpu.core_type<tc>, window_params = [{transform_indices = @transform_0, window_bounds = array<i64: 1, 16, 6250>}, {transform_indices = @transform_1, window_bounds = array<i64: 1, 16, 6250>}, {transform_indices = @transform_2, window_bounds = array<i64: 1, 16, 6250>}]} {
    %get3A = arith.constant 0 : index
    %get3A_0 = arith.constant 0 : index
    %get3A_1 = arith.constant 0 : index
    %get3A_2 = vector.load %arg1[%get3A, %get3A_0, %get3A_1] : memref<1x16x6250xf32, #tpu.memory_space<vmem>>, vector<1x16x6250xf32>
    %get3A_3 = vector.shape_cast %get3A_2 : vector<1x16x6250xf32> to vector<16x6250xf32>
    %get3A_4 = arith.constant 0 : index
    %get3A_5 = arith.constant 0 : index
    %get3A_6 = arith.constant 0 : index
    %get3A_7 = vector.load %arg2[%get3A_4, %get3A_5, %get3A_6] : memref<1x16x6250xf32, #tpu.memory_space<vmem>>, vector<1x16x6250xf32>
    %get3A_8 = vector.shape_cast %get3A_7 : vector<1x16x6250xf32> to vector<16x6250xf32>
    %reduce_min3A = vector.shape_cast %get3A_3 : vector<16x6250xf32> to vector<1x16x6250xf32>
    %reduce_min3A_9 = arith.constant dense<0x7F800000> : vector<1xf32>
    %reduce_min3A_10 = vector.multi_reduction <minimumf>, %reduce_min3A, %reduce_min3A_9 [1, 2] : vector<1x16x6250xf32> to vector<1xf32>
    %reduce_min3A_11 = vector.shape_cast %reduce_min3A_10 : vector<1xf32> to vector<1x1x1xf32>
    %reduce_min3A_12 = vector.extract %reduce_min3A_11[0, 0, 0] : f32 from vector<1x1x1xf32>
    %reduce_min3A_13 = vector.shape_cast %get3A_8 : vector<16x6250xf32> to vector<1x16x6250xf32>
    %reduce_min3A_14 = arith.constant dense<0x7F800000> : vector<1xf32>
    %reduce_min3A_15 = vector.multi_reduction <minimumf>, %reduce_min3A_13, %reduce_min3A_14 [1, 2] : vector<1x16x6250xf32> to vector<1xf32>
    %reduce_min3A_16 = vector.shape_cast %reduce_min3A_15 : vector<1xf32> to vector<1x1x1xf32>
    %reduce_min3A_17 = vector.extract %reduce_min3A_16[0, 0, 0] : f32 from vector<1x1x1xf32>
    %sub3A = vector.broadcast %reduce_min3A_12 : f32 to vector<16x6250xf32>
    %sub3A_18 = arith.subf %get3A_3, %sub3A : vector<16x6250xf32>
    %rem3A = arith.constant 1.600000e-01 : f32
    %rem3A_19 = vector.broadcast %rem3A : f32 to vector<16x6250xf32>
    %rem3A_20 = arith.remf %sub3A_18, %rem3A_19 : vector<16x6250xf32>
    %sub3A_21 = arith.subf %sub3A_18, %rem3A_20 : vector<16x6250xf32>
    %div3A = arith.constant 1.600000e-01 : f32
    %div3A_22 = vector.broadcast %div3A : f32 to vector<16x6250xf32>
    %div3A_23 = arith.divf %sub3A_21, %div3A_22 : vector<16x6250xf32>
    %round3A = math.round %div3A_23 : vector<16x6250xf32>
    %jit3A = arith.constant 0.000000e+00 : f32
    %jit3A_24 = arith.constant 4.310000e+02 : f32
    %max3A = vector.broadcast %jit3A : f32 to vector<16x6250xf32>
    %max3A_25 = arith.maximumf %max3A, %round3A : vector<16x6250xf32>
    %min3A = vector.broadcast %jit3A_24 : f32 to vector<16x6250xf32>
    %min3A_26 = arith.minimumf %min3A, %max3A_25 : vector<16x6250xf32>
    %convert_element_type3A = arith.fptosi %min3A_26 : vector<16x6250xf32> to vector<16x6250xi32>
    %sub3A_27 = vector.broadcast %reduce_min3A_17 : f32 to vector<16x6250xf32>
    %sub3A_28 = arith.subf %get3A_8, %sub3A_27 : vector<16x6250xf32>
    %rem3A_29 = arith.constant 1.600000e-01 : f32
    %rem3A_30 = vector.broadcast %rem3A_29 : f32 to vector<16x6250xf32>
    %rem3A_31 = arith.remf %sub3A_28, %rem3A_30 : vector<16x6250xf32>
    %sub3A_32 = arith.subf %sub3A_28, %rem3A_31 : vector<16x6250xf32>
    %div3A_33 = arith.constant 1.600000e-01 : f32
    %div3A_34 = vector.broadcast %div3A_33 : f32 to vector<16x6250xf32>
    %div3A_35 = arith.divf %sub3A_32, %div3A_34 : vector<16x6250xf32>
    %round3A_36 = math.round %div3A_35 : vector<16x6250xf32>
    %jit3A_37 = arith.constant 0.000000e+00 : f32
    %jit3A_38 = arith.constant 4.950000e+02 : f32
    %max3A_39 = vector.broadcast %jit3A_37 : f32 to vector<16x6250xf32>
    %max3A_40 = arith.maximumf %max3A_39, %round3A_36 : vector<16x6250xf32>
    %min3A_41 = vector.broadcast %jit3A_38 : f32 to vector<16x6250xf32>
    %min3A_42 = arith.minimumf %min3A_41, %max3A_40 : vector<16x6250xf32>
    %convert_element_type3A_43 = arith.fptosi %min3A_42 : vector<16x6250xf32> to vector<16x6250xi32>
    %mul3A = arith.constant 496 : i32
    %mul3A_44 = vector.broadcast %mul3A : i32 to vector<16x6250xi32>
    %mul3A_45 = arith.muli %convert_element_type3A, %mul3A_44 : vector<16x6250xi32>
    %add3A = arith.addi %mul3A_45, %convert_element_type3A_43 : vector<16x6250xi32>
    %broadcast_in_dim3A = arith.constant false
    %broadcast_in_dim3A_46 = vector.broadcast %broadcast_in_dim3A : i1 to vector<16x6250xi1>
    %slice3A = vector.extract_strided_slice %add3A {offsets = [1, 0], sizes = [15, 6250], strides = [1, 1]} : vector<16x6250xi32> to vector<15x6250xi32>
    %broadcast_in_dim3A_47 = arith.constant -1 : i32
    %broadcast_in_dim3A_48 = vector.broadcast %broadcast_in_dim3A_47 : i32 to vector<1x6250xi32>
    %concatenate3A = tpu.concatenate %slice3A, %broadcast_in_dim3A_48 in 0 : vector<15x6250xi32>, vector<1x6250xi32> -> vector<16x6250xi32>
    %iota3A = tpu.iota {dimensions = array<i32: 0>} : vector<16x6250xi32>
    %lt3A = arith.constant 15 : i32
    %lt3A_49 = vector.broadcast %lt3A : i32 to vector<16x6250xi32>
    %lt3A_50 = arith.cmpi slt, %iota3A, %lt3A_49 : vector<16x6250xi32>
    %eq3A = arith.cmpi eq, %add3A, %concatenate3A : vector<16x6250xi32>
    %and3A = arith.andi %eq3A, %lt3A_50 : vector<16x6250xi1>
    %or3A = arith.ori %broadcast_in_dim3A_46, %and3A : vector<16x6250xi1>
    %slice3A_51 = vector.extract_strided_slice %add3A {offsets = [2, 0], sizes = [14, 6250], strides = [1, 1]} : vector<16x6250xi32> to vector<14x6250xi32>
    %broadcast_in_dim3A_52 = arith.constant -1 : i32
    %broadcast_in_dim3A_53 = vector.broadcast %broadcast_in_dim3A_52 : i32 to vector<2x6250xi32>
    %concatenate3A_54 = tpu.concatenate %slice3A_51, %broadcast_in_dim3A_53 in 0 : vector<14x6250xi32>, vector<2x6250xi32> -> vector<16x6250xi32>
    %iota3A_55 = tpu.iota {dimensions = array<i32: 0>} : vector<16x6250xi32>
    %lt3A_56 = arith.constant 14 : i32
    %lt3A_57 = vector.broadcast %lt3A_56 : i32 to vector<16x6250xi32>
    %lt3A_58 = arith.cmpi slt, %iota3A_55, %lt3A_57 : vector<16x6250xi32>
    %eq3A_59 = arith.cmpi eq, %add3A, %concatenate3A_54 : vector<16x6250xi32>
    %and3A_60 = arith.andi %eq3A_59, %lt3A_58 : vector<16x6250xi1>
    %or3A_61 = arith.ori %or3A, %and3A_60 : vector<16x6250xi1>
    %slice3A_62 = vector.extract_strided_slice %add3A {offsets = [3, 0], sizes = [13, 6250], strides = [1, 1]} : vector<16x6250xi32> to vector<13x6250xi32>
    %broadcast_in_dim3A_63 = arith.constant -1 : i32
    %broadcast_in_dim3A_64 = vector.broadcast %broadcast_in_dim3A_63 : i32 to vector<3x6250xi32>
    %concatenate3A_65 = tpu.concatenate %slice3A_62, %broadcast_in_dim3A_64 in 0 : vector<13x6250xi32>, vector<3x6250xi32> -> vector<16x6250xi32>
    %iota3A_66 = tpu.iota {dimensions = array<i32: 0>} : vector<16x6250xi32>
    %lt3A_67 = arith.constant 13 : i32
    %lt3A_68 = vector.broadcast %lt3A_67 : i32 to vector<16x6250xi32>
    %lt3A_69 = arith.cmpi slt, %iota3A_66, %lt3A_68 : vector<16x6250xi32>
    %eq3A_70 = arith.cmpi eq, %add3A, %concatenate3A_65 : vector<16x6250xi32>
    %and3A_71 = arith.andi %eq3A_70, %lt3A_69 : vector<16x6250xi1>
    %or3A_72 = arith.ori %or3A_61, %and3A_71 : vector<16x6250xi1>
    %slice3A_73 = vector.extract_strided_slice %add3A {offsets = [4, 0], sizes = [12, 6250], strides = [1, 1]} : vector<16x6250xi32> to vector<12x6250xi32>
    %broadcast_in_dim3A_74 = arith.constant -1 : i32
    %broadcast_in_dim3A_75 = vector.broadcast %broadcast_in_dim3A_74 : i32 to vector<4x6250xi32>
    %concatenate3A_76 = tpu.concatenate %slice3A_73, %broadcast_in_dim3A_75 in 0 : vector<12x6250xi32>, vector<4x6250xi32> -> vector<16x6250xi32>
    %iota3A_77 = tpu.iota {dimensions = array<i32: 0>} : vector<16x6250xi32>
    %lt3A_78 = arith.constant 12 : i32
    %lt3A_79 = vector.broadcast %lt3A_78 : i32 to vector<16x6250xi32>
    %lt3A_80 = arith.cmpi slt, %iota3A_77, %lt3A_79 : vector<16x6250xi32>
    %eq3A_81 = arith.cmpi eq, %add3A, %concatenate3A_76 : vector<16x6250xi32>
    %and3A_82 = arith.andi %eq3A_81, %lt3A_80 : vector<16x6250xi1>
    %or3A_83 = arith.ori %or3A_72, %and3A_82 : vector<16x6250xi1>
    %slice3A_84 = vector.extract_strided_slice %add3A {offsets = [5, 0], sizes = [11, 6250], strides = [1, 1]} : vector<16x6250xi32> to vector<11x6250xi32>
    %broadcast_in_dim3A_85 = arith.constant -1 : i32
    %broadcast_in_dim3A_86 = vector.broadcast %broadcast_in_dim3A_85 : i32 to vector<5x6250xi32>
    %concatenate3A_87 = tpu.concatenate %slice3A_84, %broadcast_in_dim3A_86 in 0 : vector<11x6250xi32>, vector<5x6250xi32> -> vector<16x6250xi32>
    %iota3A_88 = tpu.iota {dimensions = array<i32: 0>} : vector<16x6250xi32>
    %lt3A_89 = arith.constant 11 : i32
    %lt3A_90 = vector.broadcast %lt3A_89 : i32 to vector<16x6250xi32>
    %lt3A_91 = arith.cmpi slt, %iota3A_88, %lt3A_90 : vector<16x6250xi32>
    %eq3A_92 = arith.cmpi eq, %add3A, %concatenate3A_87 : vector<16x6250xi32>
    %and3A_93 = arith.andi %eq3A_92, %lt3A_91 : vector<16x6250xi1>
    %or3A_94 = arith.ori %or3A_83, %and3A_93 : vector<16x6250xi1>
    %slice3A_95 = vector.extract_strided_slice %add3A {offsets = [6, 0], sizes = [10, 6250], strides = [1, 1]} : vector<16x6250xi32> to vector<10x6250xi32>
    %broadcast_in_dim3A_96 = arith.constant -1 : i32
    %broadcast_in_dim3A_97 = vector.broadcast %broadcast_in_dim3A_96 : i32 to vector<6x6250xi32>
    %concatenate3A_98 = tpu.concatenate %slice3A_95, %broadcast_in_dim3A_97 in 0 : vector<10x6250xi32>, vector<6x6250xi32> -> vector<16x6250xi32>
    %iota3A_99 = tpu.iota {dimensions = array<i32: 0>} : vector<16x6250xi32>
    %lt3A_100 = arith.constant 10 : i32
    %lt3A_101 = vector.broadcast %lt3A_100 : i32 to vector<16x6250xi32>
    %lt3A_102 = arith.cmpi slt, %iota3A_99, %lt3A_101 : vector<16x6250xi32>
    %eq3A_103 = arith.cmpi eq, %add3A, %concatenate3A_98 : vector<16x6250xi32>
    %and3A_104 = arith.andi %eq3A_103, %lt3A_102 : vector<16x6250xi1>
    %or3A_105 = arith.ori %or3A_94, %and3A_104 : vector<16x6250xi1>
    %slice3A_106 = vector.extract_strided_slice %add3A {offsets = [7, 0], sizes = [9, 6250], strides = [1, 1]} : vector<16x6250xi32> to vector<9x6250xi32>
    %broadcast_in_dim3A_107 = arith.constant -1 : i32
    %broadcast_in_dim3A_108 = vector.broadcast %broadcast_in_dim3A_107 : i32 to vector<7x6250xi32>
    %concatenate3A_109 = tpu.concatenate %slice3A_106, %broadcast_in_dim3A_108 in 0 : vector<9x6250xi32>, vector<7x6250xi32> -> vector<16x6250xi32>
    %iota3A_110 = tpu.iota {dimensions = array<i32: 0>} : vector<16x6250xi32>
    %lt3A_111 = arith.constant 9 : i32
    %lt3A_112 = vector.broadcast %lt3A_111 : i32 to vector<16x6250xi32>
    %lt3A_113 = arith.cmpi slt, %iota3A_110, %lt3A_112 : vector<16x6250xi32>
    %eq3A_114 = arith.cmpi eq, %add3A, %concatenate3A_109 : vector<16x6250xi32>
    %and3A_115 = arith.andi %eq3A_114, %lt3A_113 : vector<16x6250xi1>
    %or3A_116 = arith.ori %or3A_105, %and3A_115 : vector<16x6250xi1>
    %slice3A_117 = vector.extract_strided_slice %add3A {offsets = [8, 0], sizes = [8, 6250], strides = [1, 1]} : vector<16x6250xi32> to vector<8x6250xi32>
    %broadcast_in_dim3A_118 = arith.constant -1 : i32
    %broadcast_in_dim3A_119 = vector.broadcast %broadcast_in_dim3A_118 : i32 to vector<8x6250xi32>
    %concatenate3A_120 = tpu.concatenate %slice3A_117, %broadcast_in_dim3A_119 in 0 : vector<8x6250xi32>, vector<8x6250xi32> -> vector<16x6250xi32>
    %iota3A_121 = tpu.iota {dimensions = array<i32: 0>} : vector<16x6250xi32>
    %lt3A_122 = arith.constant 8 : i32
    %lt3A_123 = vector.broadcast %lt3A_122 : i32 to vector<16x6250xi32>
    %lt3A_124 = arith.cmpi slt, %iota3A_121, %lt3A_123 : vector<16x6250xi32>
    %eq3A_125 = arith.cmpi eq, %add3A, %concatenate3A_120 : vector<16x6250xi32>
    %and3A_126 = arith.andi %eq3A_125, %lt3A_124 : vector<16x6250xi1>
    %or3A_127 = arith.ori %or3A_116, %and3A_126 : vector<16x6250xi1>
    %slice3A_128 = vector.extract_strided_slice %add3A {offsets = [9, 0], sizes = [7, 6250], strides = [1, 1]} : vector<16x6250xi32> to vector<7x6250xi32>
    %broadcast_in_dim3A_129 = arith.constant -1 : i32
    %broadcast_in_dim3A_130 = vector.broadcast %broadcast_in_dim3A_129 : i32 to vector<9x6250xi32>
    %concatenate3A_131 = tpu.concatenate %slice3A_128, %broadcast_in_dim3A_130 in 0 : vector<7x6250xi32>, vector<9x6250xi32> -> vector<16x6250xi32>
    %iota3A_132 = tpu.iota {dimensions = array<i32: 0>} : vector<16x6250xi32>
    %lt3A_133 = arith.constant 7 : i32
    %lt3A_134 = vector.broadcast %lt3A_133 : i32 to vector<16x6250xi32>
    %lt3A_135 = arith.cmpi slt, %iota3A_132, %lt3A_134 : vector<16x6250xi32>
    %eq3A_136 = arith.cmpi eq, %add3A, %concatenate3A_131 : vector<16x6250xi32>
    %and3A_137 = arith.andi %eq3A_136, %lt3A_135 : vector<16x6250xi1>
    %or3A_138 = arith.ori %or3A_127, %and3A_137 : vector<16x6250xi1>
    %slice3A_139 = vector.extract_strided_slice %add3A {offsets = [10, 0], sizes = [6, 6250], strides = [1, 1]} : vector<16x6250xi32> to vector<6x6250xi32>
    %broadcast_in_dim3A_140 = arith.constant -1 : i32
    %broadcast_in_dim3A_141 = vector.broadcast %broadcast_in_dim3A_140 : i32 to vector<10x6250xi32>
    %concatenate3A_142 = tpu.concatenate %slice3A_139, %broadcast_in_dim3A_141 in 0 : vector<6x6250xi32>, vector<10x6250xi32> -> vector<16x6250xi32>
    %iota3A_143 = tpu.iota {dimensions = array<i32: 0>} : vector<16x6250xi32>
    %lt3A_144 = arith.constant 6 : i32
    %lt3A_145 = vector.broadcast %lt3A_144 : i32 to vector<16x6250xi32>
    %lt3A_146 = arith.cmpi slt, %iota3A_143, %lt3A_145 : vector<16x6250xi32>
    %eq3A_147 = arith.cmpi eq, %add3A, %concatenate3A_142 : vector<16x6250xi32>
    %and3A_148 = arith.andi %eq3A_147, %lt3A_146 : vector<16x6250xi1>
    %or3A_149 = arith.ori %or3A_138, %and3A_148 : vector<16x6250xi1>
    %slice3A_150 = vector.extract_strided_slice %add3A {offsets = [11, 0], sizes = [5, 6250], strides = [1, 1]} : vector<16x6250xi32> to vector<5x6250xi32>
    %broadcast_in_dim3A_151 = arith.constant -1 : i32
    %broadcast_in_dim3A_152 = vector.broadcast %broadcast_in_dim3A_151 : i32 to vector<11x6250xi32>
    %concatenate3A_153 = tpu.concatenate %slice3A_150, %broadcast_in_dim3A_152 in 0 : vector<5x6250xi32>, vector<11x6250xi32> -> vector<16x6250xi32>
    %iota3A_154 = tpu.iota {dimensions = array<i32: 0>} : vector<16x6250xi32>
    %lt3A_155 = arith.constant 5 : i32
    %lt3A_156 = vector.broadcast %lt3A_155 : i32 to vector<16x6250xi32>
    %lt3A_157 = arith.cmpi slt, %iota3A_154, %lt3A_156 : vector<16x6250xi32>
    %eq3A_158 = arith.cmpi eq, %add3A, %concatenate3A_153 : vector<16x6250xi32>
    %and3A_159 = arith.andi %eq3A_158, %lt3A_157 : vector<16x6250xi1>
    %or3A_160 = arith.ori %or3A_149, %and3A_159 : vector<16x6250xi1>
    %slice3A_161 = vector.extract_strided_slice %add3A {offsets = [12, 0], sizes = [4, 6250], strides = [1, 1]} : vector<16x6250xi32> to vector<4x6250xi32>
    %broadcast_in_dim3A_162 = arith.constant -1 : i32
    %broadcast_in_dim3A_163 = vector.broadcast %broadcast_in_dim3A_162 : i32 to vector<12x6250xi32>
    %concatenate3A_164 = tpu.concatenate %slice3A_161, %broadcast_in_dim3A_163 in 0 : vector<4x6250xi32>, vector<12x6250xi32> -> vector<16x6250xi32>
    %iota3A_165 = tpu.iota {dimensions = array<i32: 0>} : vector<16x6250xi32>
    %lt3A_166 = arith.constant 4 : i32
    %lt3A_167 = vector.broadcast %lt3A_166 : i32 to vector<16x6250xi32>
    %lt3A_168 = arith.cmpi slt, %iota3A_165, %lt3A_167 : vector<16x6250xi32>
    %eq3A_169 = arith.cmpi eq, %add3A, %concatenate3A_164 : vector<16x6250xi32>
    %and3A_170 = arith.andi %eq3A_169, %lt3A_168 : vector<16x6250xi1>
    %or3A_171 = arith.ori %or3A_160, %and3A_170 : vector<16x6250xi1>
    %slice3A_172 = vector.extract_strided_slice %add3A {offsets = [13, 0], sizes = [3, 6250], strides = [1, 1]} : vector<16x6250xi32> to vector<3x6250xi32>
    %broadcast_in_dim3A_173 = arith.constant -1 : i32
    %broadcast_in_dim3A_174 = vector.broadcast %broadcast_in_dim3A_173 : i32 to vector<13x6250xi32>
    %concatenate3A_175 = tpu.concatenate %slice3A_172, %broadcast_in_dim3A_174 in 0 : vector<3x6250xi32>, vector<13x6250xi32> -> vector<16x6250xi32>
    %iota3A_176 = tpu.iota {dimensions = array<i32: 0>} : vector<16x6250xi32>
    %lt3A_177 = arith.constant 3 : i32
    %lt3A_178 = vector.broadcast %lt3A_177 : i32 to vector<16x6250xi32>
    %lt3A_179 = arith.cmpi slt, %iota3A_176, %lt3A_178 : vector<16x6250xi32>
    %eq3A_180 = arith.cmpi eq, %add3A, %concatenate3A_175 : vector<16x6250xi32>
    %and3A_181 = arith.andi %eq3A_180, %lt3A_179 : vector<16x6250xi1>
    %or3A_182 = arith.ori %or3A_171, %and3A_181 : vector<16x6250xi1>
    %slice3A_183 = vector.extract_strided_slice %add3A {offsets = [14, 0], sizes = [2, 6250], strides = [1, 1]} : vector<16x6250xi32> to vector<2x6250xi32>
    %broadcast_in_dim3A_184 = arith.constant -1 : i32
    %broadcast_in_dim3A_185 = vector.broadcast %broadcast_in_dim3A_184 : i32 to vector<14x6250xi32>
    %concatenate3A_186 = tpu.concatenate %slice3A_183, %broadcast_in_dim3A_185 in 0 : vector<2x6250xi32>, vector<14x6250xi32> -> vector<16x6250xi32>
    %iota3A_187 = tpu.iota {dimensions = array<i32: 0>} : vector<16x6250xi32>
    %lt3A_188 = arith.constant 2 : i32
    %lt3A_189 = vector.broadcast %lt3A_188 : i32 to vector<16x6250xi32>
    %lt3A_190 = arith.cmpi slt, %iota3A_187, %lt3A_189 : vector<16x6250xi32>
    %eq3A_191 = arith.cmpi eq, %add3A, %concatenate3A_186 : vector<16x6250xi32>
    %and3A_192 = arith.andi %eq3A_191, %lt3A_190 : vector<16x6250xi1>
    %or3A_193 = arith.ori %or3A_182, %and3A_192 : vector<16x6250xi1>
    %slice3A_194 = vector.extract_strided_slice %add3A {offsets = [15, 0], sizes = [1, 6250], strides = [1, 1]} : vector<16x6250xi32> to vector<1x6250xi32>
    %broadcast_in_dim3A_195 = arith.constant -1 : i32
    %broadcast_in_dim3A_196 = vector.broadcast %broadcast_in_dim3A_195 : i32 to vector<15x6250xi32>
    %concatenate3A_197 = tpu.concatenate %slice3A_194, %broadcast_in_dim3A_196 in 0 : vector<1x6250xi32>, vector<15x6250xi32> -> vector<16x6250xi32>
    %iota3A_198 = tpu.iota {dimensions = array<i32: 0>} : vector<16x6250xi32>
    %lt3A_199 = arith.constant 1 : i32
    %lt3A_200 = vector.broadcast %lt3A_199 : i32 to vector<16x6250xi32>
    %lt3A_201 = arith.cmpi slt, %iota3A_198, %lt3A_200 : vector<16x6250xi32>
    %eq3A_202 = arith.cmpi eq, %add3A, %concatenate3A_197 : vector<16x6250xi32>
    %and3A_203 = arith.andi %eq3A_202, %lt3A_201 : vector<16x6250xi1>
    %or3A_204 = arith.ori %or3A_193, %and3A_203 : vector<16x6250xi1>
    %jit3A_205 = arith.constant 1073741824 : i32
    %broadcast_in_dim3A_206 = vector.broadcast %jit3A_205 : i32 to vector<16x6250xi32>
    %select_n3A = arith.select %or3A_204, %broadcast_in_dim3A_206, %add3A : vector<16x6250xi1>, vector<16x6250xi32>
    %swap3A = arith.constant 0 : index
    %swap3A_207 = arith.constant 0 : index
    %swap3A_208 = arith.constant 0 : index
    %swap3A_209 = vector.load %arg3[%swap3A, %swap3A_207, %swap3A_208] : memref<1x16x6250xi32, #tpu.memory_space<vmem>>, vector<1x16x6250xi32>
    %swap3A_210 = vector.shape_cast %swap3A_209 : vector<1x16x6250xi32> to vector<16x6250xi32>
    %swap3A_211 = vector.shape_cast %select_n3A : vector<16x6250xi32> to vector<1x16x6250xi32>
    tpu.vector_store %arg3[%swap3A, %swap3A_207, %swap3A_208], %swap3A_211 {strides = array<i32>} : memref<1x16x6250xi32, #tpu.memory_space<vmem>>, vector<1x16x6250xi32>,
    return
  }
  func.func @transform_0(%arg0: i32) -> (i32, i32, i32) {
    %c0_i32 = arith.constant 0 : i32
    %c0_i32_0 = arith.constant 0 : i32
    %c0_i32_1 = arith.constant 0 : i32
    return %arg0, %c0_i32, %c0_i32_0 : i32, i32, i32
  }
  func.func @transform_1(%arg0: i32) -> (i32, i32, i32) {
    %c0_i32 = arith.constant 0 : i32
    %c0_i32_0 = arith.constant 0 : i32
    %c0_i32_1 = arith.constant 0 : i32
    return %arg0, %c0_i32, %c0_i32_0 : i32, i32, i32
  }
  func.func @transform_2(%arg0: i32) -> (i32, i32, i32) {
    %c0_i32 = arith.constant 0 : i32
    %c0_i32_0 = arith.constant 0 : i32
    %c0_i32_1 = arith.constant 0 : i32
    return %arg0, %c0_i32, %c0_i32_0 : i32, i32, i32
  }
}

</mosaic_0001>

<sc_bundles>
// kernel: kernel.5.cloned.1.call-start
scs
__scs_entry_jumppad:
0x0: {  	(pc) =	sbr.rel $0x88, $3  }
0x1: {  	(tag) =	ssettag $0x0;
	lr =	simm.s32 $0x1  }
0x2: {  	[smem:$0x3F9F] =	sst lr;
	_ =	strace $0xD0000000  }
0x3: {  	_ = 	snop  }
0x4: {  	_ = 	snop  }
0x5: {  	_ = 	snop  }
0x6: {  	_ = 	snop  }
0x7: {  	_ = 	snop  }
__scs_overlays_trampoline_lowered:
0x8: {  	[smem:$0x3FAE] =	sst s0  }
0x9: {  	[smem:$0x3FAF] =	sst s1  }
0xa: {  	[smem:$0x3FB0] =	sst s2  }
0xb: {  	[smem:$0x3FB1] =	sst s3  }
0xc: {  	[smem:$0x3FB2] =	sst s4  }
0xd: {  	[smem:$0x3FB3] =	sst s5  }
0xe: {  	[smem:$0x3FB4] =	sst s6  }
0xf: {  	[smem:$0x3FB5] =	sst s7  }
0x10: {  	[smem:$0x3FB6] =	sst s8  }
0x11: {  	[smem:$0x3FB7] =	sst s9;
	s0 =	simm.s32 @!p0 $0x0  }
0x12: {  	s1 =	sld [smem:$0x3F9D];
	s0 =	simm.s32 @p0 $0x1  }
0x13: {  	[smem:$0x3FB8] =	sst s0;
	s0 =	simm.s32 @!p1 $0x0  }
0x14: {  	s2 =	sld [smem:$0x3F9C];
	s0 =	simm.s32 @p1 $0x1  }
0x15: {  	[smem:$0x3FB9] =	sst s0;
	s0 =	simm.s32 @!p2 $0x0  }
0x16: {  	s3 =	sld [smem:$0x3FDB];
	s0 =	simm.s32 @p2 $0x1  }
0x17: {  	s4 =	simm.s32 $0x1BF5;
	[smem:$0x3FBB] =	sst s0  }
0x18: {  	s0 =	sld [smem:$0x3F9E];
	_ =	swait.ge [sflag:s4], $0x0  }
0x19: {  	s7 =	sld [smem:$0x3F9F]  }
0x1a: {  	s8 =	sadd.s32 $0xFFFFE003, lr  }
0x1b: {  	s9 =	sadd.s32 $0xFFFFFEF7, lr;
	s5 =	simm.s32 $0xFFFFFFFF;
	p2 =	slt.u32 s8, $0xFFFFF086  }
0x1c: {  	p1 =	slt.u32 s9, $0xF7A;
	s5 =	simm.s32 @!p2 $0x0  }
0x1d: {  	s5 =	simm.s32 @p1 $0x1;
	p0 =	seq.s32 s7, s2  }
0x1e: {  	s7 =	smul.u32 @!p0 $0xF7A, s2;
	p2 =	seq.s32 @!p0 s5, $0x0  }
0x1f: {  	s9 =	smul.u32 $0xF7A, s1;
	s8 =	simm.s32 @!p0 $0x1BF5;
	p2 =	por !p2, p0  }
0x20: {  	[sflag:s8] =	ssyncset.s32 @!p0 $0xFFFFF086;
	s6 =	sadd.s32 @!p0 s3, s7;
	s7 =	simm.s32 @!p0 $0x108  }
0x21: {  	s3 =	sadd.s32 s3, s9;
	s6 =	sadd.s32 @!p0 $0x88, s6;
	s7 =	simm.s32 @p2 $0x1082  }
0x22: {  	[simem:s7], [sflag:s8] =	dma.local @!p0 [hbm:s6], $0xF7A  }
0x23: {  	s9 =	sor.u32 $0xD0000000, s2;
	s6 =	simm.s32 $0x108;
	_ =	swait.ge @!p0 [sflag:s8], $0x0  }
0x24: {  	s3 =	sadd.s32 $0x88, s3;
	s6 =	simm.s32 @!p1 $0x1082;
	[sflag:s4] =	ssyncset.s32 $0xFFFFF086  }
0x25: {  	[simem:s6], [sflag:s4] =	dma.local [hbm:s3], $0xF7A  }
0x26: {  	[smem:$0x3F9F] =	sst s1;
	(tag) =	ssettag s2;
	_ =	strace s9  }
0x27: {  	s1 =	sld [smem:$0x3FAF]  }
0x28: {  	s2 =	sld [smem:$0x3FB0]  }
0x29: {  	s4 =	sld [smem:$0x3FB2]  }
0x2a: {  	p0 =	seq.s32 s5, $0x0;
	s5 =	sld [smem:$0x3FB3]  }
0x2b: {  	s6 =	sld [smem:$0x3FB4]  }
0x2c: {  	s7 =	sld [smem:$0x3FB5]  }
0x2d: {  	s3 =	simm.s32 $0x108;
	s8 =	sld [smem:$0x3FB6]  }
0x2e: {  	s3 =	simm.s32 @!p0 $0x1082;
	s9 =	sld [smem:$0x3FB7]  }
0x2f: {  	lr =	sadd.s32 s0, s3;
	s0 =	sld [smem:$0x3FAE]  }
0x30: {  	s3 =	sld [smem:$0x3FB1]  }
0x31: {  	[smem:$0x3FBA] =	sst s10  }
0x32: {  	s10 =	sld [smem:$0x3FB8];
	_ =	sdelay $0x3  }
0x33: {  	p0 =	seq.s32 s10, $0x1;
	s10 =	sld [smem:$0x3FBA];
	_ =	sdelay $0x3  }
0x34: {  	[smem:$0x3FBA] =	sst s10  }
0x35: {  	s10 =	sld [smem:$0x3FB9];
	_ =	sdelay $0x3  }
0x36: {  	p1 =	seq.s32 s10, $0x1;
	s10 =	sld [smem:$0x3FBA];
	_ =	sdelay $0x3  }
0x37: {  	[smem:$0x3FBA] =	sst s10  }
0x38: {  	s10 =	sld [smem:$0x3FBB]  }
0x39: {  	_ = 	snop;
	(pc) =	sbr.ind lr, $3  }
0x3a: {  	_ = 	snop  }
0x3b: {  	_ = 	snop  }
0x3c: {  	p2 =	seq.s32 s10, $0x1;
	s10 =	sld [smem:$0x3FBA]  }
0x3d: {  	_ =	shalt  }
0x3e: {  	_ =	shalt  }
0x3f: {  	_ =	shalt  }
0x40: {  	_ =	shalt  }
0x41: {  	_ =	shalt  }
0x42: {  	_ =	shalt  }
0x43: {  	_ =	shalt  }
0x44: {  	_ =	shalt  }
0x45: {  	_ =	shalt  }
0x46: {  	_ =	shalt  }
0x47: {  	_ =	shalt  }
0x48: {  	_ =	shalt  }
0x49: {  	_ =	shalt  }
0x4a: {  	_ =	shalt  }
0x4b: {  	_ =	shalt  }
0x4c: {  	_ =	shalt  }
0x4d: {  	_ =	shalt  }
0x4e: {  	_ =	shalt  }
0x4f: {  	_ =	shalt  }
0x50: {  	_ =	shalt  }
0x51: {  	_ =	shalt  }
0x52: {  	_ =	shalt  }
0x53: {  	_ =	shalt  }
0x54: {  	_ =	shalt  }
0x55: {  	_ =	shalt  }
0x56: {  	_ =	shalt  }
0x57: {  	_ =	shalt  }
0x58: {  	_ =	shalt  }
0x59: {  	_ =	shalt  }
0x5a: {  	_ =	shalt  }
0x5b: {  	_ =	shalt  }
0x5c: {  	_ =	shalt  }
0x5d: {  	_ =	shalt  }
0x5e: {  	_ =	shalt  }
0x5f: {  	_ =	shalt  }
0x60: {  	_ =	shalt  }
0x61: {  	_ =	shalt  }
0x62: {  	_ =	shalt  }
0x63: {  	_ =	shalt  }
0x64: {  	_ =	shalt  }
0x65: {  	_ =	shalt  }
0x66: {  	_ =	shalt  }
0x67: {  	_ =	shalt  }
0x68: {  	_ =	shalt  }
0x69: {  	_ =	shalt  }
0x6a: {  	_ =	shalt  }
0x6b: {  	_ =	shalt  }
0x6c: {  	_ =	shalt  }
0x6d: {  	_ =	shalt  }
0x6e: {  	_ =	shalt  }
0x6f: {  	_ =	shalt  }
0x70: {  	_ =	shalt  }
0x71: {  	_ =	shalt  }
0x72: {  	_ =	shalt  }
0x73: {  	_ =	shalt  }
0x74: {  	_ =	shalt  }
0x75: {  	_ =	shalt  }
0x76: {  	_ =	shalt  }
0x77: {  	_ =	shalt  }
0x78: {  	_ =	shalt  }
0x79: {  	_ =	shalt  }
0x7a: {  	_ =	shalt  }
0x7b: {  	_ =	shalt  }
0x7c: {  	_ =	shalt  }
0x7d: {  	_ =	shalt  }
0x7e: {  	_ =	shalt  }
0x7f: {  	_ =	shalt  }
0x80: {  	_ =	shalt  }
0x81: {  	_ =	shalt  }
0x82: {  	_ =	shalt  }
0x83: {  	_ =	shalt  }
0x84: {  	_ =	shalt  }
0x85: {  	_ =	shalt  }
0x86: {  	_ =	shalt  }
0x87: {  	_ =	shalt  }
.Lfunc_end0:
.L_simem_size_0:
called_computation_lowered:
.L_overlay_start_0:
0x88: {  	s2 =	sld [smem:$0x3FD9]  }
0x89: {  	s3 =	sld [smem:$0x3FFE];
	_ =	sdelay $0x1  }
0x8a: {  	s1 =	srdreg.scid  }
0x8b: {  	s0 =	sand.u32 $0x1, s1  }
0x8c: {  	s17 =	sshll.u32 s0, $0xA;
	s2 =	sadd.s32 s3, s2  }
0x8d: {  	s2 =	sadd.s32 s2, s17  }
0x8e: {  	[smem:$0x3FC6] =	sst s2  }
0x8f: {  	_ = 	snop  }
0x90: {  	s2 =	sld [smem:$0x3FD0];
	(tm) =	ssettm $0x1  }
0x91: {  	s18 =	sld [smem:$0x3FFB];
	_ =	sdelay $0x3  }
0x92: {  	_ =	strace s18  }
0x93: {  	s3 =	sld [smem:$0x3FFC];
	_ =	sdelay $0x3  }
0x94: {  	_ =	strace s3  }
0x95: {  	s3 =	sld [smem:$0x3FFD];
	_ =	sdelay $0x3  }
0x96: {  	_ =	strace s3  }
0x97: {  	_ =	strace $0x8FFFFFFF  }
0x98: {  	s19 =	sld [smem:$0x3FDB];
	_ =	sdelay $0x1  }
0x99: {  	s4 =	simm.s32 $_scs_section_size  }
0x9a: {  	s5 =	simm.s32 $_size__tile_overlayer_lowered;
	s6 =	simm.s32 $_tile_overlayer_lowered  }
0x9b: {  	s22 =	simm.s32 $0x1BFF;
	s21 =	sshll.u32 s6, $0x1;
	s3 =	sadd.s32 s4, s19  }
0x9c: {  	s7 =	simm.s32 $0x0;
	s20 =	sshll.u32 s5, $0x1;
	s5 =	sadd.s32 s21, s3  }
0x9d: {  	[timem:s7], [sflag:s22] =	dma.local [hbm:s5], s20  }
0x9e: {  	_ =	swait.ge [sflag:s22], s20  }
0x9f: {  	s4 =	ssub.s32 $0x0, s20;
	[sflag:s22] =	ssyncset.done $0x0  }
0xa0: {  	[sflag:s22] =	ssyncadd.s32 s4;
	_ =	sdelay $0x1  }
0xa1: {  	s23 =	simm.s32 $0x1B8B  }
0xa2: {  	_ =	swait.ge [sflag:s23], $0x1  }
0xa3: {  	[sflag:s23] =	ssyncset.done $0x0  }
0xa4: {  	s25 =	simm.s32 $0x1B8E;
	s24 =	sld [smem:$0x3FFE];
	[sflag:s23] =	ssyncadd.s32 $0xFFFFFFFF  }
0xa5: {  	s26 =	simm.s32 $execute0_lowered;
	[smem:$0x3FD2] =	sst s25  }
0xa6: {  	s5 =	sshll.u32 s26, $0x1;
	_ =	strace $0x80000046;
	[dreg:$0x1] =	wrdreg $0xFFFFFFFF  }
0xa7: {  	s28 =	simm.s32 $_size_execute0_lowered;
	s3 =	sadd.s32 s3, s5;
	[dreg:$0x0] =	wrdreg $0x0  }
0xa8: {  	s5 =	sshll.u32 s28, $0x1;
	[dreg:$0x2] =	wrdreg s3  }
0xa9: {  	[dreg:$0x3] =	wrdreg s5  }
0xaa: {  	[dreg:$0x4] =	wrdreg $0xC0  }
0xab: {  	_ =	task [dreg:s7], $0x5FFFF  }
0xac: {  	[dreg:$0x1] =	wrdreg $0xFFFFFFFF  }
0xad: {  	[dreg:$0x0] =	wrdreg $0x60  }
0xae: {  	[dreg:$0x2] =	wrdreg s2  }
0xaf: {  	[dreg:$0x3] =	wrdreg s24  }
0xb0: {  	[dreg:$0x4] =	wrdreg $0x9  }
0xb1: {  	_ =	task.clear_ibuf [dreg:s7], $0x5FFFF;
	_ =	strace $0x90000046  }
0xb2: {  	s29 =	simm.s32 $0x9;
	_ =	strace $0x80000048  }
0xb3: {  	_ =	swait.ge [sflag:s29], $0x1  }
0xb4: {  	[sflag:s29] =	ssyncadd.s32 $0xFFFFFFFF  }
0xb5: {  	_ =	strace $0x90000048  }
0xb6: {  	_ =	sfence  }
0xb7: {  	s30 =	sld [smem:$0x0];
	_ =	sdelay $0x2  }
0xb8: {  	s31 =	sshll.u32 s1, $0xD;
	s1 =	sshrl.u32 s1, $0x2  }
0xb9: {  	s3 =	sand.u32 $0x4000, s31;
	s1 =	sadd.s32 s1, s30  }
0xba: {  	s0 =	sor.u32 s3, s0;
	s1 =	sshll.u32 s1, $0x11  }
0xbb: {  	s0 =	sor.u32 s1, s0  }
0xbc: {  	s0 =	sadd.s32 $0x8F2B, s0  }
0xbd: {  	[sflag:s0] =	ssyncadd.remote.s32 $0x1  }
0xbe: {  	_ =	sfence.sel $0xFFFF  }
0xbf: {  	[dreg:$0x0] =	wrdreg $0xFFFFFFFF;
	(pc) =	sbr.abs _section_cstart, $3  }
0xc0: {  	[dreg:$0x1] =	wrdreg $0xFFFFFFFF  }
0xc1: {  	_ =	task.clear_ibuf [dreg:s7], $0x2FFFF;
	_ =	strace $0x9FFFFFFF  }
0xc2: {  	(tm) =	ssettm $0x7FFFFFFF  }
0xc3: {  	_ =	shalt  }
tec
execute0_lowered:
.L_overlay_start_1:
0x0: {  	(tag) =	ssettag $0x1  }
0x1: {  	s0 =	stileid.u32  }
0x2: {  	s1 =	srdreg.scid;
	s6 =	rddreg [dreg:$0x1];
	s2 =	sshll.u32 s0, $0x1  }
0x3: {  	s4 =	sand.u32 $0x1, s1;
	s5 =	sshrl.u32 s0, $0x2;
	s31 =	sand.u32 $0x6, s2  }
0x4: {  	s3 =	simm.s32 $0x0;
	s8 =	smul.u32 $0x34500, s5;
	s1 =	sor.u32 s4, s31  }
0x5: {  	[smem:$0x7FF] =	sst s3;
	s7 =	smul.u32 $0x68A0, s1  }
0x6: {  	s2 =	rddreg [dreg:$0x0];
	s4 =	ssub.s32 $0x2, s4  }
0x7: {  	s1 =	rddreg [dreg:$0x2];
	s9 =	sshrl.u32 s4, $0x1;
	s8 =	sadd.s32 s8, s7  }
0x8: {  	_ =	strace $0x80000047;
	s9 =	ssub.s32 s4, s9;
	s8 =	sshrl.u32 s8, $0x3  }
0x9: {  	s4 =	smul.u32 $0x186A0, s5;
	v0 =	vmov s7;
	s7 =	simm.s32 $0x6900;
	s5 =	sadd.s32 s6, s8  }
0xa: {  	v1 =	vimm.s32 $0x186A0;
	v2 =	vlaneseq.u32;
	s6 =	smax.u32 s9, $0x1;
	s8 =	simm.s32 $0x1;
	s9 =	simm.s32 $0x0  }
.LBB2_1:
0xb: {  	s10 =	simm.s32 $0x40;
	s11 =	simm.s32 $0x0  }
.LBB2_2:
0xc: {  	p0 =	sne.s32 s10, $0x1A240;
	[tilespmem:s11+$0x0] =	vst v1;
	s11 =	smov.u32 s10;
	s10 =	sadd.s32 $0x40, s10  }
.Ltmp0:
0xd: {  	(pc) =	sbr.rel @p0 .LBB2_2-.Ltmp0, $2  }
0xe: {  	_ =	sdelay $0x2  }
0xf: {  	s11 =	sshra.s32 s11, $0x2  }
0x10: {  	[tilespmem:s11+$0x0] =	vst v1;
	s10 =	simm.s32 $0x0;
	s11 =	simm.s32 $0x0;
	s12 =	simm.s32 $0x0  }
.LBB2_4:
0x11: {  	s13 =	smul.u32 $0xFA0, s12;
	_ =	sdelay $0x1  }
0x12: {  	s13 =	sadd.s32 s4, s13  }
0x13: {  	s13 =	sshrl.u32 s13, $0x3  }
0x14: {  	s13 =	sadd.s32 s2, s13  }
0x15: {  	[tilespmem:s7], [sflag:$0x1] =	stream.linear.gather [hbm4b:s13+s10], $0xFA0, $0x38;
	[tilespmem:$0x7900] =	vst v63  }
0x16: {  	_ =	swait.ge [sflag:s8], $0xFA0  }
0x17: {  	[sflag:s8] =	ssyncset.done $0x0  }
0x18: {  	s31 =	simm.s32 $0x0;
	[sflag:s8] =	ssyncadd.s32 $0xFFFFF060  }
0x19: {  	v3 =	vld [tilespmem:s31+$0x6900];
	_ =	sdelay $0x4  }
0x1a: {  	v3 =	vsub.s32 v3, v0  }
0x1b: {  	vm0 =	vlt.u32 v3, $0x68A0;
	_ =	sdelay $0x4  }
0x1c: {  	v4 =	vor.u32 s11, v2  }
0x1d: {  	s15 =	simm.s32 $0x10;
	s14 =	simm.s32 $0x80;
	s13 =	smov.u32 s11;
	[tilespmem:v3+s3+$0x0] =	vst.idx.msk vm0, v4  }
.LBB2_5:
0x1e: {  	p0 =	sne.s32 s14, $0x3E40;
	v3 =	vld [tilespmem:s15+$0x6900];
	_ =	sdelay $0x4  }
0x1f: {  	v3 =	vsub.s32 v3, v0  }
0x20: {  	vm0 =	vlt.u32 v3, $0x68A0;
	_ =	sdelay $0x1  }
.Ltmp1:
0x21: {  	(pc) =	sbr.rel @p0 .LBB2_5-.Ltmp1, $4  }
0x22: {  	_ = 	snop  }
0x23: {  	s13 =	sadd.s32 $0x10, s13  }
0x24: {  	v4 =	vor.u32 s13, v2  }
0x25: {  	s15 =	sshra.s32 s14, $0x2;
	s14 =	sadd.s32 $0x40, s14;
	[tilespmem:v3+s3+$0x0] =	vst.idx.msk vm0, v4  }
0x26: {  	v3 =	vld [tilespmem:s15+$0x6900];
	_ =	sdelay $0x4  }
0x27: {  	v3 =	vsub.s32 v3, v0  }
0x28: {  	s12 =	sadd.s32 $0x1, s12;
	vm0 =	vlt.u32 v3, $0x68A0  }
0x29: {  	p0 =	sne.s32 s12, $0x19  }
.Ltmp2:
0x2a: {  	_ = 	snop;
	(pc) =	sbr.rel @p0 .LBB2_4-.Ltmp2, $4  }
0x2b: {  	_ = 	snop  }
0x2c: {  	s13 =	sadd.s32 $0x10, s13  }
0x2d: {  	v4 =	vor.u32 s13, v2  }
0x2e: {  	s11 =	sadd.s32 $0xFA0, s11;
	[tilespmem:v3+s3+$0x0] =	vst.idx.msk vm0, v4  }
0x2f: {  	s9 =	sadd.s32 $0x1, s9  }
0x30: {  	p0 =	sne.s32 s9, s6  }
.Ltmp3:
0x31: {  	_ = 	snop;
	(pc) =	sbr.rel @p0 .LBB2_1-.Ltmp3, $4  }
0x32: {  	[hbm4b:s5+s3] =	stream.linear.scatter [tilespmem:s3], [sflag:$0x1], $0x68A0, $0x38;
	[tilespmem:$0x7900] =	vst v63  }
0x33: {  	_ =	swait.ge [sflag:s8], $0x68A0  }
0x34: {  	[sflag:s8] =	ssyncset.done $0x0  }
0x35: {  	[sflag:s8] =	ssyncadd.s32 $0xFFFF9760  }
0x36: {  	_ =	sfence.sel $0x180000  }
0x37: {  	[bflag:$0x0] =	sbarrier.arrive $0xFFFF  }
0x38: {  	p0 =	sne.s32 s0, $0x0;
	_ =	strace $0x90000047  }
0x39: {  	s0 =	sadd.s32 @!p0 $0x100000, s1;
	[bflag:$0x2] =	sbarrier.arrive $0xFFFF  }
0x3a: {  	[sflag:s0] =	ssyncadd.tile.s32 @!p0 $0x1;
	_ =	shalt  }
.Lfunc_end2:
_tile_overlayer_lowered:
.L_overlay_start_2:
0x3b: {  	(tag) =	ssettag $0x2  }
0x3c: {  	s0 =	rddreg [dreg:$0x0];
	s2 =	stileid.u32  }
0x3d: {  	s1 =	rddreg [dreg:$0x1];
	p0 =	sne.s32 s2, $0x0  }
0x3e: {  	s3 =	rddreg [dreg:$0x2];
	[bflag:$0x3] =	sbarrier.arrive $0xFFFF;
	s2 =	simm.s32 @!p0 $0x1C01  }
0x3f: {  	[timem:s3], [sflag:s2] =	dma.local @!p0 [hbm:s0], s1  }
0x40: {  	s0 =	simm.s32 @!p0 $0x1  }
0x41: {  	_ =	swait.ge @!p0 [sflag:s0], s1  }
0x42: {  	s1 =	ssub.s32 @!p0 $0x0, s1;
	[sflag:s0] =	ssyncset.done @!p0 $0x0  }
0x43: {  	[sflag:s0] =	ssyncadd.s32 @!p0 s1  }
0x44: {  	[bflag:$0x3] =	sbarrier.arrive $0xFFFF  }
0x45: {  	_ =	shalt  }

// kernel: kernel.8.cloned.1.call-start
scs
__scs_entry_jumppad:
0x0: {  	(pc) =	sbr.rel $0x88, $3  }
0x1: {  	(tag) =	ssettag $0x0;
	lr =	simm.s32 $0x1  }
0x2: {  	[smem:$0x3F9F] =	sst lr;
	_ =	strace $0xD0000000  }
0x3: {  	_ = 	snop  }
0x4: {  	_ = 	snop  }
0x5: {  	_ = 	snop  }
0x6: {  	_ = 	snop  }
0x7: {  	_ = 	snop  }
__scs_overlays_trampoline_lowered:
0x8: {  	[smem:$0x3FAE] =	sst s0  }
0x9: {  	[smem:$0x3FAF] =	sst s1  }
0xa: {  	[smem:$0x3FB0] =	sst s2  }
0xb: {  	[smem:$0x3FB1] =	sst s3  }
0xc: {  	[smem:$0x3FB2] =	sst s4  }
0xd: {  	[smem:$0x3FB3] =	sst s5  }
0xe: {  	[smem:$0x3FB4] =	sst s6  }
0xf: {  	[smem:$0x3FB5] =	sst s7  }
0x10: {  	[smem:$0x3FB6] =	sst s8  }
0x11: {  	[smem:$0x3FB7] =	sst s9;
	s0 =	simm.s32 @!p0 $0x0  }
0x12: {  	s1 =	sld [smem:$0x3F9D];
	s0 =	simm.s32 @p0 $0x1  }
0x13: {  	[smem:$0x3FB8] =	sst s0;
	s0 =	simm.s32 @!p1 $0x0  }
0x14: {  	s2 =	sld [smem:$0x3F9C];
	s0 =	simm.s32 @p1 $0x1  }
0x15: {  	[smem:$0x3FB9] =	sst s0;
	s0 =	simm.s32 @!p2 $0x0  }
0x16: {  	s3 =	sld [smem:$0x3FDB];
	s0 =	simm.s32 @p2 $0x1  }
0x17: {  	s4 =	simm.s32 $0x1BF5;
	[smem:$0x3FBB] =	sst s0  }
0x18: {  	s0 =	sld [smem:$0x3F9E];
	_ =	swait.ge [sflag:s4], $0x0  }
0x19: {  	s7 =	sld [smem:$0x3F9F]  }
0x1a: {  	s8 =	sadd.s32 $0xFFFFE003, lr  }
0x1b: {  	s9 =	sadd.s32 $0xFFFFFEF7, lr;
	s5 =	simm.s32 $0xFFFFFFFF;
	p2 =	slt.u32 s8, $0xFFFFF086  }
0x1c: {  	p1 =	slt.u32 s9, $0xF7A;
	s5 =	simm.s32 @!p2 $0x0  }
0x1d: {  	s5 =	simm.s32 @p1 $0x1;
	p0 =	seq.s32 s7, s2  }
0x1e: {  	s7 =	smul.u32 @!p0 $0xF7A, s2;
	p2 =	seq.s32 @!p0 s5, $0x0  }
0x1f: {  	s9 =	smul.u32 $0xF7A, s1;
	s8 =	simm.s32 @!p0 $0x1BF5;
	p2 =	por !p2, p0  }
0x20: {  	[sflag:s8] =	ssyncset.s32 @!p0 $0xFFFFF086;
	s6 =	sadd.s32 @!p0 s3, s7;
	s7 =	simm.s32 @!p0 $0x108  }
0x21: {  	s3 =	sadd.s32 s3, s9;
	s6 =	sadd.s32 @!p0 $0x88, s6;
	s7 =	simm.s32 @p2 $0x1082  }
0x22: {  	[simem:s7], [sflag:s8] =	dma.local @!p0 [hbm:s6], $0xF7A  }
0x23: {  	s9 =	sor.u32 $0xD0000000, s2;
	s6 =	simm.s32 $0x108;
	_ =	swait.ge @!p0 [sflag:s8], $0x0  }
0x24: {  	s3 =	sadd.s32 $0x88, s3;
	s6 =	simm.s32 @!p1 $0x1082;
	[sflag:s4] =	ssyncset.s32 $0xFFFFF086  }
0x25: {  	[simem:s6], [sflag:s4] =	dma.local [hbm:s3], $0xF7A  }
0x26: {  	[smem:$0x3F9F] =	sst s1;
	(tag) =	ssettag s2;
	_ =	strace s9  }
0x27: {  	s1 =	sld [smem:$0x3FAF]  }
0x28: {  	s2 =	sld [smem:$0x3FB0]  }
0x29: {  	s4 =	sld [smem:$0x3FB2]  }
0x2a: {  	p0 =	seq.s32 s5, $0x0;
	s5 =	sld [smem:$0x3FB3]  }
0x2b: {  	s6 =	sld [smem:$0x3FB4]  }
0x2c: {  	s7 =	sld [smem:$0x3FB5]  }
0x2d: {  	s3 =	simm.s32 $0x108;
	s8 =	sld [smem:$0x3FB6]  }
0x2e: {  	s3 =	simm.s32 @!p0 $0x1082;
	s9 =	sld [smem:$0x3FB7]  }
0x2f: {  	lr =	sadd.s32 s0, s3;
	s0 =	sld [smem:$0x3FAE]  }
0x30: {  	s3 =	sld [smem:$0x3FB1]  }
0x31: {  	[smem:$0x3FBA] =	sst s10  }
0x32: {  	s10 =	sld [smem:$0x3FB8];
	_ =	sdelay $0x3  }
0x33: {  	p0 =	seq.s32 s10, $0x1;
	s10 =	sld [smem:$0x3FBA];
	_ =	sdelay $0x3  }
0x34: {  	[smem:$0x3FBA] =	sst s10  }
0x35: {  	s10 =	sld [smem:$0x3FB9];
	_ =	sdelay $0x3  }
0x36: {  	p1 =	seq.s32 s10, $0x1;
	s10 =	sld [smem:$0x3FBA];
	_ =	sdelay $0x3  }
0x37: {  	[smem:$0x3FBA] =	sst s10  }
0x38: {  	s10 =	sld [smem:$0x3FBB]  }
0x39: {  	_ = 	snop;
	(pc) =	sbr.ind lr, $3  }
0x3a: {  	_ = 	snop  }
0x3b: {  	_ = 	snop  }
0x3c: {  	p2 =	seq.s32 s10, $0x1;
	s10 =	sld [smem:$0x3FBA]  }
0x3d: {  	_ =	shalt  }
0x3e: {  	_ =	shalt  }
0x3f: {  	_ =	shalt  }
0x40: {  	_ =	shalt  }
0x41: {  	_ =	shalt  }
0x42: {  	_ =	shalt  }
0x43: {  	_ =	shalt  }
0x44: {  	_ =	shalt  }
0x45: {  	_ =	shalt  }
0x46: {  	_ =	shalt  }
0x47: {  	_ =	shalt  }
0x48: {  	_ =	shalt  }
0x49: {  	_ =	shalt  }
0x4a: {  	_ =	shalt  }
0x4b: {  	_ =	shalt  }
0x4c: {  	_ =	shalt  }
0x4d: {  	_ =	shalt  }
0x4e: {  	_ =	shalt  }
0x4f: {  	_ =	shalt  }
0x50: {  	_ =	shalt  }
0x51: {  	_ =	shalt  }
0x52: {  	_ =	shalt  }
0x53: {  	_ =	shalt  }
0x54: {  	_ =	shalt  }
0x55: {  	_ =	shalt  }
0x56: {  	_ =	shalt  }
0x57: {  	_ =	shalt  }
0x58: {  	_ =	shalt  }
0x59: {  	_ =	shalt  }
0x5a: {  	_ =	shalt  }
0x5b: {  	_ =	shalt  }
0x5c: {  	_ =	shalt  }
0x5d: {  	_ =	shalt  }
0x5e: {  	_ =	shalt  }
0x5f: {  	_ =	shalt  }
0x60: {  	_ =	shalt  }
0x61: {  	_ =	shalt  }
0x62: {  	_ =	shalt  }
0x63: {  	_ =	shalt  }
0x64: {  	_ =	shalt  }
0x65: {  	_ =	shalt  }
0x66: {  	_ =	shalt  }
0x67: {  	_ =	shalt  }
0x68: {  	_ =	shalt  }
0x69: {  	_ =	shalt  }
0x6a: {  	_ =	shalt  }
0x6b: {  	_ =	shalt  }
0x6c: {  	_ =	shalt  }
0x6d: {  	_ =	shalt  }
0x6e: {  	_ =	shalt  }
0x6f: {  	_ =	shalt  }
0x70: {  	_ =	shalt  }
0x71: {  	_ =	shalt  }
0x72: {  	_ =	shalt  }
0x73: {  	_ =	shalt  }
0x74: {  	_ =	shalt  }
0x75: {  	_ =	shalt  }
0x76: {  	_ =	shalt  }
0x77: {  	_ =	shalt  }
0x78: {  	_ =	shalt  }
0x79: {  	_ =	shalt  }
0x7a: {  	_ =	shalt  }
0x7b: {  	_ =	shalt  }
0x7c: {  	_ =	shalt  }
0x7d: {  	_ =	shalt  }
0x7e: {  	_ =	shalt  }
0x7f: {  	_ =	shalt  }
0x80: {  	_ =	shalt  }
0x81: {  	_ =	shalt  }
0x82: {  	_ =	shalt  }
0x83: {  	_ =	shalt  }
0x84: {  	_ =	shalt  }
0x85: {  	_ =	shalt  }
0x86: {  	_ =	shalt  }
0x87: {  	_ =	shalt  }
.Lfunc_end0:
.L_simem_size_0:
called_computation.1_lowered:
.L_overlay_start_0:
0x88: {  	s2 =	sld [smem:$0x3FD9]  }
0x89: {  	s3 =	sld [smem:$0x3FFE];
	_ =	sdelay $0x1  }
0x8a: {  	s1 =	srdreg.scid  }
0x8b: {  	s0 =	sand.u32 $0x1, s1  }
0x8c: {  	s17 =	sshll.u32 s0, $0xA;
	s2 =	sadd.s32 s3, s2  }
0x8d: {  	s2 =	sadd.s32 s2, s17  }
0x8e: {  	[smem:$0x3FC6] =	sst s2  }
0x8f: {  	_ = 	snop  }
0x90: {  	s2 =	sld [smem:$0x3FD0];
	(tm) =	ssettm $0x1  }
0x91: {  	s18 =	sld [smem:$0x3FFB];
	_ =	sdelay $0x3  }
0x92: {  	_ =	strace s18  }
0x93: {  	s3 =	sld [smem:$0x3FFC];
	_ =	sdelay $0x3  }
0x94: {  	_ =	strace s3  }
0x95: {  	s3 =	sld [smem:$0x3FFD];
	_ =	sdelay $0x3  }
0x96: {  	_ =	strace s3  }
0x97: {  	_ =	strace $0x8FFFFFFF  }
0x98: {  	s19 =	sld [smem:$0x3FDB];
	_ =	sdelay $0x1  }
0x99: {  	s4 =	simm.s32 $_scs_section_size  }
0x9a: {  	s5 =	simm.s32 $_size__tile_overlayer_lowered;
	s6 =	simm.s32 $_tile_overlayer_lowered  }
0x9b: {  	s22 =	simm.s32 $0x1BFF;
	s21 =	sshll.u32 s6, $0x1;
	s3 =	sadd.s32 s4, s19  }
0x9c: {  	s7 =	simm.s32 $0x0;
	s20 =	sshll.u32 s5, $0x1;
	s5 =	sadd.s32 s21, s3  }
0x9d: {  	[timem:s7], [sflag:s22] =	dma.local [hbm:s5], s20  }
0x9e: {  	_ =	swait.ge [sflag:s22], s20  }
0x9f: {  	s4 =	ssub.s32 $0x0, s20;
	[sflag:s22] =	ssyncset.done $0x0  }
0xa0: {  	[sflag:s22] =	ssyncadd.s32 s4;
	_ =	sdelay $0x1  }
0xa1: {  	s23 =	simm.s32 $0x1B8B  }
0xa2: {  	_ =	swait.ge [sflag:s23], $0x1  }
0xa3: {  	[sflag:s23] =	ssyncset.done $0x0  }
0xa4: {  	s25 =	simm.s32 $0x1B8E;
	s24 =	sld [smem:$0x3FFE];
	[sflag:s23] =	ssyncadd.s32 $0xFFFFFFFF  }
0xa5: {  	s26 =	simm.s32 $execute0_lowered;
	[smem:$0x3FD2] =	sst s25  }
0xa6: {  	s5 =	sshll.u32 s26, $0x1;
	_ =	strace $0x80000049;
	[dreg:$0x1] =	wrdreg $0xFFFFFFFF  }
0xa7: {  	s28 =	simm.s32 $_size_execute0_lowered;
	s3 =	sadd.s32 s3, s5;
	[dreg:$0x0] =	wrdreg $0x0  }
0xa8: {  	s5 =	sshll.u32 s28, $0x1;
	[dreg:$0x2] =	wrdreg s3  }
0xa9: {  	[dreg:$0x3] =	wrdreg s5  }
0xaa: {  	[dreg:$0x4] =	wrdreg $0xC0  }
0xab: {  	_ =	task [dreg:s7], $0x5FFFF  }
0xac: {  	[dreg:$0x1] =	wrdreg $0xFFFFFFFF  }
0xad: {  	[dreg:$0x0] =	wrdreg $0x60  }
0xae: {  	[dreg:$0x2] =	wrdreg s24  }
0xaf: {  	[dreg:$0x3] =	wrdreg s2  }
0xb0: {  	[dreg:$0x4] =	wrdreg $0x9  }
0xb1: {  	_ =	task.clear_ibuf [dreg:s7], $0x5FFFF;
	_ =	strace $0x90000049  }
0xb2: {  	s29 =	simm.s32 $0x9;
	_ =	strace $0x8000004B  }
0xb3: {  	_ =	swait.ge [sflag:s29], $0x1  }
0xb4: {  	[sflag:s29] =	ssyncadd.s32 $0xFFFFFFFF  }
0xb5: {  	_ =	strace $0x9000004B  }
0xb6: {  	_ =	sfence  }
0xb7: {  	s30 =	sld [smem:$0x0];
	_ =	sdelay $0x2  }
0xb8: {  	s31 =	sshll.u32 s1, $0xD;
	s1 =	sshrl.u32 s1, $0x2  }
0xb9: {  	s3 =	sand.u32 $0x4000, s31;
	s1 =	sadd.s32 s1, s30  }
0xba: {  	s0 =	sor.u32 s3, s0;
	s1 =	sshll.u32 s1, $0x11  }
0xbb: {  	s0 =	sor.u32 s1, s0  }
0xbc: {  	s0 =	sadd.s32 $0x8F2B, s0  }
0xbd: {  	[sflag:s0] =	ssyncadd.remote.s32 $0x1  }
0xbe: {  	_ =	sfence.sel $0xFFFF  }
0xbf: {  	[dreg:$0x0] =	wrdreg $0xFFFFFFFF;
	(pc) =	sbr.abs _section_cstart, $3  }
0xc0: {  	[dreg:$0x1] =	wrdreg $0xFFFFFFFF  }
0xc1: {  	_ =	task.clear_ibuf [dreg:s7], $0x2FFFF;
	_ =	strace $0x9FFFFFFF  }
0xc2: {  	(tm) =	ssettm $0x7FFFFFFF  }
0xc3: {  	_ =	shalt  }
tec
execute0_lowered:
.L_overlay_start_1:
0x0: {  	(tag) =	ssettag $0x1  }
0x1: {  	s1 =	rddreg [dreg:$0x0]  }
0x2: {  	s3 =	rddreg [dreg:$0x1]  }
0x3: {  	s4 =	simm.s32 $0x0;
	s0 =	srdreg.scid;
	s5 =	stileid.u32  }
0x4: {  	s19 =	simm.s32 $0x1;
	s20 =	simm.s32 $0x1B580;
	s21 =	simm.s32 $0x2  }
0x5: {  	s22 =	simm.s32 $0x1C580;
	s23 =	simm.s32 $0x3;
	s24 =	simm.s32 $0x1D580  }
0x6: {  	s25 =	simm.s32 $0x4;
	s26 =	simm.s32 $0x5;
	s28 =	simm.s32 $0x6  }
0x7: {  	[smem:$0x7FF] =	sst s4;
	s0 =	sand.u32 $0x1, s0;
	s2 =	sshrl.u32 s5, $0x2  }
0x8: {  	s5 =	sshll.u32 s5, $0x4;
	s9 =	sadd.s32 $0x1A400, s1;
	s6 =	sshll.u32 s0, $0x3  }
0x9: {  	s14 =	smul.u32 $0x34500, s2;
	_ =	strace $0x8000004A;
	s0 =	ssub.s32 $0x2, s0  }
0xa: {  	s8 =	smov.u32 s9;
	s12 =	smul.u32 $0xD80000, s2;
	s6 =	sor.u32 s6, s5  }
0xb: {  	s2 =	simm.s32 $0x0;
	s29 =	sshrl.u32 s0, $0x1;
	[dreg:$0x3] =	wrdreg s6  }
0xc: {  	s6 =	smul.u32 $0x30D4, s6;
	s7 =	sshrl.u32 s14, $0x3;
	s0 =	ssub.s32 s0, s29  }
0xd: {  	s11 =	sadd.s32 $0x2E80, s14;
	s13 =	sadd.s32 $0x3E00, s14;
	s0 =	smax.u32 s0, $0x1  }
0xe: {  	s30 =	sadd.s32 s1, s7;
	s6 =	sadd.s32 s9, s6;
	[dreg:$0x6] =	wrdreg s0  }
0xf: {  	s14 =	sadd.s32 $0x4D80, s14;
	s31 =	sadd.s32 $0x1F0, s30;
	[dreg:$0x4] =	wrdreg s6  }
0x10: {  	v0 =	vimm.f32 $0.0e+00;
	s9 =	smov.u32 s30;
	s10 =	sadd.s32 $0x3E0, s30;
	[dreg:$0x5] =	wrdreg s31  }
.LBB2_1:
0x11: {  	[dreg:$0x7] =	wrdreg s2;
	[tilespmem:$0x186A0] =	vst v0;
	s30 =	simm.s32 $0x0  }
.LBB2_2:
0x12: {  	p0 =	sne.s32 s30, $0x0  }
0x13: {  	s2 =	rddreg [dreg:$0x4];
	s0 =	simm.s32 @!p0 $0x0  }
0x14: {  	[tilespmem:s0], [sflag:$0x8] =	stream.linear.gather @!p0 [hbm4b:s2+s0], $0x186A0, $0x38;
	[tilespmem:$0x1E580] =	vst v63  }
0x15: {  	s0 =	simm.s32 @!p0 $0x8  }
0x16: {  	s0 =	simm.s32 @p0 $0x7  }
0x17: {  	_ =	swait.ge [sflag:s0], $0x186A0  }
0x18: {  	s16 =	simm.s32 $0x18700;
	[sflag:s0] =	ssyncset.done $0x0;
	s15 =	rddreg [dreg:$0x3]  }
0x19: {  	s31 =	sor.u32 s15, s30;
	[sflag:s0] =	ssyncadd.s32 $0xFFFE7960;
	s0 =	simm.s32 $0x0  }
0x1a: {  	[tilespmem:s16], [sflag:$0x1] =	stream.linear.gather [hbm4b:s9+s0], $0xF80, $0x38;
	[tilespmem:$0x1E580] =	vst v63  }
0x1b: {  	s17 =	sand.u32 $0x3F, s31  }
0x1c: {  	s6 =	simm.s32 $0x19680;
	s5 =	rddreg [dreg:$0x5];
	s2 =	smul.u32 $0x36000, s17  }
0x1d: {  	[tilespmem:s6], [sflag:$0x2] =	stream.linear.gather [hbm4b:s5+s0], $0xF80, $0x38;
	[tilespmem:$0x1E580] =	vst v63  }
0x1e: {  	s18 =	simm.s32 $0x1A600;
	s2 =	sadd.s32 s12, s2  }
0x1f: {  	[tilespmem:s18], [sflag:$0x3] =	stream.linear.gather [hbm4b:s10+s0], $0xF80, $0x38;
	[tilespmem:$0x1E580] =	vst v63  }
0x20: {  	s15 =	sor.u32 $0x1000, s2;
	s29 =	sadd.s32 $0x2000, s2  }
.LBB2_3:
0x21: {  	_ =	swait.ge [sflag:s19], $0xF80  }
0x22: {  	p0 =	seq.s32 s0, $0x0;
	[sflag:s19] =	ssyncset.done $0x0  }
0x23: {  	s5 =	simm.s32 @!p0 $0x4;
	[sflag:s19] =	ssyncadd.s32 $0xFFFFF080  }
0x24: {  	_ =	swait.ge @!p0 [sflag:s5], $0x1000  }
0x25: {  	s16 =	simm.s32 $0x1BD80;
	[sflag:s5] =	ssyncset.done @!p0 $0x0  }
0x26: {  	s17 =	simm.s32 $0x187F0;
	[sflag:s5] =	ssyncadd.s32 @!p0 $0xFFFFF000;
	s5 =	simm.s32 $0x0  }
.LBB2_4:
0x27: {  	v1 =	vld [tilespmem:s17+$0xFFFFFF10]  }
0x28: {  	v2 =	vld [tilespmem:s17+$0xFFFFFF20]  }
0x29: {  	v3 =	vld [tilespmem:s17+$0xFFFFFF30]  }
0x2a: {  	v4 =	vld [tilespmem:s17+$0xFFFFFF40]  }
0x2b: {  	v5 =	vld [tilespmem:s17+$0xFFFFFF50]  }
0x2c: {  	v6 =	vld [tilespmem:s17+$0xFFFFFF60]  }
0x2d: {  	v7 =	vld [tilespmem:s17+$0xFFFFFF70]  }
0x2e: {  	v8 =	vld [tilespmem:s17+$0xFFFFFF80]  }
0x2f: {  	s6 =	sand.u32 $0xFF0, s5;
	v10 =	vld [tilespmem:s17+$0xFFFFFFA0]  }
0x30: {  	v9 =	vld [tilespmem:s6+$0x18780]  }
0x31: {  	v1 =	vld.idx.msk [tilespmem:v1+s4+$0x0], $0xffff  }
0x32: {  	v2 =	vld.idx.msk [tilespmem:v2+s4+$0x0], $0xffff  }
0x33: {  	v3 =	vld.idx.msk [tilespmem:v3+s4+$0x0], $0xffff  }
0x34: {  	v4 =	vld.idx.msk [tilespmem:v4+s4+$0x0], $0xffff  }
0x35: {  	v5 =	vld.idx.msk [tilespmem:v5+s4+$0x0], $0xffff  }
0x36: {  	v6 =	vld.idx.msk [tilespmem:v6+s4+$0x0], $0xffff  }
0x37: {  	v7 =	vld.idx.msk [tilespmem:v7+s4+$0x0], $0xffff  }
0x38: {  	v8 =	vld.idx.msk [tilespmem:v8+s4+$0x0], $0xffff  }
0x39: {  	v9 =	vld.idx.msk [tilespmem:v9+s4+$0x0], $0xffff;
	[tilespmem:s16+$0xFFFFF800] =	vst v1  }
0x3a: {  	v1 =	vld [tilespmem:s17+$0xFFFFFFB0];
	[tilespmem:s16+$0xFFFFF810] =	vst v2  }
0x3b: {  	v2 =	vld [tilespmem:s17+$0xFFFFFFC0];
	[tilespmem:s16+$0xFFFFF820] =	vst v3  }
0x3c: {  	v3 =	vld [tilespmem:s17+$0xFFFFFFD0];
	[tilespmem:s16+$0xFFFFF830] =	vst v4  }
0x3d: {  	v4 =	vld [tilespmem:s17+$0xFFFFFFE0];
	[tilespmem:s16+$0xFFFFF840] =	vst v5  }
0x3e: {  	v5 =	vld [tilespmem:s17+$0xFFFFFFF0];
	[tilespmem:s16+$0xFFFFF850] =	vst v6  }
0x3f: {  	v6 =	vld [tilespmem:s17+$0x0];
	[tilespmem:s16+$0xFFFFF860] =	vst v7  }
0x40: {  	v7 =	vld [tilespmem:s6+$0x18800];
	[tilespmem:s16+$0xFFFFF870] =	vst v8  }
0x41: {  	v8 =	vld [tilespmem:s17+$0x20];
	[tilespmem:s16+$0xFFFFFC00] =	vst v9  }
0x42: {  	v9 =	vld.idx.msk [tilespmem:v10+s4+$0x0], $0xffff  }
0x43: {  	v1 =	vld.idx.msk [tilespmem:v1+s4+$0x0], $0xffff  }
0x44: {  	v62 =	vld [tilespmem:s17+$0x30]  }
0x45: {  	v2 =	vld.idx.msk [tilespmem:v2+s4+$0x0], $0xffff  }
0x46: {  	v3 =	vld.idx.msk [tilespmem:v3+s4+$0x0], $0xffff  }
0x47: {  	v4 =	vld.idx.msk [tilespmem:v4+s4+$0x0], $0xffff  }
0x48: {  	v5 =	vld.idx.msk [tilespmem:v5+s4+$0x0], $0xffff  }
0x49: {  	v6 =	vld.idx.msk [tilespmem:v6+s4+$0x0], $0xffff  }
0x4a: {  	v7 =	vld.idx.msk [tilespmem:v7+s4+$0x0], $0xffff  }
0x4b: {  	v8 =	vld.idx.msk [tilespmem:v8+s4+$0x0], $0xffff;
	[tilespmem:s16+$0xFFFFFC10] =	vst v9  }
0x4c: {  	v9 =	vld [tilespmem:s17+$0x40];
	[tilespmem:s16+$0xFFFFFC20] =	vst v1  }
0x4d: {  	v1 =	vld [tilespmem:s17+$0x50];
	[tilespmem:s16+$0xFFFFFC30] =	vst v2  }
0x4e: {  	v2 =	vld [tilespmem:s17+$0x60];
	[tilespmem:s16+$0xFFFFFC40] =	vst v3  }
0x4f: {  	v3 =	vld [tilespmem:s17+$0x70];
	[tilespmem:s16+$0xFFFFFC50] =	vst v4  }
0x50: {  	v4 =	vld [tilespmem:s17+$0x80];
	[tilespmem:s16+$0xFFFFFC60] =	vst v5  }
0x51: {  	v5 =	vld [tilespmem:s6+$0x18880];
	[tilespmem:s16+$0xFFFFFC70] =	vst v6  }
0x52: {  	v6 =	vld [tilespmem:s17+$0xA0];
	[tilespmem:s16+$0x0] =	vst v7  }
0x53: {  	v7 =	vld [tilespmem:s17+$0xB0];
	[tilespmem:s16+$0x10] =	vst v8  }
0x54: {  	v8 =	vld.idx.msk [tilespmem:v62+s4+$0x0], $0xffff  }
0x55: {  	v9 =	vld.idx.msk [tilespmem:v9+s4+$0x0], $0xffff  }
0x56: {  	v63 =	vld [tilespmem:s17+$0xC0]  }
0x57: {  	v1 =	vld.idx.msk [tilespmem:v1+s4+$0x0], $0xffff  }
0x58: {  	v2 =	vld.idx.msk [tilespmem:v2+s4+$0x0], $0xffff  }
0x59: {  	v3 =	vld.idx.msk [tilespmem:v3+s4+$0x0], $0xffff  }
0x5a: {  	v4 =	vld.idx.msk [tilespmem:v4+s4+$0x0], $0xffff  }
0x5b: {  	v5 =	vld.idx.msk [tilespmem:v5+s4+$0x0], $0xffff  }
0x5c: {  	v6 =	vld.idx.msk [tilespmem:v6+s4+$0x0], $0xffff  }
0x5d: {  	v7 =	vld.idx.msk [tilespmem:v7+s4+$0x0], $0xffff;
	[tilespmem:s16+$0x20] =	vst v8  }
0x5e: {  	v8 =	vld [tilespmem:s17+$0xD0];
	[tilespmem:s16+$0x30] =	vst v9  }
0x5f: {  	v9 =	vld [tilespmem:s17+$0xE0];
	[tilespmem:s16+$0x40] =	vst v1  }
0x60: {  	v1 =	vld [tilespmem:s17+$0xF0];
	[tilespmem:s16+$0x50] =	vst v2  }
0x61: {  	[tilespmem:s16+$0x60] =	vst v3  }
0x62: {  	[tilespmem:s16+$0x70] =	vst v4  }
0x63: {  	[tilespmem:s16+$0x400] =	vst v5  }
0x64: {  	[tilespmem:s16+$0x410] =	vst v6  }
0x65: {  	[tilespmem:s16+$0x420] =	vst v7  }
0x66: {  	v2 =	vld.idx.msk [tilespmem:v63+s4+$0x0], $0xffff  }
0x67: {  	v3 =	vld.idx.msk [tilespmem:v8+s4+$0x0], $0xffff  }
0x68: {  	v4 =	vld.idx.msk [tilespmem:v9+s4+$0x0], $0xffff  }
0x69: {  	p1 =	sne.s32 s5, $0xD90;
	v1 =	vld.idx.msk [tilespmem:v1+s4+$0x0], $0xffff  }
.Ltmp0:
0x6a: {  	_ = 	snop;
	(pc) =	sbr.rel @p1 .LBB2_4-.Ltmp0, $4  }
0x6b: {  	[tilespmem:s16+$0x430] =	vst v2  }
0x6c: {  	[tilespmem:s16+$0x440] =	vst v3  }
0x6d: {  	[tilespmem:s16+$0x450] =	vst v4  }
0x6e: {  	s5 =	sadd.s32 $0x1F0, s5;
	s17 =	sadd.s32 $0x1F0, s17;
	[tilespmem:s16+$0x460] =	vst v1;
	s16 =	sadd.s32 $0x80, s16  }
0x6f: {  	p1 =	seq.s32 s0, $0x11  }
0x70: {  	s17 =	smul.u32 @!p1 $0x2E80, s0;
	_ =	sdelay $0x1  }
0x71: {  	s5 =	sadd.s32 @!p1 s17, s11  }
0x72: {  	s16 =	smul.u32 $0x3000, s0;
	s5 =	sshrl.u32 @!p1 s5, $0x3  }
0x73: {  	s6 =	simm.s32 @!p1 $0x0;
	s18 =	simm.s32 @!p1 $0x18700;
	s5 =	sadd.s32 @!p1 s1, s5  }
0x74: {  	[tilespmem:s18], [sflag:$0x1] =	stream.linear.gather @!p1 [hbm4b:s5+s6], $0xF80, $0x38;
	[tilespmem:$0x1E580] =	vst v63  }
0x75: {  	s18 =	sadd.s32 s2, s16  }
0x76: {  	s5 =	sshrl.u32 s18, $0x3  }
0x77: {  	s5 =	sadd.s32 s3, s5  }
0x78: {  	[hbm4b:s5+s4] =	stream.linear.scatter [tilespmem:s20], [sflag:$0x4], $0x1000, $0x38;
	[tilespmem:$0x1E580] =	vst v63  }
0x79: {  	_ =	swait.ge [sflag:s21], $0xF80  }
0x7a: {  	[sflag:s21] =	ssyncset.done $0x0  }
0x7b: {  	s5 =	simm.s32 @!p0 $0x5;
	[sflag:s21] =	ssyncadd.s32 $0xFFFFF080  }
0x7c: {  	_ =	swait.ge @!p0 [sflag:s5], $0x1000  }
0x7d: {  	s6 =	simm.s32 $0x1D1E0;
	[sflag:s5] =	ssyncset.done @!p0 $0x0  }
0x7e: {  	s18 =	simm.s32 $0x0;
	[sflag:s5] =	ssyncadd.s32 @!p0 $0xFFFFF000;
	s5 =	simm.s32 $0x19860  }
.LBB2_6:
0x7f: {  	v2 =	vld [tilespmem:s5+$0xFFFFFE30]  }
0x80: {  	v3 =	vld [tilespmem:s5+$0xFFFFFE40]  }
0x81: {  	v4 =	vld [tilespmem:s5+$0xFFFFFE50]  }
0x82: {  	v5 =	vld [tilespmem:s5+$0xFFFFFE60]  }
0x83: {  	s7 =	sand.u32 $0xFF0, s18;
	v6 =	vld [tilespmem:s5+$0xFFFFFE70]  }
0x84: {  	v1 =	vld [tilespmem:s7+$0x19680]  }
0x85: {  	v7 =	vld [tilespmem:s5+$0xFFFFFE80]  }
0x86: {  	v8 =	vld [tilespmem:s5+$0xFFFFFE90]  }
0x87: {  	v10 =	vld [tilespmem:s5+$0xFFFFFEB0]  }
0x88: {  	v9 =	vld [tilespmem:s7+$0x19700]  }
0x89: {  	v2 =	vld.idx.msk [tilespmem:v2+s4+$0x0], $0xffff  }
0x8a: {  	v3 =	vld.idx.msk [tilespmem:v3+s4+$0x0], $0xffff  }
0x8b: {  	v4 =	vld.idx.msk [tilespmem:v4+s4+$0x0], $0xffff  }
0x8c: {  	v1 =	vld.idx.msk [tilespmem:v1+s4+$0x0], $0xffff  }
0x8d: {  	v5 =	vld.idx.msk [tilespmem:v5+s4+$0x0], $0xffff  }
0x8e: {  	v6 =	vld.idx.msk [tilespmem:v6+s4+$0x0], $0xffff  }
0x8f: {  	v7 =	vld.idx.msk [tilespmem:v7+s4+$0x0], $0xffff  }
0x90: {  	v8 =	vld.idx.msk [tilespmem:v8+s4+$0x0], $0xffff  }
0x91: {  	v9 =	vld.idx.msk [tilespmem:v9+s4+$0x0], $0xffff;
	[tilespmem:s6+$0xFFFFF3A0] =	vst v1  }
0x92: {  	v1 =	vld [tilespmem:s5+$0xFFFFFEC0];
	[tilespmem:s6+$0xFFFFF3B0] =	vst v2  }
0x93: {  	v2 =	vld [tilespmem:s5+$0xFFFFFED0];
	[tilespmem:s6+$0xFFFFF3C0] =	vst v3  }
0x94: {  	v3 =	vld [tilespmem:s5+$0xFFFFFEE0];
	[tilespmem:s6+$0xFFFFF3D0] =	vst v4  }
0x95: {  	v4 =	vld [tilespmem:s5+$0xFFFFFEF0];
	[tilespmem:s6+$0xFFFFF3E0] =	vst v5  }
0x96: {  	v5 =	vld [tilespmem:s5+$0xFFFFFF00];
	[tilespmem:s6+$0xFFFFF3F0] =	vst v6  }
0x97: {  	v6 =	vld [tilespmem:s5+$0xFFFFFF10];
	[tilespmem:s6+$0xFFFFF400] =	vst v7  }
0x98: {  	v7 =	vld [tilespmem:s7+$0x19780];
	[tilespmem:s6+$0xFFFFF410] =	vst v8  }
0x99: {  	v8 =	vld [tilespmem:s5+$0xFFFFFF30];
	[tilespmem:s6+$0xFFFFF7A0] =	vst v9  }
0x9a: {  	v9 =	vld.idx.msk [tilespmem:v10+s4+$0x0], $0xffff  }
0x9b: {  	v1 =	vld.idx.msk [tilespmem:v1+s4+$0x0], $0xffff  }
0x9c: {  	v62 =	vld [tilespmem:s5+$0xFFFFFF40]  }
0x9d: {  	v2 =	vld.idx.msk [tilespmem:v2+s4+$0x0], $0xffff  }
0x9e: {  	v3 =	vld.idx.msk [tilespmem:v3+s4+$0x0], $0xffff  }
0x9f: {  	v4 =	vld.idx.msk [tilespmem:v4+s4+$0x0], $0xffff  }
0xa0: {  	v5 =	vld.idx.msk [tilespmem:v5+s4+$0x0], $0xffff  }
0xa1: {  	v6 =	vld.idx.msk [tilespmem:v6+s4+$0x0], $0xffff  }
0xa2: {  	v7 =	vld.idx.msk [tilespmem:v7+s4+$0x0], $0xffff  }
0xa3: {  	v8 =	vld.idx.msk [tilespmem:v8+s4+$0x0], $0xffff;
	[tilespmem:s6+$0xFFFFF7B0] =	vst v9  }
0xa4: {  	v9 =	vld [tilespmem:s5+$0xFFFFFF50];
	[tilespmem:s6+$0xFFFFF7C0] =	vst v1  }
0xa5: {  	v1 =	vld [tilespmem:s5+$0xFFFFFF60];
	[tilespmem:s6+$0xFFFFF7D0] =	vst v2  }
0xa6: {  	v2 =	vld [tilespmem:s5+$0xFFFFFF70];
	[tilespmem:s6+$0xFFFFF7E0] =	vst v3  }
0xa7: {  	v3 =	vld [tilespmem:s5+$0xFFFFFF80];
	[tilespmem:s6+$0xFFFFF7F0] =	vst v4  }
0xa8: {  	v4 =	vld [tilespmem:s5+$0xFFFFFF90];
	[tilespmem:s6+$0xFFFFF800] =	vst v5  }
0xa9: {  	v5 =	vld [tilespmem:s7+$0x19800];
	[tilespmem:s6+$0xFFFFF810] =	vst v6  }
0xaa: {  	v6 =	vld [tilespmem:s5+$0xFFFFFFB0];
	[tilespmem:s6+$0xFFFFFBA0] =	vst v7  }
0xab: {  	v7 =	vld [tilespmem:s5+$0xFFFFFFC0];
	[tilespmem:s6+$0xFFFFFBB0] =	vst v8  }
0xac: {  	v8 =	vld.idx.msk [tilespmem:v62+s4+$0x0], $0xffff  }
0xad: {  	v9 =	vld.idx.msk [tilespmem:v9+s4+$0x0], $0xffff  }
0xae: {  	v63 =	vld [tilespmem:s5+$0xFFFFFFD0]  }
0xaf: {  	v1 =	vld.idx.msk [tilespmem:v1+s4+$0x0], $0xffff  }
0xb0: {  	v2 =	vld.idx.msk [tilespmem:v2+s4+$0x0], $0xffff  }
0xb1: {  	v3 =	vld.idx.msk [tilespmem:v3+s4+$0x0], $0xffff  }
0xb2: {  	v4 =	vld.idx.msk [tilespmem:v4+s4+$0x0], $0xffff  }
0xb3: {  	v5 =	vld.idx.msk [tilespmem:v5+s4+$0x0], $0xffff  }
0xb4: {  	v6 =	vld.idx.msk [tilespmem:v6+s4+$0x0], $0xffff  }
0xb5: {  	v7 =	vld.idx.msk [tilespmem:v7+s4+$0x0], $0xffff;
	[tilespmem:s6+$0xFFFFFBC0] =	vst v8  }
0xb6: {  	v8 =	vld [tilespmem:s5+$0xFFFFFFE0];
	[tilespmem:s6+$0xFFFFFBD0] =	vst v9  }
0xb7: {  	v9 =	vld [tilespmem:s5+$0xFFFFFFF0];
	[tilespmem:s6+$0xFFFFFBE0] =	vst v1  }
0xb8: {  	v1 =	vld [tilespmem:s5+$0x0];
	[tilespmem:s6+$0xFFFFFBF0] =	vst v2  }
0xb9: {  	[tilespmem:s6+$0xFFFFFC00] =	vst v3  }
0xba: {  	[tilespmem:s6+$0xFFFFFC10] =	vst v4  }
0xbb: {  	[tilespmem:s6+$0xFFFFFFA0] =	vst v5  }
0xbc: {  	[tilespmem:s6+$0xFFFFFFB0] =	vst v6  }
0xbd: {  	[tilespmem:s6+$0xFFFFFFC0] =	vst v7  }
0xbe: {  	v2 =	vld.idx.msk [tilespmem:v63+s4+$0x0], $0xffff  }
0xbf: {  	v3 =	vld.idx.msk [tilespmem:v8+s4+$0x0], $0xffff  }
0xc0: {  	v4 =	vld.idx.msk [tilespmem:v9+s4+$0x0], $0xffff  }
0xc1: {  	p2 =	sne.s32 s18, $0xD90;
	v1 =	vld.idx.msk [tilespmem:v1+s4+$0x0], $0xffff  }
.Ltmp1:
0xc2: {  	_ = 	snop;
	(pc) =	sbr.rel @p2 .LBB2_6-.Ltmp1, $4  }
0xc3: {  	[tilespmem:s6+$0xFFFFFFD0] =	vst v2  }
0xc4: {  	[tilespmem:s6+$0xFFFFFFE0] =	vst v3  }
0xc5: {  	[tilespmem:s6+$0xFFFFFFF0] =	vst v4  }
0xc6: {  	s18 =	sadd.s32 $0x1F0, s18;
	s5 =	sadd.s32 $0x1F0, s5;
	[tilespmem:s6+$0x0] =	vst v1;
	s6 =	sadd.s32 $0x80, s6  }
0xc7: {  	s5 =	sadd.s32 @!p1 s17, s13  }
0xc8: {  	s6 =	simm.s32 @!p1 $0x0;
	s5 =	sshrl.u32 @!p1 s5, $0x3  }
0xc9: {  	s7 =	simm.s32 @!p1 $0x19680;
	s18 =	sadd.s32 s15, s16;
	s5 =	sadd.s32 @!p1 s1, s5  }
0xca: {  	[tilespmem:s7], [sflag:$0x2] =	stream.linear.gather @!p1 [hbm4b:s5+s6], $0xF80, $0x38;
	[tilespmem:$0x1E580] =	vst v63  }
0xcb: {  	s5 =	sshrl.u32 s18, $0x3  }
0xcc: {  	s5 =	sadd.s32 s3, s5  }
0xcd: {  	[hbm4b:s5+s4] =	stream.linear.scatter [tilespmem:s22], [sflag:$0x5], $0x1000, $0x38;
	[tilespmem:$0x1E580] =	vst v63  }
0xce: {  	_ =	swait.ge [sflag:s23], $0xF80  }
0xcf: {  	[sflag:s23] =	ssyncset.done $0x0  }
0xd0: {  	s5 =	simm.s32 @!p0 $0x6;
	[sflag:s23] =	ssyncadd.s32 $0xFFFFF080  }
0xd1: {  	_ =	swait.ge @!p0 [sflag:s5], $0x1000  }
0xd2: {  	s18 =	simm.s32 $0x0;
	[sflag:s5] =	ssyncset.done @!p0 $0x0  }
0xd3: {  	s6 =	simm.s32 $0x1E1E0;
	[sflag:s5] =	ssyncadd.s32 @!p0 $0xFFFFF000;
	s5 =	simm.s32 $0x1A7E0  }
.LBB2_8:
0xd4: {  	v2 =	vld [tilespmem:s5+$0xFFFFFE30]  }
0xd5: {  	v3 =	vld [tilespmem:s5+$0xFFFFFE40]  }
0xd6: {  	v4 =	vld [tilespmem:s5+$0xFFFFFE50]  }
0xd7: {  	v5 =	vld [tilespmem:s5+$0xFFFFFE60]  }
0xd8: {  	s7 =	sand.u32 $0xFF0, s18;
	v6 =	vld [tilespmem:s5+$0xFFFFFE70]  }
0xd9: {  	v1 =	vld [tilespmem:s7+$0x1A600]  }
0xda: {  	v7 =	vld [tilespmem:s5+$0xFFFFFE80]  }
0xdb: {  	v8 =	vld [tilespmem:s5+$0xFFFFFE90]  }
0xdc: {  	v10 =	vld [tilespmem:s5+$0xFFFFFEB0]  }
0xdd: {  	v9 =	vld [tilespmem:s7+$0x1A680]  }
0xde: {  	v2 =	vld.idx.msk [tilespmem:v2+s4+$0x0], $0xffff  }
0xdf: {  	v3 =	vld.idx.msk [tilespmem:v3+s4+$0x0], $0xffff  }
0xe0: {  	v4 =	vld.idx.msk [tilespmem:v4+s4+$0x0], $0xffff  }
0xe1: {  	v1 =	vld.idx.msk [tilespmem:v1+s4+$0x0], $0xffff  }
0xe2: {  	v5 =	vld.idx.msk [tilespmem:v5+s4+$0x0], $0xffff  }
0xe3: {  	v6 =	vld.idx.msk [tilespmem:v6+s4+$0x0], $0xffff  }
0xe4: {  	v7 =	vld.idx.msk [tilespmem:v7+s4+$0x0], $0xffff  }
0xe5: {  	v8 =	vld.idx.msk [tilespmem:v8+s4+$0x0], $0xffff  }
0xe6: {  	v9 =	vld.idx.msk [tilespmem:v9+s4+$0x0], $0xffff;
	[tilespmem:s6+$0xFFFFF3A0] =	vst v1  }
0xe7: {  	v1 =	vld [tilespmem:s5+$0xFFFFFEC0];
	[tilespmem:s6+$0xFFFFF3B0] =	vst v2  }
0xe8: {  	v2 =	vld [tilespmem:s5+$0xFFFFFED0];
	[tilespmem:s6+$0xFFFFF3C0] =	vst v3  }
0xe9: {  	v3 =	vld [tilespmem:s5+$0xFFFFFEE0];
	[tilespmem:s6+$0xFFFFF3D0] =	vst v4  }
0xea: {  	v4 =	vld [tilespmem:s5+$0xFFFFFEF0];
	[tilespmem:s6+$0xFFFFF3E0] =	vst v5  }
0xeb: {  	v5 =	vld [tilespmem:s5+$0xFFFFFF00];
	[tilespmem:s6+$0xFFFFF3F0] =	vst v6  }
0xec: {  	v6 =	vld [tilespmem:s5+$0xFFFFFF10];
	[tilespmem:s6+$0xFFFFF400] =	vst v7  }
0xed: {  	v7 =	vld [tilespmem:s7+$0x1A700];
	[tilespmem:s6+$0xFFFFF410] =	vst v8  }
0xee: {  	v8 =	vld [tilespmem:s5+$0xFFFFFF30];
	[tilespmem:s6+$0xFFFFF7A0] =	vst v9  }
0xef: {  	v9 =	vld.idx.msk [tilespmem:v10+s4+$0x0], $0xffff  }
0xf0: {  	v1 =	vld.idx.msk [tilespmem:v1+s4+$0x0], $0xffff  }
0xf1: {  	v62 =	vld [tilespmem:s5+$0xFFFFFF40]  }
0xf2: {  	v2 =	vld.idx.msk [tilespmem:v2+s4+$0x0], $0xffff  }
0xf3: {  	v3 =	vld.idx.msk [tilespmem:v3+s4+$0x0], $0xffff  }
0xf4: {  	v4 =	vld.idx.msk [tilespmem:v4+s4+$0x0], $0xffff  }
0xf5: {  	v5 =	vld.idx.msk [tilespmem:v5+s4+$0x0], $0xffff  }
0xf6: {  	v6 =	vld.idx.msk [tilespmem:v6+s4+$0x0], $0xffff  }
0xf7: {  	v7 =	vld.idx.msk [tilespmem:v7+s4+$0x0], $0xffff  }
0xf8: {  	v8 =	vld.idx.msk [tilespmem:v8+s4+$0x0], $0xffff;
	[tilespmem:s6+$0xFFFFF7B0] =	vst v9  }
0xf9: {  	v9 =	vld [tilespmem:s5+$0xFFFFFF50];
	[tilespmem:s6+$0xFFFFF7C0] =	vst v1  }
0xfa: {  	v1 =	vld [tilespmem:s5+$0xFFFFFF60];
	[tilespmem:s6+$0xFFFFF7D0] =	vst v2  }
0xfb: {  	v2 =	vld [tilespmem:s5+$0xFFFFFF70];
	[tilespmem:s6+$0xFFFFF7E0] =	vst v3  }
0xfc: {  	v3 =	vld [tilespmem:s5+$0xFFFFFF80];
	[tilespmem:s6+$0xFFFFF7F0] =	vst v4  }
0xfd: {  	v4 =	vld [tilespmem:s5+$0xFFFFFF90];
	[tilespmem:s6+$0xFFFFF800] =	vst v5  }
0xfe: {  	v5 =	vld [tilespmem:s7+$0x1A780];
	[tilespmem:s6+$0xFFFFF810] =	vst v6  }
0xff: {  	v6 =	vld [tilespmem:s5+$0xFFFFFFB0];
	[tilespmem:s6+$0xFFFFFBA0] =	vst v7  }
0x100: {  	v7 =	vld [tilespmem:s5+$0xFFFFFFC0];
	[tilespmem:s6+$0xFFFFFBB0] =	vst v8  }
0x101: {  	v8 =	vld.idx.msk [tilespmem:v62+s4+$0x0], $0xffff  }
0x102: {  	v9 =	vld.idx.msk [tilespmem:v9+s4+$0x0], $0xffff  }
0x103: {  	v63 =	vld [tilespmem:s5+$0xFFFFFFD0]  }
0x104: {  	v1 =	vld.idx.msk [tilespmem:v1+s4+$0x0], $0xffff  }
0x105: {  	v2 =	vld.idx.msk [tilespmem:v2+s4+$0x0], $0xffff  }
0x106: {  	v3 =	vld.idx.msk [tilespmem:v3+s4+$0x0], $0xffff  }
0x107: {  	v4 =	vld.idx.msk [tilespmem:v4+s4+$0x0], $0xffff  }
0x108: {  	v5 =	vld.idx.msk [tilespmem:v5+s4+$0x0], $0xffff  }
0x109: {  	v6 =	vld.idx.msk [tilespmem:v6+s4+$0x0], $0xffff  }
0x10a: {  	v7 =	vld.idx.msk [tilespmem:v7+s4+$0x0], $0xffff;
	[tilespmem:s6+$0xFFFFFBC0] =	vst v8  }
0x10b: {  	v8 =	vld [tilespmem:s5+$0xFFFFFFE0];
	[tilespmem:s6+$0xFFFFFBD0] =	vst v9  }
0x10c: {  	v9 =	vld [tilespmem:s5+$0xFFFFFFF0];
	[tilespmem:s6+$0xFFFFFBE0] =	vst v1  }
0x10d: {  	v1 =	vld [tilespmem:s5+$0x0];
	[tilespmem:s6+$0xFFFFFBF0] =	vst v2  }
0x10e: {  	[tilespmem:s6+$0xFFFFFC00] =	vst v3  }
0x10f: {  	[tilespmem:s6+$0xFFFFFC10] =	vst v4  }
0x110: {  	[tilespmem:s6+$0xFFFFFFA0] =	vst v5  }
0x111: {  	[tilespmem:s6+$0xFFFFFFB0] =	vst v6  }
0x112: {  	[tilespmem:s6+$0xFFFFFFC0] =	vst v7  }
0x113: {  	v2 =	vld.idx.msk [tilespmem:v63+s4+$0x0], $0xffff  }
0x114: {  	v3 =	vld.idx.msk [tilespmem:v8+s4+$0x0], $0xffff  }
0x115: {  	v4 =	vld.idx.msk [tilespmem:v9+s4+$0x0], $0xffff  }
0x116: {  	p0 =	sne.s32 s18, $0xD90;
	v1 =	vld.idx.msk [tilespmem:v1+s4+$0x0], $0xffff  }
.Ltmp2:
0x117: {  	_ = 	snop;
	(pc) =	sbr.rel @p0 .LBB2_8-.Ltmp2, $4  }
0x118: {  	[tilespmem:s6+$0xFFFFFFD0] =	vst v2  }
0x119: {  	[tilespmem:s6+$0xFFFFFFE0] =	vst v3  }
0x11a: {  	[tilespmem:s6+$0xFFFFFFF0] =	vst v4  }
0x11b: {  	s18 =	sadd.s32 $0x1F0, s18;
	s5 =	sadd.s32 $0x1F0, s5;
	[tilespmem:s6+$0x0] =	vst v1;
	s6 =	sadd.s32 $0x80, s6  }
0x11c: {  	s5 =	sadd.s32 @!p1 s17, s14;
	s6 =	simm.s32 @!p1 $0x0;
	s0 =	sadd.s32 $0x1, s0  }
0x11d: {  	s7 =	simm.s32 @!p1 $0x1A600;
	s5 =	sshrl.u32 @!p1 s5, $0x3;
	p0 =	sne.s32 s0, $0x12  }
.Ltmp3:
0x11e: {  	s18 =	sadd.s32 s29, s16;
	s5 =	sadd.s32 @!p1 s1, s5;
	(pc) =	sbr.rel @p0 .LBB2_3-.Ltmp3, $4  }
0x11f: {  	[tilespmem:s7], [sflag:$0x3] =	stream.linear.gather @!p1 [hbm4b:s5+s6], $0xF80, $0x38;
	[tilespmem:$0x1E580] =	vst v63  }
0x120: {  	s5 =	sshrl.u32 s18, $0x3  }
0x121: {  	s5 =	sadd.s32 s3, s5  }
0x122: {  	[hbm4b:s5+s4] =	stream.linear.scatter [tilespmem:s24], [sflag:$0x6], $0x1000, $0x38;
	[tilespmem:$0x1E580] =	vst v63  }
0x123: {  	p0 =	seq.s32 s30, $0x7  }
0x124: {  	s0 =	smul.u32 @!p0 $0x186A0, s31;
	_ =	sdelay $0x1  }
0x125: {  	s0 =	sshrl.u32 @!p0 s0, $0x3  }
0x126: {  	s0 =	sadd.s32 @!p0 s8, s0  }
0x127: {  	s2 =	simm.s32 @!p0 $0x0;
	s0 =	sadd.s32 @!p0 $0x30D4, s0  }
0x128: {  	[tilespmem:s2], [sflag:$0x7] =	stream.linear.gather @!p0 [hbm4b:s0+s2], $0x186A0, $0x38;
	[tilespmem:$0x1E580] =	vst v63  }
0x129: {  	_ =	swait.ge [sflag:s25], $0x1000  }
0x12a: {  	[sflag:s25] =	ssyncset.done $0x0  }
0x12b: {  	s30 =	sadd.s32 $0x1, s30;
	[sflag:s25] =	ssyncadd.s32 $0xFFFFF000  }
0x12c: {  	p0 =	sne.s32 s30, $0x8;
	_ =	swait.ge [sflag:s26], $0x1000  }
.Ltmp4:
0x12d: {  	[sflag:s26] =	ssyncset.done $0x0;
	(pc) =	sbr.rel @p0 .LBB2_2-.Ltmp4, $4  }
0x12e: {  	[sflag:s26] =	ssyncadd.s32 $0xFFFFF000  }
0x12f: {  	_ =	swait.ge [sflag:s28], $0x1000  }
0x130: {  	[sflag:s28] =	ssyncset.done $0x0  }
0x131: {  	[sflag:s28] =	ssyncadd.s32 $0xFFFFF000  }
0x132: {  	s2 =	rddreg [dreg:$0x7]  }
0x133: {  	s0 =	rddreg [dreg:$0x6];
	s2 =	sadd.s32 $0x1, s2  }
0x134: {  	p0 =	sne.s32 s2, s0  }
.Ltmp5:
0x135: {  	_ = 	snop;
	(pc) =	sbr.rel @p0 .LBB2_1-.Ltmp5, $1  }
0x136: {  	_ =	sdelay $0x3  }
0x137: {  	_ =	sfence.sel $0x180000  }
0x138: {  	[bflag:$0x0] =	sbarrier.arrive $0xFFFF  }
0x139: {  	_ =	strace $0x9000004A  }
0x13a: {  	s0 =	stileid.u32;
	[bflag:$0x2] =	sbarrier.arrive $0xFFFF  }
0x13b: {  	p0 =	sne.s32 s0, $0x0;
	s0 =	rddreg [dreg:$0x2]  }
0x13c: {  	s0 =	sadd.s32 @!p0 $0x100000, s0  }
0x13d: {  	[sflag:s0] =	ssyncadd.tile.s32 @!p0 $0x1;
	_ =	shalt  }
.Lfunc_end2:
_tile_overlayer_lowered:
.L_overlay_start_2:
0x13e: {  	(tag) =	ssettag $0x2  }
0x13f: {  	s0 =	rddreg [dreg:$0x0];
	s2 =	stileid.u32  }
0x140: {  	s1 =	rddreg [dreg:$0x1];
	p0 =	sne.s32 s2, $0x0  }
0x141: {  	s3 =	rddreg [dreg:$0x2];
	[bflag:$0x3] =	sbarrier.arrive $0xFFFF;
	s2 =	simm.s32 @!p0 $0x1C08  }
0x142: {  	[timem:s3], [sflag:s2] =	dma.local @!p0 [hbm:s0], s1  }
0x143: {  	s0 =	simm.s32 @!p0 $0x8  }
0x144: {  	_ =	swait.ge @!p0 [sflag:s0], s1  }
0x145: {  	s1 =	ssub.s32 @!p0 $0x0, s1;
	[sflag:s0] =	ssyncset.done @!p0 $0x0  }
0x146: {  	[sflag:s0] =	ssyncadd.s32 @!p0 s1  }
0x147: {  	[bflag:$0x3] =	sbarrier.arrive $0xFFFF  }
0x148: {  	_ =	shalt  }

</sc_bundles>
